<compile_context>
chip_gen: v7x
topology: tpu7x:2x2x1
jax: 0.10.2.dev20260603
libtpu: 0.0.44.dev20260713+nightly
codegen_flags: <defaults>
</compile_context>

<pallas_src>
import functools

import jax
import jax.numpy as jnp
from jax import lax
from jax.experimental import pallas as pl
from jax.experimental.pallas import tpu as pltpu
from jax.experimental.pallas import tpu_sc as plsc

N = 10000
E = 320000
F = 128
FH = F // 2
NC = 2
NS = 16
B = 125
EPS = E // NS
KB = EPS // B
NBUF = 4
RPS = 624
TAIL = N - NS * RPS
DW = 16

_mesh = plsc.VectorSubcoreMesh(
    core_axis_name="c", subcore_axis_name="s", num_cores=NC, num_subcores=NS)


def _rows_copy(src_ref, dst_ref, sid):
    pltpu.sync_copy(src_ref.at[pl.ds(sid * RPS, RPS)],
                    dst_ref.at[pl.ds(sid * RPS, RPS)])

    @pl.when(sid == 0)
    def _():
        pltpu.sync_copy(src_ref.at[pl.ds(NS * RPS, TAIL)],
                        dst_ref.at[pl.ds(NS * RPS, TAIL)])


@functools.partial(
    pl.kernel,
    out_type=jax.ShapeDtypeStruct((NC, N, DW), jnp.float32),
    mesh=_mesh,
    compiler_params=pltpu.CompilerParams(use_tc_tiling_on_sc=False),
    scratch_types=[
        pltpu.VMEM((KB // 2, B), jnp.int32),
        pltpu.VMEM((B, DW), jnp.float32),
        pltpu.VMEM_SHARED((N, DW), jnp.float32),
    ],
)
def _deg_sc(eidx_hbm, ones_hbm, zeros_hbm, out_hbm, dst_v, ones_v, acc):
    cid = lax.axis_index("c")
    sid = lax.axis_index("s")
    wid = cid * NS + sid
    _rows_copy(zeros_hbm, acc, sid)
    pltpu.sync_copy(eidx_hbm.at[1].at[pl.ds(wid * (KB // 2), KB // 2)], dst_v)
    pltpu.sync_copy(ones_hbm, ones_v)
    plsc.subcore_barrier()

    def body(j, _):
        pltpu.sync_copy(ones_v, acc.at[dst_v.at[j]], add=True)
        return 0

    lax.fori_loop(0, KB // 2, body, 0)
    plsc.subcore_barrier()
    _rows_copy(acc, out_hbm.at[cid], sid)


@functools.partial(
    pl.kernel,
    out_type=jax.ShapeDtypeStruct((NC, N, FH), jnp.float32),
    mesh=_mesh,
    compiler_params=pltpu.CompilerParams(use_tc_tiling_on_sc=False),
    scratch_types=[
        pltpu.VMEM((KB, B), jnp.int32),
        pltpu.VMEM((KB, B), jnp.int32),
        pltpu.VMEM((NBUF, B, FH), jnp.float32),
        pltpu.VMEM_SHARED((N, FH), jnp.float32),
        pltpu.SemaphoreType.DMA((NBUF,)),
        pltpu.SemaphoreType.DMA((NBUF,)),
    ],
)
def _spmm_sc(g_hbm, eidx_hbm, out_hbm,
             src_v, dst_v, bufs, acc, gsem, ssem):
    cid = lax.axis_index("c")
    sid = lax.axis_index("s")
    gh = g_hbm.at[cid]
    _rows_copy(gh, acc, sid)
    pltpu.sync_copy(eidx_hbm.at[0].at[pl.ds(sid * KB, KB)], src_v)
    pltpu.sync_copy(eidx_hbm.at[1].at[pl.ds(sid * KB, KB)], dst_v)
    plsc.subcore_barrier()

    for b in range(NBUF):
        pltpu.async_copy(gh.at[src_v.at[b]], bufs.at[b], gsem.at[b])

    def body(i, _):
        for b in range(NBUF):
            j = i * NBUF + b
            pltpu.make_async_copy(
                gh.at[src_v.at[j]], bufs.at[b], gsem.at[b]).wait()
            pltpu.async_copy(bufs.at[b], acc.at[dst_v.at[j]], ssem.at[b],
                             add=True)
            c = (b - NBUF // 2) % NBUF
            k = j - NBUF // 2

            @pl.when(jnp.logical_and(k >= 0, k + NBUF < KB))
            def _():
                pltpu.make_async_copy(
                    bufs.at[c], acc.at[dst_v.at[k]], ssem.at[c]).wait()
                pltpu.async_copy(
                    gh.at[src_v.at[k + NBUF]], bufs.at[c], gsem.at[c])

        return 0

    lax.fori_loop(0, KB // NBUF, body, 0)
    for b in range(NBUF):
        pltpu.make_async_copy(
            bufs.at[b], acc.at[dst_v.at[KB - NBUF + b]], ssem.at[b]).wait()

    plsc.subcore_barrier()
    _rows_copy(acc, out_hbm.at[cid], sid)


_R = 2000


def _dinv_of(degp_blk):
    deg = degp_blk[0] + degp_blk[1]
    return lax.rsqrt(deg[:, :1] + 1.0)


def _halves(rows):
    return jnp.stack([rows[:, :FH], rows[:, FH:]], axis=0)


def _cat(sp_ref):
    return jnp.concatenate([sp_ref[0], sp_ref[1]], axis=1)


def _tc_in_body(x_ref, w1_ref, b1_ref, wc1_ref, degp_ref, g1_ref):
    h0 = jnp.dot(x_ref[...], w1_ref[...],
                 preferred_element_type=jnp.float32) + b1_ref[...]
    g1_ref[...] = _halves(_dinv_of(degp_ref) * jnp.dot(
        h0, wc1_ref[...], preferred_element_type=jnp.float32))


def _tc_mid_body(sp_ref, degp_ref, b_ref, w_ref, out_ref):
    dinv = _dinv_of(degp_ref)
    h = jax.nn.relu(dinv * _cat(sp_ref) + b_ref[...])
    out_ref[...] = _halves(
        dinv * jnp.dot(h, w_ref[...], preferred_element_type=jnp.float32))


def _tc_out_body(sp_ref, degp_ref, b_ref, out_ref):
    out_ref[...] = jax.nn.relu(
        _dinv_of(degp_ref) * _cat(sp_ref) + b_ref[...])


_row_spec = pl.BlockSpec((_R, F), lambda i: (i, 0))
_mat_spec = pl.BlockSpec((F, F), lambda i: (0, 0))
_bias_spec = pl.BlockSpec((1, F), lambda i: (0, 0))
_degp_spec = pl.BlockSpec((NC, _R, DW), lambda i: (0, i, 0))
_half_spec = pl.BlockSpec((NC, _R, FH), lambda i: (0, i, 0))
_grid = (N // _R,)
_half_out = jax.ShapeDtypeStruct((NC, N, FH), jnp.float32)

_tc_in = pl.pallas_call(
    _tc_in_body, grid=_grid,
    in_specs=[_row_spec, _mat_spec, _bias_spec, _mat_spec, _degp_spec],
    out_specs=_half_spec, out_shape=_half_out)

_tc_mid = pl.pallas_call(
    _tc_mid_body, grid=_grid,
    in_specs=[_half_spec, _degp_spec, _bias_spec, _mat_spec],
    out_specs=_half_spec, out_shape=_half_out)

_tc_out = pl.pallas_call(
    _tc_out_body, grid=_grid,
    in_specs=[_half_spec, _degp_spec, _bias_spec],
    out_specs=_row_spec, out_shape=jax.ShapeDtypeStruct((N, F), jnp.float32))


def kernel(x, edge_index, edge_attr, W1, b1, We, be, Wc1, bc1, Wc2, bc2):
    del edge_attr, We, be
    eidx = edge_index.reshape(2, NS * KB, B)
    ones = jnp.ones((B, DW), jnp.float32)
    zeros = jnp.zeros((N, DW), jnp.float32)

    degp = _deg_sc(eidx, ones, zeros)
    g1 = _tc_in(x, W1, b1.reshape(1, F), Wc1, degp)
    s1 = _spmm_sc(g1, eidx)
    g2 = _tc_mid(s1, degp, bc1.reshape(1, F), Wc2)
    s2 = _spmm_sc(g2, eidx)
    return _tc_out(s2, degp, bc2.reshape(1, F))

# --- scband reference (transcript-rebuilt; emitter-appended) ---
"""Pipeline reference for scband-gnnbackbone-1984274891289 (READ-ONLY COPY).

The authoritative reference and input builder live on the scoring server;
editing this copy changes nothing except your own understanding.
"""

import jax, jax.numpy as jnp
import numpy as np

N = 10000
E = 320000
IN_NF = 128
IN_EF = 16
HID = 128


def setup_inputs(seed: int = 0) -> dict:
    key = jax.random.key(seed)
    ks = jax.random.split(key, 12)
    s = 0.05
    x = jax.random.normal(ks[0], (N, IN_NF), dtype=jnp.float32)
    edge_index = jax.random.randint(ks[1], (2, E), 0, N, dtype=jnp.int32)
    edge_attr = jax.random.normal(ks[2], (E, IN_EF), dtype=jnp.float32)
    W1 = jax.random.normal(ks[3], (IN_NF, HID), dtype=jnp.float32) * s
    b1 = jnp.zeros((HID,), dtype=jnp.float32)
    We = jax.random.normal(ks[4], (IN_EF, HID), dtype=jnp.float32) * s
    be = jnp.zeros((HID,), dtype=jnp.float32)
    Wc1 = jax.random.normal(ks[5], (HID, HID), dtype=jnp.float32) * s
    bc1 = jnp.zeros((HID,), dtype=jnp.float32)
    Wc2 = jax.random.normal(ks[6], (HID, HID), dtype=jnp.float32) * s
    bc2 = jnp.zeros((HID,), dtype=jnp.float32)
    return {"x": x, "edge_index": edge_index, "edge_attr": edge_attr,
            "W1": W1, "b1": b1, "We": We, "be": be,
            "Wc1": Wc1, "bc1": bc1, "Wc2": Wc2, "bc2": bc2}


def _gcn_conv(h, src, dst, W, b):
    # PyG GCNConv semantics: x' = D^{-1/2} (A + I) D^{-1/2} (X W) + b
    hW = h @ W
    deg = jnp.zeros((N,), dtype=h.dtype).at[dst].add(1.0)
    dinv = jnp.where(deg > 0, 1.0 / jnp.sqrt(deg), 0.0)
    norm = dinv[src] * dinv[dst]
    msgs = hW[src] * norm[:, None]
    out = jnp.zeros((N, hW.shape[1]), dtype=h.dtype).at[dst].add(msgs)
    return out + b


def reference(x, edge_index, edge_attr, W1, b1, We, be, Wc1, bc1, Wc2, bc2):
    loops = jnp.arange(N, dtype=edge_index.dtype)
    src = jnp.concatenate([edge_index[0], loops])
    dst = jnp.concatenate([edge_index[1], loops])
    h = x @ W1 + b1
    e = edge_attr @ We + be  # computed as in the original forward, but unused downstream
    h = jax.nn.relu(_gcn_conv(h, src, dst, Wc1, bc1))
    h = jax.nn.relu(_gcn_conv(h, src, dst, Wc2, bc2))
    return h

if __name__ == "__main__":
    import jax
    _d = setup_inputs()
    print(jax.jit(kernel)(*tuple(_d.values())))

</pallas_src>

<mosaic_0001>
#map = affine_map<(d0, d1) -> (0, 0, 0)>
module attributes {stable_mosaic.version = 14 : i64} {
  func.func @_spmm_sc(%arg0: i32, %arg1: i32, %arg2: memref<2x10000x64xf32, #tpu.memory_space<hbm>>, %arg3: memref<2x2560x125xi32, #tpu.memory_space<hbm>>, %arg4: memref<2x10000x64xf32, #tpu.memory_space<hbm>>, %arg5: memref<160x125xi32, #tpu.memory_space<vmem>>, %arg6: memref<160x125xi32, #tpu.memory_space<vmem>>, %arg7: memref<4x125x64xf32, #tpu.memory_space<vmem>>, %arg8: memref<10000x64xf32, #tpu.memory_space<vmem_shared>>, %arg9: memref<4x!tpu.dma_semaphore, #tpu.memory_space<semaphore_mem>>, %arg10: memref<4x!tpu.dma_semaphore, #tpu.memory_space<semaphore_mem>>) attributes {dimension_semantics = [#tpu.dimension_semantics<core_parallel>, #tpu.dimension_semantics<subcore_parallel>], iteration_bounds = array<i64: 2, 16>, scalar_prefetch = 0 : i64, scratch_operands = 6 : i64, tpu.core_type = #tpu.core_type<sc_vector_subcore>, window_params = [{transform_indices = #map}, {transform_indices = #map}, {transform_indices = #map}]} {
    %mul3A = arith.constant 624 : i32
    %mul3A_0 = arith.muli %arg1, %mul3A : i32
    %mul3A_1 = arith.constant 624 : i32
    %mul3A_2 = arith.muli %arg1, %mul3A_1 : i32
    "tpu.region"() ({
      %run_scoped3A_160 = tpu.sem_alloc : memref<!tpu.dma_semaphore, #tpu.memory_space<semaphore_mem>>
      %dma_start3A_161 = arith.constant 0 : i32
      %dma_start3A_162 = tpu.memref_slice %arg8[%mul3A_2, %dma_start3A_161] : memref<10000x64xf32, #tpu.memory_space<vmem_shared>> -> memref<624x64xf32, #tpu.memory_space<vmem_shared>>
      %dma_start3A_163 = arith.constant 0 : i32
      %dma_start3A_164 = arith.constant 0 : i32
      %dma_start3A_165 = tpu.memref_slice %arg2[%arg0, %dma_start3A_163, %dma_start3A_164] : memref<2x10000x64xf32, #tpu.memory_space<hbm>> -> memref<1x10000x64xf32, #tpu.memory_space<hbm>>
      %dma_start3A_166 = tpu.memref_squeeze %dma_start3A_165 : memref<1x10000x64xf32, #tpu.memory_space<hbm>> -> memref<10000x64xf32, #tpu.memory_space<hbm>>
      %dma_start3A_167 = arith.constant 0 : i32
      %dma_start3A_168 = tpu.memref_slice %dma_start3A_166[%mul3A_0, %dma_start3A_167] : memref<10000x64xf32, #tpu.memory_space<hbm>> -> memref<624x64xf32, #tpu.memory_space<hbm>>
      tpu.enqueue_dma source(%dma_start3A_168 : memref<624x64xf32, #tpu.memory_space<hbm>>) target(%dma_start3A_162 : memref<624x64xf32, #tpu.memory_space<vmem_shared>>) target_semaphore(%run_scoped3A_160 : memref<!tpu.dma_semaphore, #tpu.memory_space<semaphore_mem>>)
      %dma_wait3A_169 = arith.constant 0 : i32
      %dma_wait3A_170 = tpu.memref_slice %arg8[%mul3A_2, %dma_wait3A_169] : memref<10000x64xf32, #tpu.memory_space<vmem_shared>> -> memref<624x64xf32, #tpu.memory_space<vmem_shared>>
      %dma_wait3A_171 = arith.constant 0 : i32
      %dma_wait3A_172 = arith.constant 0 : i32
      %dma_wait3A_173 = tpu.memref_slice %arg2[%arg0, %dma_wait3A_171, %dma_wait3A_172] : memref<2x10000x64xf32, #tpu.memory_space<hbm>> -> memref<1x10000x64xf32, #tpu.memory_space<hbm>>
      %dma_wait3A_174 = tpu.memref_squeeze %dma_wait3A_173 : memref<1x10000x64xf32, #tpu.memory_space<hbm>> -> memref<10000x64xf32, #tpu.memory_space<hbm>>
      %dma_wait3A_175 = arith.constant 0 : i32
      %dma_wait3A_176 = tpu.memref_slice %dma_wait3A_174[%mul3A_0, %dma_wait3A_175] : memref<10000x64xf32, #tpu.memory_space<hbm>> -> memref<624x64xf32, #tpu.memory_space<hbm>>
      tpu.wait_dma2 semaphore(%run_scoped3A_160 : memref<!tpu.dma_semaphore, #tpu.memory_space<semaphore_mem>>) src(%dma_wait3A_176 : memref<624x64xf32, #tpu.memory_space<hbm>>) dst(%dma_wait3A_170 : memref<624x64xf32, #tpu.memory_space<vmem_shared>>)
      tpu.yield
    }) : () -> ()
    %eq3A = arith.constant 0 : i32
    %eq3A_3 = arith.cmpi eq, %arg1, %eq3A : i32
    %convert_element_type3A = arith.extui %eq3A_3 : i1 to i32
    %cond3A = arith.constant 0 : i32
    %cond3A_4 = arith.cmpi ne, %convert_element_type3A, %cond3A : i32
    scf.if %cond3A_4 {
      "tpu.region"() ({
        %run_scoped3A_160 = tpu.sem_alloc : memref<!tpu.dma_semaphore, #tpu.memory_space<semaphore_mem>>
        %dma_start3A_161 = arith.constant 9984 : i32
        %dma_start3A_162 = arith.constant 0 : i32
        %dma_start3A_163 = tpu.memref_slice %arg8[%dma_start3A_161, %dma_start3A_162] : memref<10000x64xf32, #tpu.memory_space<vmem_shared>> -> memref<16x64xf32, #tpu.memory_space<vmem_shared>>
        %dma_start3A_164 = arith.constant 0 : i32
        %dma_start3A_165 = arith.constant 0 : i32
        %dma_start3A_166 = tpu.memref_slice %arg2[%arg0, %dma_start3A_164, %dma_start3A_165] : memref<2x10000x64xf32, #tpu.memory_space<hbm>> -> memref<1x10000x64xf32, #tpu.memory_space<hbm>>
        %dma_start3A_167 = tpu.memref_squeeze %dma_start3A_166 : memref<1x10000x64xf32, #tpu.memory_space<hbm>> -> memref<10000x64xf32, #tpu.memory_space<hbm>>
        %dma_start3A_168 = arith.constant 9984 : i32
        %dma_start3A_169 = arith.constant 0 : i32
        %dma_start3A_170 = tpu.memref_slice %dma_start3A_167[%dma_start3A_168, %dma_start3A_169] : memref<10000x64xf32, #tpu.memory_space<hbm>> -> memref<16x64xf32, #tpu.memory_space<hbm>>
        tpu.enqueue_dma source(%dma_start3A_170 : memref<16x64xf32, #tpu.memory_space<hbm>>) target(%dma_start3A_163 : memref<16x64xf32, #tpu.memory_space<vmem_shared>>) target_semaphore(%run_scoped3A_160 : memref<!tpu.dma_semaphore, #tpu.memory_space<semaphore_mem>>)
        %dma_wait3A_171 = arith.constant 9984 : i32
        %dma_wait3A_172 = arith.constant 0 : i32
        %dma_wait3A_173 = tpu.memref_slice %arg8[%dma_wait3A_171, %dma_wait3A_172] : memref<10000x64xf32, #tpu.memory_space<vmem_shared>> -> memref<16x64xf32, #tpu.memory_space<vmem_shared>>
        %dma_wait3A_174 = arith.constant 0 : i32
        %dma_wait3A_175 = arith.constant 0 : i32
        %dma_wait3A_176 = tpu.memref_slice %arg2[%arg0, %dma_wait3A_174, %dma_wait3A_175] : memref<2x10000x64xf32, #tpu.memory_space<hbm>> -> memref<1x10000x64xf32, #tpu.memory_space<hbm>>
        %dma_wait3A_177 = tpu.memref_squeeze %dma_wait3A_176 : memref<1x10000x64xf32, #tpu.memory_space<hbm>> -> memref<10000x64xf32, #tpu.memory_space<hbm>>
        %dma_wait3A_178 = arith.constant 9984 : i32
        %dma_wait3A_179 = arith.constant 0 : i32
        %dma_wait3A_180 = tpu.memref_slice %dma_wait3A_177[%dma_wait3A_178, %dma_wait3A_179] : memref<10000x64xf32, #tpu.memory_space<hbm>> -> memref<16x64xf32, #tpu.memory_space<hbm>>
        tpu.wait_dma2 semaphore(%run_scoped3A_160 : memref<!tpu.dma_semaphore, #tpu.memory_space<semaphore_mem>>) src(%dma_wait3A_180 : memref<16x64xf32, #tpu.memory_space<hbm>>) dst(%dma_wait3A_173 : memref<16x64xf32, #tpu.memory_space<vmem_shared>>)
        tpu.yield
      }) : () -> ()
    } else {
    }
    %mul3A_5 = arith.constant 160 : i32
    %mul3A_6 = arith.muli %arg1, %mul3A_5 : i32
    %run_scoped3A = arith.constant 0 : i32
    "tpu.region"() ({
      %run_scoped3A_160 = tpu.sem_alloc : memref<!tpu.dma_semaphore, #tpu.memory_space<semaphore_mem>>
      %dma_start3A_161 = arith.constant 0 : i32
      %dma_start3A_162 = arith.constant 0 : i32
      %dma_start3A_163 = tpu.memref_slice %arg3[%run_scoped3A, %dma_start3A_161, %dma_start3A_162] : memref<2x2560x125xi32, #tpu.memory_space<hbm>> -> memref<1x2560x125xi32, #tpu.memory_space<hbm>>
      %dma_start3A_164 = tpu.memref_squeeze %dma_start3A_163 : memref<1x2560x125xi32, #tpu.memory_space<hbm>> -> memref<2560x125xi32, #tpu.memory_space<hbm>>
      %dma_start3A_165 = arith.constant 0 : i32
      %dma_start3A_166 = tpu.memref_slice %dma_start3A_164[%mul3A_6, %dma_start3A_165] : memref<2560x125xi32, #tpu.memory_space<hbm>> -> memref<160x125xi32, #tpu.memory_space<hbm>>
      %dma_start3A_167 = arith.constant 0 : i32
      %dma_start3A_168 = arith.constant 0 : i32
      %dma_start3A_169 = tpu.memref_slice %arg3[%run_scoped3A, %dma_start3A_167, %dma_start3A_168] : memref<2x2560x125xi32, #tpu.memory_space<hbm>> -> memref<1x2560x125xi32, #tpu.memory_space<hbm>>
      %dma_start3A_170 = tpu.memref_squeeze %dma_start3A_169 : memref<1x2560x125xi32, #tpu.memory_space<hbm>> -> memref<2560x125xi32, #tpu.memory_space<hbm>>
      %dma_start3A_171 = arith.constant 0 : i32
      %dma_start3A_172 = tpu.memref_slice %dma_start3A_170[%mul3A_6, %dma_start3A_171] : memref<2560x125xi32, #tpu.memory_space<hbm>> -> memref<160x125xi32, #tpu.memory_space<hbm>>
      tpu.enqueue_dma source(%dma_start3A_172 : memref<160x125xi32, #tpu.memory_space<hbm>>) target(%arg5 : memref<160x125xi32, #tpu.memory_space<vmem>>) target_semaphore(%run_scoped3A_160 : memref<!tpu.dma_semaphore, #tpu.memory_space<semaphore_mem>>)
      %dma_wait3A_173 = arith.constant 0 : i32
      %dma_wait3A_174 = arith.constant 0 : i32
      %dma_wait3A_175 = tpu.memref_slice %arg3[%run_scoped3A, %dma_wait3A_173, %dma_wait3A_174] : memref<2x2560x125xi32, #tpu.memory_space<hbm>> -> memref<1x2560x125xi32, #tpu.memory_space<hbm>>
      %dma_wait3A_176 = tpu.memref_squeeze %dma_wait3A_175 : memref<1x2560x125xi32, #tpu.memory_space<hbm>> -> memref<2560x125xi32, #tpu.memory_space<hbm>>
      %dma_wait3A_177 = arith.constant 0 : i32
      %dma_wait3A_178 = tpu.memref_slice %dma_wait3A_176[%mul3A_6, %dma_wait3A_177] : memref<2560x125xi32, #tpu.memory_space<hbm>> -> memref<160x125xi32, #tpu.memory_space<hbm>>
      %dma_wait3A_179 = arith.constant 0 : i32
      %dma_wait3A_180 = arith.constant 0 : i32
      %dma_wait3A_181 = tpu.memref_slice %arg3[%run_scoped3A, %dma_wait3A_179, %dma_wait3A_180] : memref<2x2560x125xi32, #tpu.memory_space<hbm>> -> memref<1x2560x125xi32, #tpu.memory_space<hbm>>
      %dma_wait3A_182 = tpu.memref_squeeze %dma_wait3A_181 : memref<1x2560x125xi32, #tpu.memory_space<hbm>> -> memref<2560x125xi32, #tpu.memory_space<hbm>>
      %dma_wait3A_183 = arith.constant 0 : i32
      %dma_wait3A_184 = tpu.memref_slice %dma_wait3A_182[%mul3A_6, %dma_wait3A_183] : memref<2560x125xi32, #tpu.memory_space<hbm>> -> memref<160x125xi32, #tpu.memory_space<hbm>>
      tpu.wait_dma2 semaphore(%run_scoped3A_160 : memref<!tpu.dma_semaphore, #tpu.memory_space<semaphore_mem>>) src(%dma_wait3A_184 : memref<160x125xi32, #tpu.memory_space<hbm>>) dst(%arg5 : memref<160x125xi32, #tpu.memory_space<vmem>>)
      tpu.yield
    }) : () -> ()
    %mul3A_7 = arith.constant 160 : i32
    %mul3A_8 = arith.muli %arg1, %mul3A_7 : i32
    %run_scoped3A_9 = arith.constant 1 : i32
    "tpu.region"() ({
      %run_scoped3A_160 = tpu.sem_alloc : memref<!tpu.dma_semaphore, #tpu.memory_space<semaphore_mem>>
      %dma_start3A_161 = arith.constant 0 : i32
      %dma_start3A_162 = arith.constant 0 : i32
      %dma_start3A_163 = tpu.memref_slice %arg3[%run_scoped3A_9, %dma_start3A_161, %dma_start3A_162] : memref<2x2560x125xi32, #tpu.memory_space<hbm>> -> memref<1x2560x125xi32, #tpu.memory_space<hbm>>
      %dma_start3A_164 = tpu.memref_squeeze %dma_start3A_163 : memref<1x2560x125xi32, #tpu.memory_space<hbm>> -> memref<2560x125xi32, #tpu.memory_space<hbm>>
      %dma_start3A_165 = arith.constant 0 : i32
      %dma_start3A_166 = tpu.memref_slice %dma_start3A_164[%mul3A_8, %dma_start3A_165] : memref<2560x125xi32, #tpu.memory_space<hbm>> -> memref<160x125xi32, #tpu.memory_space<hbm>>
      %dma_start3A_167 = arith.constant 0 : i32
      %dma_start3A_168 = arith.constant 0 : i32
      %dma_start3A_169 = tpu.memref_slice %arg3[%run_scoped3A_9, %dma_start3A_167, %dma_start3A_168] : memref<2x2560x125xi32, #tpu.memory_space<hbm>> -> memref<1x2560x125xi32, #tpu.memory_space<hbm>>
      %dma_start3A_170 = tpu.memref_squeeze %dma_start3A_169 : memref<1x2560x125xi32, #tpu.memory_space<hbm>> -> memref<2560x125xi32, #tpu.memory_space<hbm>>
      %dma_start3A_171 = arith.constant 0 : i32
      %dma_start3A_172 = tpu.memref_slice %dma_start3A_170[%mul3A_8, %dma_start3A_171] : memref<2560x125xi32, #tpu.memory_space<hbm>> -> memref<160x125xi32, #tpu.memory_space<hbm>>
      tpu.enqueue_dma source(%dma_start3A_172 : memref<160x125xi32, #tpu.memory_space<hbm>>) target(%arg6 : memref<160x125xi32, #tpu.memory_space<vmem>>) target_semaphore(%run_scoped3A_160 : memref<!tpu.dma_semaphore, #tpu.memory_space<semaphore_mem>>)
      %dma_wait3A_173 = arith.constant 0 : i32
      %dma_wait3A_174 = arith.constant 0 : i32
      %dma_wait3A_175 = tpu.memref_slice %arg3[%run_scoped3A_9, %dma_wait3A_173, %dma_wait3A_174] : memref<2x2560x125xi32, #tpu.memory_space<hbm>> -> memref<1x2560x125xi32, #tpu.memory_space<hbm>>
      %dma_wait3A_176 = tpu.memref_squeeze %dma_wait3A_175 : memref<1x2560x125xi32, #tpu.memory_space<hbm>> -> memref<2560x125xi32, #tpu.memory_space<hbm>>
      %dma_wait3A_177 = arith.constant 0 : i32
      %dma_wait3A_178 = tpu.memref_slice %dma_wait3A_176[%mul3A_8, %dma_wait3A_177] : memref<2560x125xi32, #tpu.memory_space<hbm>> -> memref<160x125xi32, #tpu.memory_space<hbm>>
      %dma_wait3A_179 = arith.constant 0 : i32
      %dma_wait3A_180 = arith.constant 0 : i32
      %dma_wait3A_181 = tpu.memref_slice %arg3[%run_scoped3A_9, %dma_wait3A_179, %dma_wait3A_180] : memref<2x2560x125xi32, #tpu.memory_space<hbm>> -> memref<1x2560x125xi32, #tpu.memory_space<hbm>>
      %dma_wait3A_182 = tpu.memref_squeeze %dma_wait3A_181 : memref<1x2560x125xi32, #tpu.memory_space<hbm>> -> memref<2560x125xi32, #tpu.memory_space<hbm>>
      %dma_wait3A_183 = arith.constant 0 : i32
      %dma_wait3A_184 = tpu.memref_slice %dma_wait3A_182[%mul3A_8, %dma_wait3A_183] : memref<2560x125xi32, #tpu.memory_space<hbm>> -> memref<160x125xi32, #tpu.memory_space<hbm>>
      tpu.wait_dma2 semaphore(%run_scoped3A_160 : memref<!tpu.dma_semaphore, #tpu.memory_space<semaphore_mem>>) src(%dma_wait3A_184 : memref<160x125xi32, #tpu.memory_space<hbm>>) dst(%arg6 : memref<160x125xi32, #tpu.memory_space<vmem>>)
      tpu.yield
    }) : () -> ()
    %barrier3A = arith.constant 0 : index
    tpu.barrier barrier_id(%barrier3A)
    %dma_start3A = arith.constant 0 : i32
    %dma_start3A_10 = arith.constant 0 : i32
    %dma_start3A_11 = arith.constant 0 : i32
    %dma_start3A_12 = arith.constant 0 : i32
    %dma_start3A_13 = arith.constant 0 : i32
    %dma_start3A_14 = tpu.memref_slice %arg7[%dma_start3A_10, %dma_start3A_12, %dma_start3A_13] : memref<4x125x64xf32, #tpu.memory_space<vmem>> -> memref<1x125x64xf32, #tpu.memory_space<vmem>>
    %dma_start3A_15 = tpu.memref_squeeze %dma_start3A_14 : memref<1x125x64xf32, #tpu.memory_space<vmem>> -> memref<125x64xf32, #tpu.memory_space<vmem>>
    %dma_start3A_16 = arith.constant 0 : i32
    %dma_start3A_17 = tpu.memref_slice %arg5[%dma_start3A, %dma_start3A_16] : memref<160x125xi32, #tpu.memory_space<vmem>> -> memref<1x125xi32, #tpu.memory_space<vmem>>
    %dma_start3A_18 = tpu.memref_squeeze %dma_start3A_17 : memref<1x125xi32, #tpu.memory_space<vmem>> -> memref<125xi32, #tpu.memory_space<vmem>>
    %dma_start3A_19 = arith.constant 0 : i32
    %dma_start3A_20 = arith.constant 0 : i32
    %dma_start3A_21 = tpu.memref_slice %arg2[%arg0, %dma_start3A_19, %dma_start3A_20] : memref<2x10000x64xf32, #tpu.memory_space<hbm>> -> memref<1x10000x64xf32, #tpu.memory_space<hbm>>
    %dma_start3A_22 = tpu.memref_squeeze %dma_start3A_21 : memref<1x10000x64xf32, #tpu.memory_space<hbm>> -> memref<10000x64xf32, #tpu.memory_space<hbm>>
    %dma_start3A_23 = arith.constant 0 : i32
    %dma_start3A_24 = arith.constant 0 : i32
    %dma_start3A_25 = tpu.memref_slice %dma_start3A_22[%dma_start3A_23, %dma_start3A_24] : memref<10000x64xf32, #tpu.memory_space<hbm>> -> memref<10000x64xf32, #tpu.memory_space<hbm>>
    %dma_start3A_26 = tpu.memref_slice %arg9[%dma_start3A_11] : memref<4x!tpu.dma_semaphore, #tpu.memory_space<semaphore_mem>> -> memref<1x!tpu.dma_semaphore, #tpu.memory_space<semaphore_mem>>
    %dma_start3A_27 = tpu.memref_squeeze %dma_start3A_26 : memref<1x!tpu.dma_semaphore, #tpu.memory_space<semaphore_mem>> -> memref<!tpu.dma_semaphore, #tpu.memory_space<semaphore_mem>>
    tpu.enqueue_indirect_dma source(%dma_start3A_25 : memref<10000x64xf32, #tpu.memory_space<hbm>>) target(%dma_start3A_15 : memref<125x64xf32, #tpu.memory_space<vmem>>) offsets(%dma_start3A_18 : memref<125xi32, #tpu.memory_space<vmem>>) semaphore(%dma_start3A_27 : memref<!tpu.dma_semaphore, #tpu.memory_space<semaphore_mem>>)
    %dma_start3A_28 = arith.constant 1 : i32
    %dma_start3A_29 = arith.constant 1 : i32
    %dma_start3A_30 = arith.constant 1 : i32
    %dma_start3A_31 = arith.constant 0 : i32
    %dma_start3A_32 = arith.constant 0 : i32
    %dma_start3A_33 = tpu.memref_slice %arg7[%dma_start3A_29, %dma_start3A_31, %dma_start3A_32] : memref<4x125x64xf32, #tpu.memory_space<vmem>> -> memref<1x125x64xf32, #tpu.memory_space<vmem>>
    %dma_start3A_34 = tpu.memref_squeeze %dma_start3A_33 : memref<1x125x64xf32, #tpu.memory_space<vmem>> -> memref<125x64xf32, #tpu.memory_space<vmem>>
    %dma_start3A_35 = arith.constant 0 : i32
    %dma_start3A_36 = tpu.memref_slice %arg5[%dma_start3A_28, %dma_start3A_35] : memref<160x125xi32, #tpu.memory_space<vmem>> -> memref<1x125xi32, #tpu.memory_space<vmem>>
    %dma_start3A_37 = tpu.memref_squeeze %dma_start3A_36 : memref<1x125xi32, #tpu.memory_space<vmem>> -> memref<125xi32, #tpu.memory_space<vmem>>
    %dma_start3A_38 = arith.constant 0 : i32
    %dma_start3A_39 = arith.constant 0 : i32
    %dma_start3A_40 = tpu.memref_slice %arg2[%arg0, %dma_start3A_38, %dma_start3A_39] : memref<2x10000x64xf32, #tpu.memory_space<hbm>> -> memref<1x10000x64xf32, #tpu.memory_space<hbm>>
    %dma_start3A_41 = tpu.memref_squeeze %dma_start3A_40 : memref<1x10000x64xf32, #tpu.memory_space<hbm>> -> memref<10000x64xf32, #tpu.memory_space<hbm>>
    %dma_start3A_42 = arith.constant 0 : i32
    %dma_start3A_43 = arith.constant 0 : i32
    %dma_start3A_44 = tpu.memref_slice %dma_start3A_41[%dma_start3A_42, %dma_start3A_43] : memref<10000x64xf32, #tpu.memory_space<hbm>> -> memref<10000x64xf32, #tpu.memory_space<hbm>>
    %dma_start3A_45 = tpu.memref_slice %arg9[%dma_start3A_30] : memref<4x!tpu.dma_semaphore, #tpu.memory_space<semaphore_mem>> -> memref<1x!tpu.dma_semaphore, #tpu.memory_space<semaphore_mem>>
    %dma_start3A_46 = tpu.memref_squeeze %dma_start3A_45 : memref<1x!tpu.dma_semaphore, #tpu.memory_space<semaphore_mem>> -> memref<!tpu.dma_semaphore, #tpu.memory_space<semaphore_mem>>
    tpu.enqueue_indirect_dma source(%dma_start3A_44 : memref<10000x64xf32, #tpu.memory_space<hbm>>) target(%dma_start3A_34 : memref<125x64xf32, #tpu.memory_space<vmem>>) offsets(%dma_start3A_37 : memref<125xi32, #tpu.memory_space<vmem>>) semaphore(%dma_start3A_46 : memref<!tpu.dma_semaphore, #tpu.memory_space<semaphore_mem>>)
    %dma_start3A_47 = arith.constant 2 : i32
    %dma_start3A_48 = arith.constant 2 : i32
    %dma_start3A_49 = arith.constant 2 : i32
    %dma_start3A_50 = arith.constant 0 : i32
    %dma_start3A_51 = arith.constant 0 : i32
    %dma_start3A_52 = tpu.memref_slice %arg7[%dma_start3A_48, %dma_start3A_50, %dma_start3A_51] : memref<4x125x64xf32, #tpu.memory_space<vmem>> -> memref<1x125x64xf32, #tpu.memory_space<vmem>>
    %dma_start3A_53 = tpu.memref_squeeze %dma_start3A_52 : memref<1x125x64xf32, #tpu.memory_space<vmem>> -> memref<125x64xf32, #tpu.memory_space<vmem>>
    %dma_start3A_54 = arith.constant 0 : i32
    %dma_start3A_55 = tpu.memref_slice %arg5[%dma_start3A_47, %dma_start3A_54] : memref<160x125xi32, #tpu.memory_space<vmem>> -> memref<1x125xi32, #tpu.memory_space<vmem>>
    %dma_start3A_56 = tpu.memref_squeeze %dma_start3A_55 : memref<1x125xi32, #tpu.memory_space<vmem>> -> memref<125xi32, #tpu.memory_space<vmem>>
    %dma_start3A_57 = arith.constant 0 : i32
    %dma_start3A_58 = arith.constant 0 : i32
    %dma_start3A_59 = tpu.memref_slice %arg2[%arg0, %dma_start3A_57, %dma_start3A_58] : memref<2x10000x64xf32, #tpu.memory_space<hbm>> -> memref<1x10000x64xf32, #tpu.memory_space<hbm>>
    %dma_start3A_60 = tpu.memref_squeeze %dma_start3A_59 : memref<1x10000x64xf32, #tpu.memory_space<hbm>> -> memref<10000x64xf32, #tpu.memory_space<hbm>>
    %dma_start3A_61 = arith.constant 0 : i32
    %dma_start3A_62 = arith.constant 0 : i32
    %dma_start3A_63 = tpu.memref_slice %dma_start3A_60[%dma_start3A_61, %dma_start3A_62] : memref<10000x64xf32, #tpu.memory_space<hbm>> -> memref<10000x64xf32, #tpu.memory_space<hbm>>
    %dma_start3A_64 = tpu.memref_slice %arg9[%dma_start3A_49] : memref<4x!tpu.dma_semaphore, #tpu.memory_space<semaphore_mem>> -> memref<1x!tpu.dma_semaphore, #tpu.memory_space<semaphore_mem>>
    %dma_start3A_65 = tpu.memref_squeeze %dma_start3A_64 : memref<1x!tpu.dma_semaphore, #tpu.memory_space<semaphore_mem>> -> memref<!tpu.dma_semaphore, #tpu.memory_space<semaphore_mem>>
    tpu.enqueue_indirect_dma source(%dma_start3A_63 : memref<10000x64xf32, #tpu.memory_space<hbm>>) target(%dma_start3A_53 : memref<125x64xf32, #tpu.memory_space<vmem>>) offsets(%dma_start3A_56 : memref<125xi32, #tpu.memory_space<vmem>>) semaphore(%dma_start3A_65 : memref<!tpu.dma_semaphore, #tpu.memory_space<semaphore_mem>>)
    %dma_start3A_66 = arith.constant 3 : i32
    %dma_start3A_67 = arith.constant 3 : i32
    %dma_start3A_68 = arith.constant 3 : i32
    %dma_start3A_69 = arith.constant 0 : i32
    %dma_start3A_70 = arith.constant 0 : i32
    %dma_start3A_71 = tpu.memref_slice %arg7[%dma_start3A_67, %dma_start3A_69, %dma_start3A_70] : memref<4x125x64xf32, #tpu.memory_space<vmem>> -> memref<1x125x64xf32, #tpu.memory_space<vmem>>
    %dma_start3A_72 = tpu.memref_squeeze %dma_start3A_71 : memref<1x125x64xf32, #tpu.memory_space<vmem>> -> memref<125x64xf32, #tpu.memory_space<vmem>>
    %dma_start3A_73 = arith.constant 0 : i32
    %dma_start3A_74 = tpu.memref_slice %arg5[%dma_start3A_66, %dma_start3A_73] : memref<160x125xi32, #tpu.memory_space<vmem>> -> memref<1x125xi32, #tpu.memory_space<vmem>>
    %dma_start3A_75 = tpu.memref_squeeze %dma_start3A_74 : memref<1x125xi32, #tpu.memory_space<vmem>> -> memref<125xi32, #tpu.memory_space<vmem>>
    %dma_start3A_76 = arith.constant 0 : i32
    %dma_start3A_77 = arith.constant 0 : i32
    %dma_start3A_78 = tpu.memref_slice %arg2[%arg0, %dma_start3A_76, %dma_start3A_77] : memref<2x10000x64xf32, #tpu.memory_space<hbm>> -> memref<1x10000x64xf32, #tpu.memory_space<hbm>>
    %dma_start3A_79 = tpu.memref_squeeze %dma_start3A_78 : memref<1x10000x64xf32, #tpu.memory_space<hbm>> -> memref<10000x64xf32, #tpu.memory_space<hbm>>
    %dma_start3A_80 = arith.constant 0 : i32
    %dma_start3A_81 = arith.constant 0 : i32
    %dma_start3A_82 = tpu.memref_slice %dma_start3A_79[%dma_start3A_80, %dma_start3A_81] : memref<10000x64xf32, #tpu.memory_space<hbm>> -> memref<10000x64xf32, #tpu.memory_space<hbm>>
    %dma_start3A_83 = tpu.memref_slice %arg9[%dma_start3A_68] : memref<4x!tpu.dma_semaphore, #tpu.memory_space<semaphore_mem>> -> memref<1x!tpu.dma_semaphore, #tpu.memory_space<semaphore_mem>>
    %dma_start3A_84 = tpu.memref_squeeze %dma_start3A_83 : memref<1x!tpu.dma_semaphore, #tpu.memory_space<semaphore_mem>> -> memref<!tpu.dma_semaphore, #tpu.memory_space<semaphore_mem>>
    tpu.enqueue_indirect_dma source(%dma_start3A_82 : memref<10000x64xf32, #tpu.memory_space<hbm>>) target(%dma_start3A_72 : memref<125x64xf32, #tpu.memory_space<vmem>>) offsets(%dma_start3A_75 : memref<125xi32, #tpu.memory_space<vmem>>) semaphore(%dma_start3A_84 : memref<!tpu.dma_semaphore, #tpu.memory_space<semaphore_mem>>)
    %scan3A = arith.constant 0 : i32
    %scan3A_85 = arith.constant 0 : i32
    %scan3A_86 = arith.constant 40 : i32
    %scan3A_87 = arith.addi %scan3A_85, %scan3A_86 : i32
    %scan3A_88 = arith.constant 1 : i32
    %scan3A_89 = scf.for %scan3A_160 = %scan3A_85 to %scan3A_87 step %scan3A_88 iter_args(%scan3A_161 = %scan3A) -> (i32)  : i32 {
      %mul3A_162 = arith.constant 4 : i32
      %mul3A_163 = arith.muli %scan3A_160, %mul3A_162 : i32
      %add3A = arith.constant 0 : i32
      %add3A_164 = arith.addi %mul3A_163, %add3A : i32
      %dma_wait3A_165 = arith.constant 0 : i32
      %dma_wait3A_166 = arith.constant 0 : i32
      %dma_wait3A_167 = arith.constant 0 : i32
      %dma_wait3A_168 = arith.constant 0 : i32
      %dma_wait3A_169 = tpu.memref_slice %arg7[%dma_wait3A_165, %dma_wait3A_167, %dma_wait3A_168] : memref<4x125x64xf32, #tpu.memory_space<vmem>> -> memref<1x125x64xf32, #tpu.memory_space<vmem>>
      %dma_wait3A_170 = tpu.memref_squeeze %dma_wait3A_169 : memref<1x125x64xf32, #tpu.memory_space<vmem>> -> memref<125x64xf32, #tpu.memory_space<vmem>>
      %dma_wait3A_171 = arith.constant 0 : i32
      %dma_wait3A_172 = tpu.memref_slice %arg5[%add3A_164, %dma_wait3A_171] : memref<160x125xi32, #tpu.memory_space<vmem>> -> memref<1x125xi32, #tpu.memory_space<vmem>>
      %dma_wait3A_173 = tpu.memref_squeeze %dma_wait3A_172 : memref<1x125xi32, #tpu.memory_space<vmem>> -> memref<125xi32, #tpu.memory_space<vmem>>
      %dma_wait3A_174 = arith.constant 0 : i32
      %dma_wait3A_175 = arith.constant 0 : i32
      %dma_wait3A_176 = tpu.memref_slice %arg2[%arg0, %dma_wait3A_174, %dma_wait3A_175] : memref<2x10000x64xf32, #tpu.memory_space<hbm>> -> memref<1x10000x64xf32, #tpu.memory_space<hbm>>
      %dma_wait3A_177 = tpu.memref_squeeze %dma_wait3A_176 : memref<1x10000x64xf32, #tpu.memory_space<hbm>> -> memref<10000x64xf32, #tpu.memory_space<hbm>>
      %dma_wait3A_178 = arith.constant 0 : i32
      %dma_wait3A_179 = arith.constant 0 : i32
      %dma_wait3A_180 = tpu.memref_slice %dma_wait3A_177[%dma_wait3A_178, %dma_wait3A_179] : memref<10000x64xf32, #tpu.memory_space<hbm>> -> memref<10000x64xf32, #tpu.memory_space<hbm>>
      %dma_wait3A_181 = tpu.memref_slice %arg9[%dma_wait3A_166] : memref<4x!tpu.dma_semaphore, #tpu.memory_space<semaphore_mem>> -> memref<1x!tpu.dma_semaphore, #tpu.memory_space<semaphore_mem>>
      %dma_wait3A_182 = tpu.memref_squeeze %dma_wait3A_181 : memref<1x!tpu.dma_semaphore, #tpu.memory_space<semaphore_mem>> -> memref<!tpu.dma_semaphore, #tpu.memory_space<semaphore_mem>>
      tpu.wait_indirect_dma semaphore(%dma_wait3A_182 : memref<!tpu.dma_semaphore, #tpu.memory_space<semaphore_mem>>) src(%dma_wait3A_180 : memref<10000x64xf32, #tpu.memory_space<hbm>>) dst(%dma_wait3A_170 : memref<125x64xf32, #tpu.memory_space<vmem>>)
      %dma_start3A_183 = arith.constant 0 : i32
      %dma_start3A_184 = arith.constant 0 : i32
      %dma_start3A_185 = arith.constant 0 : i32
      %dma_start3A_186 = arith.constant 0 : i32
      %dma_start3A_187 = tpu.memref_slice %arg7[%dma_start3A_183, %dma_start3A_185, %dma_start3A_186] : memref<4x125x64xf32, #tpu.memory_space<vmem>> -> memref<1x125x64xf32, #tpu.memory_space<vmem>>
      %dma_start3A_188 = tpu.memref_squeeze %dma_start3A_187 : memref<1x125x64xf32, #tpu.memory_space<vmem>> -> memref<125x64xf32, #tpu.memory_space<vmem>>
      %dma_start3A_189 = arith.constant 0 : i32
      %dma_start3A_190 = tpu.memref_slice %arg6[%add3A_164, %dma_start3A_189] : memref<160x125xi32, #tpu.memory_space<vmem>> -> memref<1x125xi32, #tpu.memory_space<vmem>>
      %dma_start3A_191 = tpu.memref_squeeze %dma_start3A_190 : memref<1x125xi32, #tpu.memory_space<vmem>> -> memref<125xi32, #tpu.memory_space<vmem>>
      %dma_start3A_192 = arith.constant 0 : i32
      %dma_start3A_193 = arith.constant 0 : i32
      %dma_start3A_194 = tpu.memref_slice %arg8[%dma_start3A_192, %dma_start3A_193] : memref<10000x64xf32, #tpu.memory_space<vmem_shared>> -> memref<10000x64xf32, #tpu.memory_space<vmem_shared>>
      %dma_start3A_195 = tpu.memref_slice %arg10[%dma_start3A_184] : memref<4x!tpu.dma_semaphore, #tpu.memory_space<semaphore_mem>> -> memref<1x!tpu.dma_semaphore, #tpu.memory_space<semaphore_mem>>
      %dma_start3A_196 = tpu.memref_squeeze %dma_start3A_195 : memref<1x!tpu.dma_semaphore, #tpu.memory_space<semaphore_mem>> -> memref<!tpu.dma_semaphore, #tpu.memory_space<semaphore_mem>>
      tpu.enqueue_indirect_dma source(%dma_start3A_188 : memref<125x64xf32, #tpu.memory_space<vmem>>) target(%dma_start3A_194 : memref<10000x64xf32, #tpu.memory_space<vmem_shared>>) offsets(%dma_start3A_191 : memref<125xi32, #tpu.memory_space<vmem>>) semaphore(%dma_start3A_196 : memref<!tpu.dma_semaphore, #tpu.memory_space<semaphore_mem>>) {add = true}
      %sub3A = arith.constant 2 : i32
      %sub3A_197 = arith.subi %add3A_164, %sub3A : i32
      %ge3A = arith.constant 0 : i32
      %ge3A_198 = arith.cmpi sge, %sub3A_197, %ge3A : i32
      %add3A_199 = arith.constant 4 : i32
      %add3A_200 = arith.addi %sub3A_197, %add3A_199 : i32
      %lt3A = arith.constant 160 : i32
      %lt3A_201 = arith.cmpi slt, %add3A_200, %lt3A : i32
      %and3A = arith.andi %ge3A_198, %lt3A_201 : i1
      %convert_element_type3A_202 = arith.extui %and3A : i1 to i32
      %cond3A_203 = arith.constant 0 : i32
      %cond3A_204 = arith.cmpi ne, %convert_element_type3A_202, %cond3A_203 : i32
      scf.if %cond3A_204 {
        %dma_wait3A_350 = arith.constant 2 : i32
        %dma_wait3A_351 = arith.constant 2 : i32
        %dma_wait3A_352 = arith.constant 0 : i32
        %dma_wait3A_353 = arith.constant 0 : i32
        %dma_wait3A_354 = tpu.memref_slice %arg7[%dma_wait3A_350, %dma_wait3A_352, %dma_wait3A_353] : memref<4x125x64xf32, #tpu.memory_space<vmem>> -> memref<1x125x64xf32, #tpu.memory_space<vmem>>
        %dma_wait3A_355 = tpu.memref_squeeze %dma_wait3A_354 : memref<1x125x64xf32, #tpu.memory_space<vmem>> -> memref<125x64xf32, #tpu.memory_space<vmem>>
        %dma_wait3A_356 = arith.constant 0 : i32
        %dma_wait3A_357 = tpu.memref_slice %arg6[%sub3A_197, %dma_wait3A_356] : memref<160x125xi32, #tpu.memory_space<vmem>> -> memref<1x125xi32, #tpu.memory_space<vmem>>
        %dma_wait3A_358 = tpu.memref_squeeze %dma_wait3A_357 : memref<1x125xi32, #tpu.memory_space<vmem>> -> memref<125xi32, #tpu.memory_space<vmem>>
        %dma_wait3A_359 = arith.constant 0 : i32
        %dma_wait3A_360 = arith.constant 0 : i32
        %dma_wait3A_361 = tpu.memref_slice %arg8[%dma_wait3A_359, %dma_wait3A_360] : memref<10000x64xf32, #tpu.memory_space<vmem_shared>> -> memref<10000x64xf32, #tpu.memory_space<vmem_shared>>
        %dma_wait3A_362 = tpu.memref_slice %arg10[%dma_wait3A_351] : memref<4x!tpu.dma_semaphore, #tpu.memory_space<semaphore_mem>> -> memref<1x!tpu.dma_semaphore, #tpu.memory_space<semaphore_mem>>
        %dma_wait3A_363 = tpu.memref_squeeze %dma_wait3A_362 : memref<1x!tpu.dma_semaphore, #tpu.memory_space<semaphore_mem>> -> memref<!tpu.dma_semaphore, #tpu.memory_space<semaphore_mem>>
        tpu.wait_indirect_dma semaphore(%dma_wait3A_363 : memref<!tpu.dma_semaphore, #tpu.memory_space<semaphore_mem>>) src(%dma_wait3A_355 : memref<125x64xf32, #tpu.memory_space<vmem>>) dst(%dma_wait3A_361 : memref<10000x64xf32, #tpu.memory_space<vmem_shared>>)
        %add3A_364 = arith.constant 4 : i32
        %add3A_365 = arith.addi %sub3A_197, %add3A_364 : i32
        %dma_start3A_366 = arith.constant 2 : i32
        %dma_start3A_367 = arith.constant 2 : i32
        %dma_start3A_368 = arith.constant 0 : i32
        %dma_start3A_369 = arith.constant 0 : i32
        %dma_start3A_370 = tpu.memref_slice %arg7[%dma_start3A_366, %dma_start3A_368, %dma_start3A_369] : memref<4x125x64xf32, #tpu.memory_space<vmem>> -> memref<1x125x64xf32, #tpu.memory_space<vmem>>
        %dma_start3A_371 = tpu.memref_squeeze %dma_start3A_370 : memref<1x125x64xf32, #tpu.memory_space<vmem>> -> memref<125x64xf32, #tpu.memory_space<vmem>>
        %dma_start3A_372 = arith.constant 0 : i32
        %dma_start3A_373 = tpu.memref_slice %arg5[%add3A_365, %dma_start3A_372] : memref<160x125xi32, #tpu.memory_space<vmem>> -> memref<1x125xi32, #tpu.memory_space<vmem>>
        %dma_start3A_374 = tpu.memref_squeeze %dma_start3A_373 : memref<1x125xi32, #tpu.memory_space<vmem>> -> memref<125xi32, #tpu.memory_space<vmem>>
        %dma_start3A_375 = arith.constant 0 : i32
        %dma_start3A_376 = arith.constant 0 : i32
        %dma_start3A_377 = tpu.memref_slice %arg2[%arg0, %dma_start3A_375, %dma_start3A_376] : memref<2x10000x64xf32, #tpu.memory_space<hbm>> -> memref<1x10000x64xf32, #tpu.memory_space<hbm>>
        %dma_start3A_378 = tpu.memref_squeeze %dma_start3A_377 : memref<1x10000x64xf32, #tpu.memory_space<hbm>> -> memref<10000x64xf32, #tpu.memory_space<hbm>>
        %dma_start3A_379 = arith.constant 0 : i32
        %dma_start3A_380 = arith.constant 0 : i32
        %dma_start3A_381 = tpu.memref_slice %dma_start3A_378[%dma_start3A_379, %dma_start3A_380] : memref<10000x64xf32, #tpu.memory_space<hbm>> -> memref<10000x64xf32, #tpu.memory_space<hbm>>
        %dma_start3A_382 = tpu.memref_slice %arg9[%dma_start3A_367] : memref<4x!tpu.dma_semaphore, #tpu.memory_space<semaphore_mem>> -> memref<1x!tpu.dma_semaphore, #tpu.memory_space<semaphore_mem>>
        %dma_start3A_383 = tpu.memref_squeeze %dma_start3A_382 : memref<1x!tpu.dma_semaphore, #tpu.memory_space<semaphore_mem>> -> memref<!tpu.dma_semaphore, #tpu.memory_space<semaphore_mem>>
        tpu.enqueue_indirect_dma source(%dma_start3A_381 : memref<10000x64xf32, #tpu.memory_space<hbm>>) target(%dma_start3A_371 : memref<125x64xf32, #tpu.memory_space<vmem>>) offsets(%dma_start3A_374 : memref<125xi32, #tpu.memory_space<vmem>>) semaphore(%dma_start3A_383 : memref<!tpu.dma_semaphore, #tpu.memory_space<semaphore_mem>>)
      } else {
      }
      %mul3A_205 = arith.constant 4 : i32
      %mul3A_206 = arith.muli %scan3A_160, %mul3A_205 : i32
      %add3A_207 = arith.constant 1 : i32
      %add3A_208 = arith.addi %mul3A_206, %add3A_207 : i32
      %dma_wait3A_209 = arith.constant 1 : i32
      %dma_wait3A_210 = arith.constant 1 : i32
      %dma_wait3A_211 = arith.constant 0 : i32
      %dma_wait3A_212 = arith.constant 0 : i32
      %dma_wait3A_213 = tpu.memref_slice %arg7[%dma_wait3A_209, %dma_wait3A_211, %dma_wait3A_212] : memref<4x125x64xf32, #tpu.memory_space<vmem>> -> memref<1x125x64xf32, #tpu.memory_space<vmem>>
      %dma_wait3A_214 = tpu.memref_squeeze %dma_wait3A_213 : memref<1x125x64xf32, #tpu.memory_space<vmem>> -> memref<125x64xf32, #tpu.memory_space<vmem>>
      %dma_wait3A_215 = arith.constant 0 : i32
      %dma_wait3A_216 = tpu.memref_slice %arg5[%add3A_208, %dma_wait3A_215] : memref<160x125xi32, #tpu.memory_space<vmem>> -> memref<1x125xi32, #tpu.memory_space<vmem>>
      %dma_wait3A_217 = tpu.memref_squeeze %dma_wait3A_216 : memref<1x125xi32, #tpu.memory_space<vmem>> -> memref<125xi32, #tpu.memory_space<vmem>>
      %dma_wait3A_218 = arith.constant 0 : i32
      %dma_wait3A_219 = arith.constant 0 : i32
      %dma_wait3A_220 = tpu.memref_slice %arg2[%arg0, %dma_wait3A_218, %dma_wait3A_219] : memref<2x10000x64xf32, #tpu.memory_space<hbm>> -> memref<1x10000x64xf32, #tpu.memory_space<hbm>>
      %dma_wait3A_221 = tpu.memref_squeeze %dma_wait3A_220 : memref<1x10000x64xf32, #tpu.memory_space<hbm>> -> memref<10000x64xf32, #tpu.memory_space<hbm>>
      %dma_wait3A_222 = arith.constant 0 : i32
      %dma_wait3A_223 = arith.constant 0 : i32
      %dma_wait3A_224 = tpu.memref_slice %dma_wait3A_221[%dma_wait3A_222, %dma_wait3A_223] : memref<10000x64xf32, #tpu.memory_space<hbm>> -> memref<10000x64xf32, #tpu.memory_space<hbm>>
      %dma_wait3A_225 = tpu.memref_slice %arg9[%dma_wait3A_210] : memref<4x!tpu.dma_semaphore, #tpu.memory_space<semaphore_mem>> -> memref<1x!tpu.dma_semaphore, #tpu.memory_space<semaphore_mem>>
      %dma_wait3A_226 = tpu.memref_squeeze %dma_wait3A_225 : memref<1x!tpu.dma_semaphore, #tpu.memory_space<semaphore_mem>> -> memref<!tpu.dma_semaphore, #tpu.memory_space<semaphore_mem>>
      tpu.wait_indirect_dma semaphore(%dma_wait3A_226 : memref<!tpu.dma_semaphore, #tpu.memory_space<semaphore_mem>>) src(%dma_wait3A_224 : memref<10000x64xf32, #tpu.memory_space<hbm>>) dst(%dma_wait3A_214 : memref<125x64xf32, #tpu.memory_space<vmem>>)
      %dma_start3A_227 = arith.constant 1 : i32
      %dma_start3A_228 = arith.constant 1 : i32
      %dma_start3A_229 = arith.constant 0 : i32
      %dma_start3A_230 = arith.constant 0 : i32
      %dma_start3A_231 = tpu.memref_slice %arg7[%dma_start3A_227, %dma_start3A_229, %dma_start3A_230] : memref<4x125x64xf32, #tpu.memory_space<vmem>> -> memref<1x125x64xf32, #tpu.memory_space<vmem>>
      %dma_start3A_232 = tpu.memref_squeeze %dma_start3A_231 : memref<1x125x64xf32, #tpu.memory_space<vmem>> -> memref<125x64xf32, #tpu.memory_space<vmem>>
      %dma_start3A_233 = arith.constant 0 : i32
      %dma_start3A_234 = tpu.memref_slice %arg6[%add3A_208, %dma_start3A_233] : memref<160x125xi32, #tpu.memory_space<vmem>> -> memref<1x125xi32, #tpu.memory_space<vmem>>
      %dma_start3A_235 = tpu.memref_squeeze %dma_start3A_234 : memref<1x125xi32, #tpu.memory_space<vmem>> -> memref<125xi32, #tpu.memory_space<vmem>>
      %dma_start3A_236 = arith.constant 0 : i32
      %dma_start3A_237 = arith.constant 0 : i32
      %dma_start3A_238 = tpu.memref_slice %arg8[%dma_start3A_236, %dma_start3A_237] : memref<10000x64xf32, #tpu.memory_space<vmem_shared>> -> memref<10000x64xf32, #tpu.memory_space<vmem_shared>>
      %dma_start3A_239 = tpu.memref_slice %arg10[%dma_start3A_228] : memref<4x!tpu.dma_semaphore, #tpu.memory_space<semaphore_mem>> -> memref<1x!tpu.dma_semaphore, #tpu.memory_space<semaphore_mem>>
      %dma_start3A_240 = tpu.memref_squeeze %dma_start3A_239 : memref<1x!tpu.dma_semaphore, #tpu.memory_space<semaphore_mem>> -> memref<!tpu.dma_semaphore, #tpu.memory_space<semaphore_mem>>
      tpu.enqueue_indirect_dma source(%dma_start3A_232 : memref<125x64xf32, #tpu.memory_space<vmem>>) target(%dma_start3A_238 : memref<10000x64xf32, #tpu.memory_space<vmem_shared>>) offsets(%dma_start3A_235 : memref<125xi32, #tpu.memory_space<vmem>>) semaphore(%dma_start3A_240 : memref<!tpu.dma_semaphore, #tpu.memory_space<semaphore_mem>>) {add = true}
      %sub3A_241 = arith.constant 2 : i32
      %sub3A_242 = arith.subi %add3A_208, %sub3A_241 : i32
      %ge3A_243 = arith.constant 0 : i32
      %ge3A_244 = arith.cmpi sge, %sub3A_242, %ge3A_243 : i32
      %add3A_245 = arith.constant 4 : i32
      %add3A_246 = arith.addi %sub3A_242, %add3A_245 : i32
      %lt3A_247 = arith.constant 160 : i32
      %lt3A_248 = arith.cmpi slt, %add3A_246, %lt3A_247 : i32
      %and3A_249 = arith.andi %ge3A_244, %lt3A_248 : i1
      %convert_element_type3A_250 = arith.extui %and3A_249 : i1 to i32
      %cond3A_251 = arith.constant 0 : i32
      %cond3A_252 = arith.cmpi ne, %convert_element_type3A_250, %cond3A_251 : i32
      scf.if %cond3A_252 {
        %dma_wait3A_350 = arith.constant 3 : i32
        %dma_wait3A_351 = arith.constant 3 : i32
        %dma_wait3A_352 = arith.constant 0 : i32
        %dma_wait3A_353 = arith.constant 0 : i32
        %dma_wait3A_354 = tpu.memref_slice %arg7[%dma_wait3A_350, %dma_wait3A_352, %dma_wait3A_353] : memref<4x125x64xf32, #tpu.memory_space<vmem>> -> memref<1x125x64xf32, #tpu.memory_space<vmem>>
        %dma_wait3A_355 = tpu.memref_squeeze %dma_wait3A_354 : memref<1x125x64xf32, #tpu.memory_space<vmem>> -> memref<125x64xf32, #tpu.memory_space<vmem>>
        %dma_wait3A_356 = arith.constant 0 : i32
        %dma_wait3A_357 = tpu.memref_slice %arg6[%sub3A_242, %dma_wait3A_356] : memref<160x125xi32, #tpu.memory_space<vmem>> -> memref<1x125xi32, #tpu.memory_space<vmem>>
        %dma_wait3A_358 = tpu.memref_squeeze %dma_wait3A_357 : memref<1x125xi32, #tpu.memory_space<vmem>> -> memref<125xi32, #tpu.memory_space<vmem>>
        %dma_wait3A_359 = arith.constant 0 : i32
        %dma_wait3A_360 = arith.constant 0 : i32
        %dma_wait3A_361 = tpu.memref_slice %arg8[%dma_wait3A_359, %dma_wait3A_360] : memref<10000x64xf32, #tpu.memory_space<vmem_shared>> -> memref<10000x64xf32, #tpu.memory_space<vmem_shared>>
        %dma_wait3A_362 = tpu.memref_slice %arg10[%dma_wait3A_351] : memref<4x!tpu.dma_semaphore, #tpu.memory_space<semaphore_mem>> -> memref<1x!tpu.dma_semaphore, #tpu.memory_space<semaphore_mem>>
        %dma_wait3A_363 = tpu.memref_squeeze %dma_wait3A_362 : memref<1x!tpu.dma_semaphore, #tpu.memory_space<semaphore_mem>> -> memref<!tpu.dma_semaphore, #tpu.memory_space<semaphore_mem>>
        tpu.wait_indirect_dma semaphore(%dma_wait3A_363 : memref<!tpu.dma_semaphore, #tpu.memory_space<semaphore_mem>>) src(%dma_wait3A_355 : memref<125x64xf32, #tpu.memory_space<vmem>>) dst(%dma_wait3A_361 : memref<10000x64xf32, #tpu.memory_space<vmem_shared>>)
        %add3A_364 = arith.constant 4 : i32
        %add3A_365 = arith.addi %sub3A_242, %add3A_364 : i32
        %dma_start3A_366 = arith.constant 3 : i32
        %dma_start3A_367 = arith.constant 3 : i32
        %dma_start3A_368 = arith.constant 0 : i32
        %dma_start3A_369 = arith.constant 0 : i32
        %dma_start3A_370 = tpu.memref_slice %arg7[%dma_start3A_366, %dma_start3A_368, %dma_start3A_369] : memref<4x125x64xf32, #tpu.memory_space<vmem>> -> memref<1x125x64xf32, #tpu.memory_space<vmem>>
        %dma_start3A_371 = tpu.memref_squeeze %dma_start3A_370 : memref<1x125x64xf32, #tpu.memory_space<vmem>> -> memref<125x64xf32, #tpu.memory_space<vmem>>
        %dma_start3A_372 = arith.constant 0 : i32
        %dma_start3A_373 = tpu.memref_slice %arg5[%add3A_365, %dma_start3A_372] : memref<160x125xi32, #tpu.memory_space<vmem>> -> memref<1x125xi32, #tpu.memory_space<vmem>>
        %dma_start3A_374 = tpu.memref_squeeze %dma_start3A_373 : memref<1x125xi32, #tpu.memory_space<vmem>> -> memref<125xi32, #tpu.memory_space<vmem>>
        %dma_start3A_375 = arith.constant 0 : i32
        %dma_start3A_376 = arith.constant 0 : i32
        %dma_start3A_377 = tpu.memref_slice %arg2[%arg0, %dma_start3A_375, %dma_start3A_376] : memref<2x10000x64xf32, #tpu.memory_space<hbm>> -> memref<1x10000x64xf32, #tpu.memory_space<hbm>>
        %dma_start3A_378 = tpu.memref_squeeze %dma_start3A_377 : memref<1x10000x64xf32, #tpu.memory_space<hbm>> -> memref<10000x64xf32, #tpu.memory_space<hbm>>
        %dma_start3A_379 = arith.constant 0 : i32
        %dma_start3A_380 = arith.constant 0 : i32
        %dma_start3A_381 = tpu.memref_slice %dma_start3A_378[%dma_start3A_379, %dma_start3A_380] : memref<10000x64xf32, #tpu.memory_space<hbm>> -> memref<10000x64xf32, #tpu.memory_space<hbm>>
        %dma_start3A_382 = tpu.memref_slice %arg9[%dma_start3A_367] : memref<4x!tpu.dma_semaphore, #tpu.memory_space<semaphore_mem>> -> memref<1x!tpu.dma_semaphore, #tpu.memory_space<semaphore_mem>>
        %dma_start3A_383 = tpu.memref_squeeze %dma_start3A_382 : memref<1x!tpu.dma_semaphore, #tpu.memory_space<semaphore_mem>> -> memref<!tpu.dma_semaphore, #tpu.memory_space<semaphore_mem>>
        tpu.enqueue_indirect_dma source(%dma_start3A_381 : memref<10000x64xf32, #tpu.memory_space<hbm>>) target(%dma_start3A_371 : memref<125x64xf32, #tpu.memory_space<vmem>>) offsets(%dma_start3A_374 : memref<125xi32, #tpu.memory_space<vmem>>) semaphore(%dma_start3A_383 : memref<!tpu.dma_semaphore, #tpu.memory_space<semaphore_mem>>)
      } else {
      }
      %mul3A_253 = arith.constant 4 : i32
      %mul3A_254 = arith.muli %scan3A_160, %mul3A_253 : i32
      %add3A_255 = arith.constant 2 : i32
      %add3A_256 = arith.addi %mul3A_254, %add3A_255 : i32
      %dma_wait3A_257 = arith.constant 2 : i32
      %dma_wait3A_258 = arith.constant 2 : i32
      %dma_wait3A_259 = arith.constant 0 : i32
      %dma_wait3A_260 = arith.constant 0 : i32
      %dma_wait3A_261 = tpu.memref_slice %arg7[%dma_wait3A_257, %dma_wait3A_259, %dma_wait3A_260] : memref<4x125x64xf32, #tpu.memory_space<vmem>> -> memref<1x125x64xf32, #tpu.memory_space<vmem>>
      %dma_wait3A_262 = tpu.memref_squeeze %dma_wait3A_261 : memref<1x125x64xf32, #tpu.memory_space<vmem>> -> memref<125x64xf32, #tpu.memory_space<vmem>>
      %dma_wait3A_263 = arith.constant 0 : i32
      %dma_wait3A_264 = tpu.memref_slice %arg5[%add3A_256, %dma_wait3A_263] : memref<160x125xi32, #tpu.memory_space<vmem>> -> memref<1x125xi32, #tpu.memory_space<vmem>>
      %dma_wait3A_265 = tpu.memref_squeeze %dma_wait3A_264 : memref<1x125xi32, #tpu.memory_space<vmem>> -> memref<125xi32, #tpu.memory_space<vmem>>
      %dma_wait3A_266 = arith.constant 0 : i32
      %dma_wait3A_267 = arith.constant 0 : i32
      %dma_wait3A_268 = tpu.memref_slice %arg2[%arg0, %dma_wait3A_266, %dma_wait3A_267] : memref<2x10000x64xf32, #tpu.memory_space<hbm>> -> memref<1x10000x64xf32, #tpu.memory_space<hbm>>
      %dma_wait3A_269 = tpu.memref_squeeze %dma_wait3A_268 : memref<1x10000x64xf32, #tpu.memory_space<hbm>> -> memref<10000x64xf32, #tpu.memory_space<hbm>>
      %dma_wait3A_270 = arith.constant 0 : i32
      %dma_wait3A_271 = arith.constant 0 : i32
      %dma_wait3A_272 = tpu.memref_slice %dma_wait3A_269[%dma_wait3A_270, %dma_wait3A_271] : memref<10000x64xf32, #tpu.memory_space<hbm>> -> memref<10000x64xf32, #tpu.memory_space<hbm>>
      %dma_wait3A_273 = tpu.memref_slice %arg9[%dma_wait3A_258] : memref<4x!tpu.dma_semaphore, #tpu.memory_space<semaphore_mem>> -> memref<1x!tpu.dma_semaphore, #tpu.memory_space<semaphore_mem>>
      %dma_wait3A_274 = tpu.memref_squeeze %dma_wait3A_273 : memref<1x!tpu.dma_semaphore, #tpu.memory_space<semaphore_mem>> -> memref<!tpu.dma_semaphore, #tpu.memory_space<semaphore_mem>>
      tpu.wait_indirect_dma semaphore(%dma_wait3A_274 : memref<!tpu.dma_semaphore, #tpu.memory_space<semaphore_mem>>) src(%dma_wait3A_272 : memref<10000x64xf32, #tpu.memory_space<hbm>>) dst(%dma_wait3A_262 : memref<125x64xf32, #tpu.memory_space<vmem>>)
      %dma_start3A_275 = arith.constant 2 : i32
      %dma_start3A_276 = arith.constant 2 : i32
      %dma_start3A_277 = arith.constant 0 : i32
      %dma_start3A_278 = arith.constant 0 : i32
      %dma_start3A_279 = tpu.memref_slice %arg7[%dma_start3A_275, %dma_start3A_277, %dma_start3A_278] : memref<4x125x64xf32, #tpu.memory_space<vmem>> -> memref<1x125x64xf32, #tpu.memory_space<vmem>>
      %dma_start3A_280 = tpu.memref_squeeze %dma_start3A_279 : memref<1x125x64xf32, #tpu.memory_space<vmem>> -> memref<125x64xf32, #tpu.memory_space<vmem>>
      %dma_start3A_281 = arith.constant 0 : i32
      %dma_start3A_282 = tpu.memref_slice %arg6[%add3A_256, %dma_start3A_281] : memref<160x125xi32, #tpu.memory_space<vmem>> -> memref<1x125xi32, #tpu.memory_space<vmem>>
      %dma_start3A_283 = tpu.memref_squeeze %dma_start3A_282 : memref<1x125xi32, #tpu.memory_space<vmem>> -> memref<125xi32, #tpu.memory_space<vmem>>
      %dma_start3A_284 = arith.constant 0 : i32
      %dma_start3A_285 = arith.constant 0 : i32
      %dma_start3A_286 = tpu.memref_slice %arg8[%dma_start3A_284, %dma_start3A_285] : memref<10000x64xf32, #tpu.memory_space<vmem_shared>> -> memref<10000x64xf32, #tpu.memory_space<vmem_shared>>
      %dma_start3A_287 = tpu.memref_slice %arg10[%dma_start3A_276] : memref<4x!tpu.dma_semaphore, #tpu.memory_space<semaphore_mem>> -> memref<1x!tpu.dma_semaphore, #tpu.memory_space<semaphore_mem>>
      %dma_start3A_288 = tpu.memref_squeeze %dma_start3A_287 : memref<1x!tpu.dma_semaphore, #tpu.memory_space<semaphore_mem>> -> memref<!tpu.dma_semaphore, #tpu.memory_space<semaphore_mem>>
      tpu.enqueue_indirect_dma source(%dma_start3A_280 : memref<125x64xf32, #tpu.memory_space<vmem>>) target(%dma_start3A_286 : memref<10000x64xf32, #tpu.memory_space<vmem_shared>>) offsets(%dma_start3A_283 : memref<125xi32, #tpu.memory_space<vmem>>) semaphore(%dma_start3A_288 : memref<!tpu.dma_semaphore, #tpu.memory_space<semaphore_mem>>) {add = true}
      %sub3A_289 = arith.constant 2 : i32
      %sub3A_290 = arith.subi %add3A_256, %sub3A_289 : i32
      %ge3A_291 = arith.constant 0 : i32
      %ge3A_292 = arith.cmpi sge, %sub3A_290, %ge3A_291 : i32
      %add3A_293 = arith.constant 4 : i32
      %add3A_294 = arith.addi %sub3A_290, %add3A_293 : i32
      %lt3A_295 = arith.constant 160 : i32
      %lt3A_296 = arith.cmpi slt, %add3A_294, %lt3A_295 : i32
      %and3A_297 = arith.andi %ge3A_292, %lt3A_296 : i1
      %convert_element_type3A_298 = arith.extui %and3A_297 : i1 to i32
      %cond3A_299 = arith.constant 0 : i32
      %cond3A_300 = arith.cmpi ne, %convert_element_type3A_298, %cond3A_299 : i32
      scf.if %cond3A_300 {
        %dma_wait3A_350 = arith.constant 0 : i32
        %dma_wait3A_351 = arith.constant 0 : i32
        %dma_wait3A_352 = arith.constant 0 : i32
        %dma_wait3A_353 = arith.constant 0 : i32
        %dma_wait3A_354 = tpu.memref_slice %arg7[%dma_wait3A_350, %dma_wait3A_352, %dma_wait3A_353] : memref<4x125x64xf32, #tpu.memory_space<vmem>> -> memref<1x125x64xf32, #tpu.memory_space<vmem>>
        %dma_wait3A_355 = tpu.memref_squeeze %dma_wait3A_354 : memref<1x125x64xf32, #tpu.memory_space<vmem>> -> memref<125x64xf32, #tpu.memory_space<vmem>>
        %dma_wait3A_356 = arith.constant 0 : i32
        %dma_wait3A_357 = tpu.memref_slice %arg6[%sub3A_290, %dma_wait3A_356] : memref<160x125xi32, #tpu.memory_space<vmem>> -> memref<1x125xi32, #tpu.memory_space<vmem>>
        %dma_wait3A_358 = tpu.memref_squeeze %dma_wait3A_357 : memref<1x125xi32, #tpu.memory_space<vmem>> -> memref<125xi32, #tpu.memory_space<vmem>>
        %dma_wait3A_359 = arith.constant 0 : i32
        %dma_wait3A_360 = arith.constant 0 : i32
        %dma_wait3A_361 = tpu.memref_slice %arg8[%dma_wait3A_359, %dma_wait3A_360] : memref<10000x64xf32, #tpu.memory_space<vmem_shared>> -> memref<10000x64xf32, #tpu.memory_space<vmem_shared>>
        %dma_wait3A_362 = tpu.memref_slice %arg10[%dma_wait3A_351] : memref<4x!tpu.dma_semaphore, #tpu.memory_space<semaphore_mem>> -> memref<1x!tpu.dma_semaphore, #tpu.memory_space<semaphore_mem>>
        %dma_wait3A_363 = tpu.memref_squeeze %dma_wait3A_362 : memref<1x!tpu.dma_semaphore, #tpu.memory_space<semaphore_mem>> -> memref<!tpu.dma_semaphore, #tpu.memory_space<semaphore_mem>>
        tpu.wait_indirect_dma semaphore(%dma_wait3A_363 : memref<!tpu.dma_semaphore, #tpu.memory_space<semaphore_mem>>) src(%dma_wait3A_355 : memref<125x64xf32, #tpu.memory_space<vmem>>) dst(%dma_wait3A_361 : memref<10000x64xf32, #tpu.memory_space<vmem_shared>>)
        %add3A_364 = arith.constant 4 : i32
        %add3A_365 = arith.addi %sub3A_290, %add3A_364 : i32
        %dma_start3A_366 = arith.constant 0 : i32
        %dma_start3A_367 = arith.constant 0 : i32
        %dma_start3A_368 = arith.constant 0 : i32
        %dma_start3A_369 = arith.constant 0 : i32
        %dma_start3A_370 = tpu.memref_slice %arg7[%dma_start3A_366, %dma_start3A_368, %dma_start3A_369] : memref<4x125x64xf32, #tpu.memory_space<vmem>> -> memref<1x125x64xf32, #tpu.memory_space<vmem>>
        %dma_start3A_371 = tpu.memref_squeeze %dma_start3A_370 : memref<1x125x64xf32, #tpu.memory_space<vmem>> -> memref<125x64xf32, #tpu.memory_space<vmem>>
        %dma_start3A_372 = arith.constant 0 : i32
        %dma_start3A_373 = tpu.memref_slice %arg5[%add3A_365, %dma_start3A_372] : memref<160x125xi32, #tpu.memory_space<vmem>> -> memref<1x125xi32, #tpu.memory_space<vmem>>
        %dma_start3A_374 = tpu.memref_squeeze %dma_start3A_373 : memref<1x125xi32, #tpu.memory_space<vmem>> -> memref<125xi32, #tpu.memory_space<vmem>>
        %dma_start3A_375 = arith.constant 0 : i32
        %dma_start3A_376 = arith.constant 0 : i32
        %dma_start3A_377 = tpu.memref_slice %arg2[%arg0, %dma_start3A_375, %dma_start3A_376] : memref<2x10000x64xf32, #tpu.memory_space<hbm>> -> memref<1x10000x64xf32, #tpu.memory_space<hbm>>
        %dma_start3A_378 = tpu.memref_squeeze %dma_start3A_377 : memref<1x10000x64xf32, #tpu.memory_space<hbm>> -> memref<10000x64xf32, #tpu.memory_space<hbm>>
        %dma_start3A_379 = arith.constant 0 : i32
        %dma_start3A_380 = arith.constant 0 : i32
        %dma_start3A_381 = tpu.memref_slice %dma_start3A_378[%dma_start3A_379, %dma_start3A_380] : memref<10000x64xf32, #tpu.memory_space<hbm>> -> memref<10000x64xf32, #tpu.memory_space<hbm>>
        %dma_start3A_382 = tpu.memref_slice %arg9[%dma_start3A_367] : memref<4x!tpu.dma_semaphore, #tpu.memory_space<semaphore_mem>> -> memref<1x!tpu.dma_semaphore, #tpu.memory_space<semaphore_mem>>
        %dma_start3A_383 = tpu.memref_squeeze %dma_start3A_382 : memref<1x!tpu.dma_semaphore, #tpu.memory_space<semaphore_mem>> -> memref<!tpu.dma_semaphore, #tpu.memory_space<semaphore_mem>>
        tpu.enqueue_indirect_dma source(%dma_start3A_381 : memref<10000x64xf32, #tpu.memory_space<hbm>>) target(%dma_start3A_371 : memref<125x64xf32, #tpu.memory_space<vmem>>) offsets(%dma_start3A_374 : memref<125xi32, #tpu.memory_space<vmem>>) semaphore(%dma_start3A_383 : memref<!tpu.dma_semaphore, #tpu.memory_space<semaphore_mem>>)
      } else {
      }
      %mul3A_301 = arith.constant 4 : i32
      %mul3A_302 = arith.muli %scan3A_160, %mul3A_301 : i32
      %add3A_303 = arith.constant 3 : i32
      %add3A_304 = arith.addi %mul3A_302, %add3A_303 : i32
      %dma_wait3A_305 = arith.constant 3 : i32
      %dma_wait3A_306 = arith.constant 3 : i32
      %dma_wait3A_307 = arith.constant 0 : i32
      %dma_wait3A_308 = arith.constant 0 : i32
      %dma_wait3A_309 = tpu.memref_slice %arg7[%dma_wait3A_305, %dma_wait3A_307, %dma_wait3A_308] : memref<4x125x64xf32, #tpu.memory_space<vmem>> -> memref<1x125x64xf32, #tpu.memory_space<vmem>>
      %dma_wait3A_310 = tpu.memref_squeeze %dma_wait3A_309 : memref<1x125x64xf32, #tpu.memory_space<vmem>> -> memref<125x64xf32, #tpu.memory_space<vmem>>
      %dma_wait3A_311 = arith.constant 0 : i32
      %dma_wait3A_312 = tpu.memref_slice %arg5[%add3A_304, %dma_wait3A_311] : memref<160x125xi32, #tpu.memory_space<vmem>> -> memref<1x125xi32, #tpu.memory_space<vmem>>
      %dma_wait3A_313 = tpu.memref_squeeze %dma_wait3A_312 : memref<1x125xi32, #tpu.memory_space<vmem>> -> memref<125xi32, #tpu.memory_space<vmem>>
      %dma_wait3A_314 = arith.constant 0 : i32
      %dma_wait3A_315 = arith.constant 0 : i32
      %dma_wait3A_316 = tpu.memref_slice %arg2[%arg0, %dma_wait3A_314, %dma_wait3A_315] : memref<2x10000x64xf32, #tpu.memory_space<hbm>> -> memref<1x10000x64xf32, #tpu.memory_space<hbm>>
      %dma_wait3A_317 = tpu.memref_squeeze %dma_wait3A_316 : memref<1x10000x64xf32, #tpu.memory_space<hbm>> -> memref<10000x64xf32, #tpu.memory_space<hbm>>
      %dma_wait3A_318 = arith.constant 0 : i32
      %dma_wait3A_319 = arith.constant 0 : i32
      %dma_wait3A_320 = tpu.memref_slice %dma_wait3A_317[%dma_wait3A_318, %dma_wait3A_319] : memref<10000x64xf32, #tpu.memory_space<hbm>> -> memref<10000x64xf32, #tpu.memory_space<hbm>>
      %dma_wait3A_321 = tpu.memref_slice %arg9[%dma_wait3A_306] : memref<4x!tpu.dma_semaphore, #tpu.memory_space<semaphore_mem>> -> memref<1x!tpu.dma_semaphore, #tpu.memory_space<semaphore_mem>>
      %dma_wait3A_322 = tpu.memref_squeeze %dma_wait3A_321 : memref<1x!tpu.dma_semaphore, #tpu.memory_space<semaphore_mem>> -> memref<!tpu.dma_semaphore, #tpu.memory_space<semaphore_mem>>
      tpu.wait_indirect_dma semaphore(%dma_wait3A_322 : memref<!tpu.dma_semaphore, #tpu.memory_space<semaphore_mem>>) src(%dma_wait3A_320 : memref<10000x64xf32, #tpu.memory_space<hbm>>) dst(%dma_wait3A_310 : memref<125x64xf32, #tpu.memory_space<vmem>>)
      %dma_start3A_323 = arith.constant 3 : i32
      %dma_start3A_324 = arith.constant 3 : i32
      %dma_start3A_325 = arith.constant 0 : i32
      %dma_start3A_326 = arith.constant 0 : i32
      %dma_start3A_327 = tpu.memref_slice %arg7[%dma_start3A_323, %dma_start3A_325, %dma_start3A_326] : memref<4x125x64xf32, #tpu.memory_space<vmem>> -> memref<1x125x64xf32, #tpu.memory_space<vmem>>
      %dma_start3A_328 = tpu.memref_squeeze %dma_start3A_327 : memref<1x125x64xf32, #tpu.memory_space<vmem>> -> memref<125x64xf32, #tpu.memory_space<vmem>>
      %dma_start3A_329 = arith.constant 0 : i32
      %dma_start3A_330 = tpu.memref_slice %arg6[%add3A_304, %dma_start3A_329] : memref<160x125xi32, #tpu.memory_space<vmem>> -> memref<1x125xi32, #tpu.memory_space<vmem>>
      %dma_start3A_331 = tpu.memref_squeeze %dma_start3A_330 : memref<1x125xi32, #tpu.memory_space<vmem>> -> memref<125xi32, #tpu.memory_space<vmem>>
      %dma_start3A_332 = arith.constant 0 : i32
      %dma_start3A_333 = arith.constant 0 : i32
      %dma_start3A_334 = tpu.memref_slice %arg8[%dma_start3A_332, %dma_start3A_333] : memref<10000x64xf32, #tpu.memory_space<vmem_shared>> -> memref<10000x64xf32, #tpu.memory_space<vmem_shared>>
      %dma_start3A_335 = tpu.memref_slice %arg10[%dma_start3A_324] : memref<4x!tpu.dma_semaphore, #tpu.memory_space<semaphore_mem>> -> memref<1x!tpu.dma_semaphore, #tpu.memory_space<semaphore_mem>>
      %dma_start3A_336 = tpu.memref_squeeze %dma_start3A_335 : memref<1x!tpu.dma_semaphore, #tpu.memory_space<semaphore_mem>> -> memref<!tpu.dma_semaphore, #tpu.memory_space<semaphore_mem>>
      tpu.enqueue_indirect_dma source(%dma_start3A_328 : memref<125x64xf32, #tpu.memory_space<vmem>>) target(%dma_start3A_334 : memref<10000x64xf32, #tpu.memory_space<vmem_shared>>) offsets(%dma_start3A_331 : memref<125xi32, #tpu.memory_space<vmem>>) semaphore(%dma_start3A_336 : memref<!tpu.dma_semaphore, #tpu.memory_space<semaphore_mem>>) {add = true}
      %sub3A_337 = arith.constant 2 : i32
      %sub3A_338 = arith.subi %add3A_304, %sub3A_337 : i32
      %ge3A_339 = arith.constant 0 : i32
      %ge3A_340 = arith.cmpi sge, %sub3A_338, %ge3A_339 : i32
      %add3A_341 = arith.constant 4 : i32
      %add3A_342 = arith.addi %sub3A_338, %add3A_341 : i32
      %lt3A_343 = arith.constant 160 : i32
      %lt3A_344 = arith.cmpi slt, %add3A_342, %lt3A_343 : i32
      %and3A_345 = arith.andi %ge3A_340, %lt3A_344 : i1
      %convert_element_type3A_346 = arith.extui %and3A_345 : i1 to i32
      %cond3A_347 = arith.constant 0 : i32
      %cond3A_348 = arith.cmpi ne, %convert_element_type3A_346, %cond3A_347 : i32
      scf.if %cond3A_348 {
        %dma_wait3A_350 = arith.constant 1 : i32
        %dma_wait3A_351 = arith.constant 1 : i32
        %dma_wait3A_352 = arith.constant 0 : i32
        %dma_wait3A_353 = arith.constant 0 : i32
        %dma_wait3A_354 = tpu.memref_slice %arg7[%dma_wait3A_350, %dma_wait3A_352, %dma_wait3A_353] : memref<4x125x64xf32, #tpu.memory_space<vmem>> -> memref<1x125x64xf32, #tpu.memory_space<vmem>>
        %dma_wait3A_355 = tpu.memref_squeeze %dma_wait3A_354 : memref<1x125x64xf32, #tpu.memory_space<vmem>> -> memref<125x64xf32, #tpu.memory_space<vmem>>
        %dma_wait3A_356 = arith.constant 0 : i32
        %dma_wait3A_357 = tpu.memref_slice %arg6[%sub3A_338, %dma_wait3A_356] : memref<160x125xi32, #tpu.memory_space<vmem>> -> memref<1x125xi32, #tpu.memory_space<vmem>>
        %dma_wait3A_358 = tpu.memref_squeeze %dma_wait3A_357 : memref<1x125xi32, #tpu.memory_space<vmem>> -> memref<125xi32, #tpu.memory_space<vmem>>
        %dma_wait3A_359 = arith.constant 0 : i32
        %dma_wait3A_360 = arith.constant 0 : i32
        %dma_wait3A_361 = tpu.memref_slice %arg8[%dma_wait3A_359, %dma_wait3A_360] : memref<10000x64xf32, #tpu.memory_space<vmem_shared>> -> memref<10000x64xf32, #tpu.memory_space<vmem_shared>>
        %dma_wait3A_362 = tpu.memref_slice %arg10[%dma_wait3A_351] : memref<4x!tpu.dma_semaphore, #tpu.memory_space<semaphore_mem>> -> memref<1x!tpu.dma_semaphore, #tpu.memory_space<semaphore_mem>>
        %dma_wait3A_363 = tpu.memref_squeeze %dma_wait3A_362 : memref<1x!tpu.dma_semaphore, #tpu.memory_space<semaphore_mem>> -> memref<!tpu.dma_semaphore, #tpu.memory_space<semaphore_mem>>
        tpu.wait_indirect_dma semaphore(%dma_wait3A_363 : memref<!tpu.dma_semaphore, #tpu.memory_space<semaphore_mem>>) src(%dma_wait3A_355 : memref<125x64xf32, #tpu.memory_space<vmem>>) dst(%dma_wait3A_361 : memref<10000x64xf32, #tpu.memory_space<vmem_shared>>)
        %add3A_364 = arith.constant 4 : i32
        %add3A_365 = arith.addi %sub3A_338, %add3A_364 : i32
        %dma_start3A_366 = arith.constant 1 : i32
        %dma_start3A_367 = arith.constant 1 : i32
        %dma_start3A_368 = arith.constant 0 : i32
        %dma_start3A_369 = arith.constant 0 : i32
        %dma_start3A_370 = tpu.memref_slice %arg7[%dma_start3A_366, %dma_start3A_368, %dma_start3A_369] : memref<4x125x64xf32, #tpu.memory_space<vmem>> -> memref<1x125x64xf32, #tpu.memory_space<vmem>>
        %dma_start3A_371 = tpu.memref_squeeze %dma_start3A_370 : memref<1x125x64xf32, #tpu.memory_space<vmem>> -> memref<125x64xf32, #tpu.memory_space<vmem>>
        %dma_start3A_372 = arith.constant 0 : i32
        %dma_start3A_373 = tpu.memref_slice %arg5[%add3A_365, %dma_start3A_372] : memref<160x125xi32, #tpu.memory_space<vmem>> -> memref<1x125xi32, #tpu.memory_space<vmem>>
        %dma_start3A_374 = tpu.memref_squeeze %dma_start3A_373 : memref<1x125xi32, #tpu.memory_space<vmem>> -> memref<125xi32, #tpu.memory_space<vmem>>
        %dma_start3A_375 = arith.constant 0 : i32
        %dma_start3A_376 = arith.constant 0 : i32
        %dma_start3A_377 = tpu.memref_slice %arg2[%arg0, %dma_start3A_375, %dma_start3A_376] : memref<2x10000x64xf32, #tpu.memory_space<hbm>> -> memref<1x10000x64xf32, #tpu.memory_space<hbm>>
        %dma_start3A_378 = tpu.memref_squeeze %dma_start3A_377 : memref<1x10000x64xf32, #tpu.memory_space<hbm>> -> memref<10000x64xf32, #tpu.memory_space<hbm>>
        %dma_start3A_379 = arith.constant 0 : i32
        %dma_start3A_380 = arith.constant 0 : i32
        %dma_start3A_381 = tpu.memref_slice %dma_start3A_378[%dma_start3A_379, %dma_start3A_380] : memref<10000x64xf32, #tpu.memory_space<hbm>> -> memref<10000x64xf32, #tpu.memory_space<hbm>>
        %dma_start3A_382 = tpu.memref_slice %arg9[%dma_start3A_367] : memref<4x!tpu.dma_semaphore, #tpu.memory_space<semaphore_mem>> -> memref<1x!tpu.dma_semaphore, #tpu.memory_space<semaphore_mem>>
        %dma_start3A_383 = tpu.memref_squeeze %dma_start3A_382 : memref<1x!tpu.dma_semaphore, #tpu.memory_space<semaphore_mem>> -> memref<!tpu.dma_semaphore, #tpu.memory_space<semaphore_mem>>
        tpu.enqueue_indirect_dma source(%dma_start3A_381 : memref<10000x64xf32, #tpu.memory_space<hbm>>) target(%dma_start3A_371 : memref<125x64xf32, #tpu.memory_space<vmem>>) offsets(%dma_start3A_374 : memref<125xi32, #tpu.memory_space<vmem>>) semaphore(%dma_start3A_383 : memref<!tpu.dma_semaphore, #tpu.memory_space<semaphore_mem>>)
      } else {
      }
      %scan3A_349 = arith.constant 0 : i32
      scf.yield %scan3A_349 : i32
    }
    %scan3A_90 = arith.constant 40 : i32
    %dma_wait3A = arith.constant 0 : i32
    %dma_wait3A_91 = arith.constant 156 : i32
    %dma_wait3A_92 = arith.constant 0 : i32
    %dma_wait3A_93 = arith.constant 0 : i32
    %dma_wait3A_94 = arith.constant 0 : i32
    %dma_wait3A_95 = tpu.memref_slice %arg7[%dma_wait3A, %dma_wait3A_93, %dma_wait3A_94] : memref<4x125x64xf32, #tpu.memory_space<vmem>> -> memref<1x125x64xf32, #tpu.memory_space<vmem>>
    %dma_wait3A_96 = tpu.memref_squeeze %dma_wait3A_95 : memref<1x125x64xf32, #tpu.memory_space<vmem>> -> memref<125x64xf32, #tpu.memory_space<vmem>>
    %dma_wait3A_97 = arith.constant 0 : i32
    %dma_wait3A_98 = tpu.memref_slice %arg6[%dma_wait3A_91, %dma_wait3A_97] : memref<160x125xi32, #tpu.memory_space<vmem>> -> memref<1x125xi32, #tpu.memory_space<vmem>>
    %dma_wait3A_99 = tpu.memref_squeeze %dma_wait3A_98 : memref<1x125xi32, #tpu.memory_space<vmem>> -> memref<125xi32, #tpu.memory_space<vmem>>
    %dma_wait3A_100 = arith.constant 0 : i32
    %dma_wait3A_101 = arith.constant 0 : i32
    %dma_wait3A_102 = tpu.memref_slice %arg8[%dma_wait3A_100, %dma_wait3A_101] : memref<10000x64xf32, #tpu.memory_space<vmem_shared>> -> memref<10000x64xf32, #tpu.memory_space<vmem_shared>>
    %dma_wait3A_103 = tpu.memref_slice %arg10[%dma_wait3A_92] : memref<4x!tpu.dma_semaphore, #tpu.memory_space<semaphore_mem>> -> memref<1x!tpu.dma_semaphore, #tpu.memory_space<semaphore_mem>>
    %dma_wait3A_104 = tpu.memref_squeeze %dma_wait3A_103 : memref<1x!tpu.dma_semaphore, #tpu.memory_space<semaphore_mem>> -> memref<!tpu.dma_semaphore, #tpu.memory_space<semaphore_mem>>
    tpu.wait_indirect_dma semaphore(%dma_wait3A_104 : memref<!tpu.dma_semaphore, #tpu.memory_space<semaphore_mem>>) src(%dma_wait3A_96 : memref<125x64xf32, #tpu.memory_space<vmem>>) dst(%dma_wait3A_102 : memref<10000x64xf32, #tpu.memory_space<vmem_shared>>)
    %dma_wait3A_105 = arith.constant 1 : i32
    %dma_wait3A_106 = arith.constant 157 : i32
    %dma_wait3A_107 = arith.constant 1 : i32
    %dma_wait3A_108 = arith.constant 0 : i32
    %dma_wait3A_109 = arith.constant 0 : i32
    %dma_wait3A_110 = tpu.memref_slice %arg7[%dma_wait3A_105, %dma_wait3A_108, %dma_wait3A_109] : memref<4x125x64xf32, #tpu.memory_space<vmem>> -> memref<1x125x64xf32, #tpu.memory_space<vmem>>
    %dma_wait3A_111 = tpu.memref_squeeze %dma_wait3A_110 : memref<1x125x64xf32, #tpu.memory_space<vmem>> -> memref<125x64xf32, #tpu.memory_space<vmem>>
    %dma_wait3A_112 = arith.constant 0 : i32
    %dma_wait3A_113 = tpu.memref_slice %arg6[%dma_wait3A_106, %dma_wait3A_112] : memref<160x125xi32, #tpu.memory_space<vmem>> -> memref<1x125xi32, #tpu.memory_space<vmem>>
    %dma_wait3A_114 = tpu.memref_squeeze %dma_wait3A_113 : memref<1x125xi32, #tpu.memory_space<vmem>> -> memref<125xi32, #tpu.memory_space<vmem>>
    %dma_wait3A_115 = arith.constant 0 : i32
    %dma_wait3A_116 = arith.constant 0 : i32
    %dma_wait3A_117 = tpu.memref_slice %arg8[%dma_wait3A_115, %dma_wait3A_116] : memref<10000x64xf32, #tpu.memory_space<vmem_shared>> -> memref<10000x64xf32, #tpu.memory_space<vmem_shared>>
    %dma_wait3A_118 = tpu.memref_slice %arg10[%dma_wait3A_107] : memref<4x!tpu.dma_semaphore, #tpu.memory_space<semaphore_mem>> -> memref<1x!tpu.dma_semaphore, #tpu.memory_space<semaphore_mem>>
    %dma_wait3A_119 = tpu.memref_squeeze %dma_wait3A_118 : memref<1x!tpu.dma_semaphore, #tpu.memory_space<semaphore_mem>> -> memref<!tpu.dma_semaphore, #tpu.memory_space<semaphore_mem>>
    tpu.wait_indirect_dma semaphore(%dma_wait3A_119 : memref<!tpu.dma_semaphore, #tpu.memory_space<semaphore_mem>>) src(%dma_wait3A_111 : memref<125x64xf32, #tpu.memory_space<vmem>>) dst(%dma_wait3A_117 : memref<10000x64xf32, #tpu.memory_space<vmem_shared>>)
    %dma_wait3A_120 = arith.constant 2 : i32
    %dma_wait3A_121 = arith.constant 158 : i32
    %dma_wait3A_122 = arith.constant 2 : i32
    %dma_wait3A_123 = arith.constant 0 : i32
    %dma_wait3A_124 = arith.constant 0 : i32
    %dma_wait3A_125 = tpu.memref_slice %arg7[%dma_wait3A_120, %dma_wait3A_123, %dma_wait3A_124] : memref<4x125x64xf32, #tpu.memory_space<vmem>> -> memref<1x125x64xf32, #tpu.memory_space<vmem>>
    %dma_wait3A_126 = tpu.memref_squeeze %dma_wait3A_125 : memref<1x125x64xf32, #tpu.memory_space<vmem>> -> memref<125x64xf32, #tpu.memory_space<vmem>>
    %dma_wait3A_127 = arith.constant 0 : i32
    %dma_wait3A_128 = tpu.memref_slice %arg6[%dma_wait3A_121, %dma_wait3A_127] : memref<160x125xi32, #tpu.memory_space<vmem>> -> memref<1x125xi32, #tpu.memory_space<vmem>>
    %dma_wait3A_129 = tpu.memref_squeeze %dma_wait3A_128 : memref<1x125xi32, #tpu.memory_space<vmem>> -> memref<125xi32, #tpu.memory_space<vmem>>
    %dma_wait3A_130 = arith.constant 0 : i32
    %dma_wait3A_131 = arith.constant 0 : i32
    %dma_wait3A_132 = tpu.memref_slice %arg8[%dma_wait3A_130, %dma_wait3A_131] : memref<10000x64xf32, #tpu.memory_space<vmem_shared>> -> memref<10000x64xf32, #tpu.memory_space<vmem_shared>>
    %dma_wait3A_133 = tpu.memref_slice %arg10[%dma_wait3A_122] : memref<4x!tpu.dma_semaphore, #tpu.memory_space<semaphore_mem>> -> memref<1x!tpu.dma_semaphore, #tpu.memory_space<semaphore_mem>>
    %dma_wait3A_134 = tpu.memref_squeeze %dma_wait3A_133 : memref<1x!tpu.dma_semaphore, #tpu.memory_space<semaphore_mem>> -> memref<!tpu.dma_semaphore, #tpu.memory_space<semaphore_mem>>
    tpu.wait_indirect_dma semaphore(%dma_wait3A_134 : memref<!tpu.dma_semaphore, #tpu.memory_space<semaphore_mem>>) src(%dma_wait3A_126 : memref<125x64xf32, #tpu.memory_space<vmem>>) dst(%dma_wait3A_132 : memref<10000x64xf32, #tpu.memory_space<vmem_shared>>)
    %dma_wait3A_135 = arith.constant 3 : i32
    %dma_wait3A_136 = arith.constant 159 : i32
    %dma_wait3A_137 = arith.constant 3 : i32
    %dma_wait3A_138 = arith.constant 0 : i32
    %dma_wait3A_139 = arith.constant 0 : i32
    %dma_wait3A_140 = tpu.memref_slice %arg7[%dma_wait3A_135, %dma_wait3A_138, %dma_wait3A_139] : memref<4x125x64xf32, #tpu.memory_space<vmem>> -> memref<1x125x64xf32, #tpu.memory_space<vmem>>
    %dma_wait3A_141 = tpu.memref_squeeze %dma_wait3A_140 : memref<1x125x64xf32, #tpu.memory_space<vmem>> -> memref<125x64xf32, #tpu.memory_space<vmem>>
    %dma_wait3A_142 = arith.constant 0 : i32
    %dma_wait3A_143 = tpu.memref_slice %arg6[%dma_wait3A_136, %dma_wait3A_142] : memref<160x125xi32, #tpu.memory_space<vmem>> -> memref<1x125xi32, #tpu.memory_space<vmem>>
    %dma_wait3A_144 = tpu.memref_squeeze %dma_wait3A_143 : memref<1x125xi32, #tpu.memory_space<vmem>> -> memref<125xi32, #tpu.memory_space<vmem>>
    %dma_wait3A_145 = arith.constant 0 : i32
    %dma_wait3A_146 = arith.constant 0 : i32
    %dma_wait3A_147 = tpu.memref_slice %arg8[%dma_wait3A_145, %dma_wait3A_146] : memref<10000x64xf32, #tpu.memory_space<vmem_shared>> -> memref<10000x64xf32, #tpu.memory_space<vmem_shared>>
    %dma_wait3A_148 = tpu.memref_slice %arg10[%dma_wait3A_137] : memref<4x!tpu.dma_semaphore, #tpu.memory_space<semaphore_mem>> -> memref<1x!tpu.dma_semaphore, #tpu.memory_space<semaphore_mem>>
    %dma_wait3A_149 = tpu.memref_squeeze %dma_wait3A_148 : memref<1x!tpu.dma_semaphore, #tpu.memory_space<semaphore_mem>> -> memref<!tpu.dma_semaphore, #tpu.memory_space<semaphore_mem>>
    tpu.wait_indirect_dma semaphore(%dma_wait3A_149 : memref<!tpu.dma_semaphore, #tpu.memory_space<semaphore_mem>>) src(%dma_wait3A_141 : memref<125x64xf32, #tpu.memory_space<vmem>>) dst(%dma_wait3A_147 : memref<10000x64xf32, #tpu.memory_space<vmem_shared>>)
    %barrier3A_150 = arith.constant 0 : index
    tpu.barrier barrier_id(%barrier3A_150)
    %mul3A_151 = arith.constant 624 : i32
    %mul3A_152 = arith.muli %arg1, %mul3A_151 : i32
    %mul3A_153 = arith.constant 624 : i32
    %mul3A_154 = arith.muli %arg1, %mul3A_153 : i32
    "tpu.region"() ({
      %run_scoped3A_160 = tpu.sem_alloc : memref<!tpu.dma_semaphore, #tpu.memory_space<semaphore_mem>>
      %dma_start3A_161 = arith.constant 0 : i32
      %dma_start3A_162 = arith.constant 0 : i32
      %dma_start3A_163 = tpu.memref_slice %arg4[%arg0, %dma_start3A_161, %dma_start3A_162] : memref<2x10000x64xf32, #tpu.memory_space<hbm>> -> memref<1x10000x64xf32, #tpu.memory_space<hbm>>
      %dma_start3A_164 = tpu.memref_squeeze %dma_start3A_163 : memref<1x10000x64xf32, #tpu.memory_space<hbm>> -> memref<10000x64xf32, #tpu.memory_space<hbm>>
      %dma_start3A_165 = arith.constant 0 : i32
      %dma_start3A_166 = tpu.memref_slice %dma_start3A_164[%mul3A_154, %dma_start3A_165] : memref<10000x64xf32, #tpu.memory_space<hbm>> -> memref<624x64xf32, #tpu.memory_space<hbm>>
      %dma_start3A_167 = arith.constant 0 : i32
      %dma_start3A_168 = tpu.memref_slice %arg8[%mul3A_152, %dma_start3A_167] : memref<10000x64xf32, #tpu.memory_space<vmem_shared>> -> memref<624x64xf32, #tpu.memory_space<vmem_shared>>
      tpu.enqueue_dma source(%dma_start3A_168 : memref<624x64xf32, #tpu.memory_space<vmem_shared>>) target(%dma_start3A_166 : memref<624x64xf32, #tpu.memory_space<hbm>>) target_semaphore(%run_scoped3A_160 : memref<!tpu.dma_semaphore, #tpu.memory_space<semaphore_mem>>)
      %dma_wait3A_169 = arith.constant 0 : i32
      %dma_wait3A_170 = arith.constant 0 : i32
      %dma_wait3A_171 = tpu.memref_slice %arg4[%arg0, %dma_wait3A_169, %dma_wait3A_170] : memref<2x10000x64xf32, #tpu.memory_space<hbm>> -> memref<1x10000x64xf32, #tpu.memory_space<hbm>>
      %dma_wait3A_172 = tpu.memref_squeeze %dma_wait3A_171 : memref<1x10000x64xf32, #tpu.memory_space<hbm>> -> memref<10000x64xf32, #tpu.memory_space<hbm>>
      %dma_wait3A_173 = arith.constant 0 : i32
      %dma_wait3A_174 = tpu.memref_slice %dma_wait3A_172[%mul3A_154, %dma_wait3A_173] : memref<10000x64xf32, #tpu.memory_space<hbm>> -> memref<624x64xf32, #tpu.memory_space<hbm>>
      %dma_wait3A_175 = arith.constant 0 : i32
      %dma_wait3A_176 = tpu.memref_slice %arg8[%mul3A_152, %dma_wait3A_175] : memref<10000x64xf32, #tpu.memory_space<vmem_shared>> -> memref<624x64xf32, #tpu.memory_space<vmem_shared>>
      tpu.wait_dma2 semaphore(%run_scoped3A_160 : memref<!tpu.dma_semaphore, #tpu.memory_space<semaphore_mem>>) src(%dma_wait3A_176 : memref<624x64xf32, #tpu.memory_space<vmem_shared>>) dst(%dma_wait3A_174 : memref<624x64xf32, #tpu.memory_space<hbm>>)
      tpu.yield
    }) : () -> ()
    %eq3A_155 = arith.constant 0 : i32
    %eq3A_156 = arith.cmpi eq, %arg1, %eq3A_155 : i32
    %convert_element_type3A_157 = arith.extui %eq3A_156 : i1 to i32
    %cond3A_158 = arith.constant 0 : i32
    %cond3A_159 = arith.cmpi ne, %convert_element_type3A_157, %cond3A_158 : i32
    scf.if %cond3A_159 {
      "tpu.region"() ({
        %run_scoped3A_160 = tpu.sem_alloc : memref<!tpu.dma_semaphore, #tpu.memory_space<semaphore_mem>>
        %dma_start3A_161 = arith.constant 0 : i32
        %dma_start3A_162 = arith.constant 0 : i32
        %dma_start3A_163 = tpu.memref_slice %arg4[%arg0, %dma_start3A_161, %dma_start3A_162] : memref<2x10000x64xf32, #tpu.memory_space<hbm>> -> memref<1x10000x64xf32, #tpu.memory_space<hbm>>
        %dma_start3A_164 = tpu.memref_squeeze %dma_start3A_163 : memref<1x10000x64xf32, #tpu.memory_space<hbm>> -> memref<10000x64xf32, #tpu.memory_space<hbm>>
        %dma_start3A_165 = arith.constant 9984 : i32
        %dma_start3A_166 = arith.constant 0 : i32
        %dma_start3A_167 = tpu.memref_slice %dma_start3A_164[%dma_start3A_165, %dma_start3A_166] : memref<10000x64xf32, #tpu.memory_space<hbm>> -> memref<16x64xf32, #tpu.memory_space<hbm>>
        %dma_start3A_168 = arith.constant 9984 : i32
        %dma_start3A_169 = arith.constant 0 : i32
        %dma_start3A_170 = tpu.memref_slice %arg8[%dma_start3A_168, %dma_start3A_169] : memref<10000x64xf32, #tpu.memory_space<vmem_shared>> -> memref<16x64xf32, #tpu.memory_space<vmem_shared>>
        tpu.enqueue_dma source(%dma_start3A_170 : memref<16x64xf32, #tpu.memory_space<vmem_shared>>) target(%dma_start3A_167 : memref<16x64xf32, #tpu.memory_space<hbm>>) target_semaphore(%run_scoped3A_160 : memref<!tpu.dma_semaphore, #tpu.memory_space<semaphore_mem>>)
        %dma_wait3A_171 = arith.constant 0 : i32
        %dma_wait3A_172 = arith.constant 0 : i32
        %dma_wait3A_173 = tpu.memref_slice %arg4[%arg0, %dma_wait3A_171, %dma_wait3A_172] : memref<2x10000x64xf32, #tpu.memory_space<hbm>> -> memref<1x10000x64xf32, #tpu.memory_space<hbm>>
        %dma_wait3A_174 = tpu.memref_squeeze %dma_wait3A_173 : memref<1x10000x64xf32, #tpu.memory_space<hbm>> -> memref<10000x64xf32, #tpu.memory_space<hbm>>
        %dma_wait3A_175 = arith.constant 9984 : i32
        %dma_wait3A_176 = arith.constant 0 : i32
        %dma_wait3A_177 = tpu.memref_slice %dma_wait3A_174[%dma_wait3A_175, %dma_wait3A_176] : memref<10000x64xf32, #tpu.memory_space<hbm>> -> memref<16x64xf32, #tpu.memory_space<hbm>>
        %dma_wait3A_178 = arith.constant 9984 : i32
        %dma_wait3A_179 = arith.constant 0 : i32
        %dma_wait3A_180 = tpu.memref_slice %arg8[%dma_wait3A_178, %dma_wait3A_179] : memref<10000x64xf32, #tpu.memory_space<vmem_shared>> -> memref<16x64xf32, #tpu.memory_space<vmem_shared>>
        tpu.wait_dma2 semaphore(%run_scoped3A_160 : memref<!tpu.dma_semaphore, #tpu.memory_space<semaphore_mem>>) src(%dma_wait3A_180 : memref<16x64xf32, #tpu.memory_space<vmem_shared>>) dst(%dma_wait3A_177 : memref<16x64xf32, #tpu.memory_space<hbm>>)
        tpu.yield
      }) : () -> ()
    } else {
    }
    return
  }
}

#map = affine_map<(d0, d1) -> (0, 0, 0)>
#map1 = affine_map<(d0, d1) -> (0, 0)>
module attributes {stable_mosaic.version = 14 : i64} {
  func.func @_deg_sc(%arg0: i32, %arg1: i32, %arg2: memref<2x2560x125xi32, #tpu.memory_space<hbm>>, %arg3: memref<125x16xf32, #tpu.memory_space<hbm>>, %arg4: memref<10000x16xf32, #tpu.memory_space<hbm>>, %arg5: memref<2x10000x16xf32, #tpu.memory_space<hbm>>, %arg6: memref<80x125xi32, #tpu.memory_space<vmem>>, %arg7: memref<125x16xf32, #tpu.memory_space<vmem>>, %arg8: memref<10000x16xf32, #tpu.memory_space<vmem_shared>>) attributes {dimension_semantics = [#tpu.dimension_semantics<core_parallel>, #tpu.dimension_semantics<subcore_parallel>], iteration_bounds = array<i64: 2, 16>, scalar_prefetch = 0 : i64, scratch_operands = 3 : i64, tpu.core_type = #tpu.core_type<sc_vector_subcore>, window_params = [{transform_indices = #map}, {transform_indices = #map1}, {transform_indices = #map1}, {transform_indices = #map}]} {
    %mul3A = arith.constant 16 : i32
    %mul3A_0 = arith.muli %arg0, %mul3A : i32
    %add3A = arith.addi %mul3A_0, %arg1 : i32
    %mul3A_1 = arith.constant 624 : i32
    %mul3A_2 = arith.muli %arg1, %mul3A_1 : i32
    %mul3A_3 = arith.constant 624 : i32
    %mul3A_4 = arith.muli %arg1, %mul3A_3 : i32
    "tpu.region"() ({
      %run_scoped3A_25 = tpu.sem_alloc : memref<!tpu.dma_semaphore, #tpu.memory_space<semaphore_mem>>
      %dma_start3A = arith.constant 0 : i32
      %dma_start3A_26 = tpu.memref_slice %arg8[%mul3A_4, %dma_start3A] : memref<10000x16xf32, #tpu.memory_space<vmem_shared>> -> memref<624x16xf32, #tpu.memory_space<vmem_shared>>
      %dma_start3A_27 = arith.constant 0 : i32
      %dma_start3A_28 = tpu.memref_slice %arg4[%mul3A_2, %dma_start3A_27] : memref<10000x16xf32, #tpu.memory_space<hbm>> -> memref<624x16xf32, #tpu.memory_space<hbm>>
      tpu.enqueue_dma source(%dma_start3A_28 : memref<624x16xf32, #tpu.memory_space<hbm>>) target(%dma_start3A_26 : memref<624x16xf32, #tpu.memory_space<vmem_shared>>) target_semaphore(%run_scoped3A_25 : memref<!tpu.dma_semaphore, #tpu.memory_space<semaphore_mem>>)
      %dma_wait3A = arith.constant 0 : i32
      %dma_wait3A_29 = tpu.memref_slice %arg8[%mul3A_4, %dma_wait3A] : memref<10000x16xf32, #tpu.memory_space<vmem_shared>> -> memref<624x16xf32, #tpu.memory_space<vmem_shared>>
      %dma_wait3A_30 = arith.constant 0 : i32
      %dma_wait3A_31 = tpu.memref_slice %arg4[%mul3A_2, %dma_wait3A_30] : memref<10000x16xf32, #tpu.memory_space<hbm>> -> memref<624x16xf32, #tpu.memory_space<hbm>>
      tpu.wait_dma2 semaphore(%run_scoped3A_25 : memref<!tpu.dma_semaphore, #tpu.memory_space<semaphore_mem>>) src(%dma_wait3A_31 : memref<624x16xf32, #tpu.memory_space<hbm>>) dst(%dma_wait3A_29 : memref<624x16xf32, #tpu.memory_space<vmem_shared>>)
      tpu.yield
    }) : () -> ()
    %eq3A = arith.constant 0 : i32
    %eq3A_5 = arith.cmpi eq, %arg1, %eq3A : i32
    %convert_element_type3A = arith.extui %eq3A_5 : i1 to i32
    %cond3A = arith.constant 0 : i32
    %cond3A_6 = arith.cmpi ne, %convert_element_type3A, %cond3A : i32
    scf.if %cond3A_6 {
      "tpu.region"() ({
        %run_scoped3A_25 = tpu.sem_alloc : memref<!tpu.dma_semaphore, #tpu.memory_space<semaphore_mem>>
        %dma_start3A = arith.constant 9984 : i32
        %dma_start3A_26 = arith.constant 0 : i32
        %dma_start3A_27 = tpu.memref_slice %arg8[%dma_start3A, %dma_start3A_26] : memref<10000x16xf32, #tpu.memory_space<vmem_shared>> -> memref<16x16xf32, #tpu.memory_space<vmem_shared>>
        %dma_start3A_28 = arith.constant 9984 : i32
        %dma_start3A_29 = arith.constant 0 : i32
        %dma_start3A_30 = tpu.memref_slice %arg4[%dma_start3A_28, %dma_start3A_29] : memref<10000x16xf32, #tpu.memory_space<hbm>> -> memref<16x16xf32, #tpu.memory_space<hbm>>
        tpu.enqueue_dma source(%dma_start3A_30 : memref<16x16xf32, #tpu.memory_space<hbm>>) target(%dma_start3A_27 : memref<16x16xf32, #tpu.memory_space<vmem_shared>>) target_semaphore(%run_scoped3A_25 : memref<!tpu.dma_semaphore, #tpu.memory_space<semaphore_mem>>)
        %dma_wait3A = arith.constant 9984 : i32
        %dma_wait3A_31 = arith.constant 0 : i32
        %dma_wait3A_32 = tpu.memref_slice %arg8[%dma_wait3A, %dma_wait3A_31] : memref<10000x16xf32, #tpu.memory_space<vmem_shared>> -> memref<16x16xf32, #tpu.memory_space<vmem_shared>>
        %dma_wait3A_33 = arith.constant 9984 : i32
        %dma_wait3A_34 = arith.constant 0 : i32
        %dma_wait3A_35 = tpu.memref_slice %arg4[%dma_wait3A_33, %dma_wait3A_34] : memref<10000x16xf32, #tpu.memory_space<hbm>> -> memref<16x16xf32, #tpu.memory_space<hbm>>
        tpu.wait_dma2 semaphore(%run_scoped3A_25 : memref<!tpu.dma_semaphore, #tpu.memory_space<semaphore_mem>>) src(%dma_wait3A_35 : memref<16x16xf32, #tpu.memory_space<hbm>>) dst(%dma_wait3A_32 : memref<16x16xf32, #tpu.memory_space<vmem_shared>>)
        tpu.yield
      }) : () -> ()
    } else {
    }
    %mul3A_7 = arith.constant 80 : i32
    %mul3A_8 = arith.muli %add3A, %mul3A_7 : i32
    %run_scoped3A = arith.constant 1 : i32
    "tpu.region"() ({
      %run_scoped3A_25 = tpu.sem_alloc : memref<!tpu.dma_semaphore, #tpu.memory_space<semaphore_mem>>
      %dma_start3A = arith.constant 0 : i32
      %dma_start3A_26 = arith.constant 0 : i32
      %dma_start3A_27 = tpu.memref_slice %arg2[%run_scoped3A, %dma_start3A, %dma_start3A_26] : memref<2x2560x125xi32, #tpu.memory_space<hbm>> -> memref<1x2560x125xi32, #tpu.memory_space<hbm>>
      %dma_start3A_28 = tpu.memref_squeeze %dma_start3A_27 : memref<1x2560x125xi32, #tpu.memory_space<hbm>> -> memref<2560x125xi32, #tpu.memory_space<hbm>>
      %dma_start3A_29 = arith.constant 0 : i32
      %dma_start3A_30 = tpu.memref_slice %dma_start3A_28[%mul3A_8, %dma_start3A_29] : memref<2560x125xi32, #tpu.memory_space<hbm>> -> memref<80x125xi32, #tpu.memory_space<hbm>>
      %dma_start3A_31 = arith.constant 0 : i32
      %dma_start3A_32 = arith.constant 0 : i32
      %dma_start3A_33 = tpu.memref_slice %arg2[%run_scoped3A, %dma_start3A_31, %dma_start3A_32] : memref<2x2560x125xi32, #tpu.memory_space<hbm>> -> memref<1x2560x125xi32, #tpu.memory_space<hbm>>
      %dma_start3A_34 = tpu.memref_squeeze %dma_start3A_33 : memref<1x2560x125xi32, #tpu.memory_space<hbm>> -> memref<2560x125xi32, #tpu.memory_space<hbm>>
      %dma_start3A_35 = arith.constant 0 : i32
      %dma_start3A_36 = tpu.memref_slice %dma_start3A_34[%mul3A_8, %dma_start3A_35] : memref<2560x125xi32, #tpu.memory_space<hbm>> -> memref<80x125xi32, #tpu.memory_space<hbm>>
      tpu.enqueue_dma source(%dma_start3A_36 : memref<80x125xi32, #tpu.memory_space<hbm>>) target(%arg6 : memref<80x125xi32, #tpu.memory_space<vmem>>) target_semaphore(%run_scoped3A_25 : memref<!tpu.dma_semaphore, #tpu.memory_space<semaphore_mem>>)
      %dma_wait3A = arith.constant 0 : i32
      %dma_wait3A_37 = arith.constant 0 : i32
      %dma_wait3A_38 = tpu.memref_slice %arg2[%run_scoped3A, %dma_wait3A, %dma_wait3A_37] : memref<2x2560x125xi32, #tpu.memory_space<hbm>> -> memref<1x2560x125xi32, #tpu.memory_space<hbm>>
      %dma_wait3A_39 = tpu.memref_squeeze %dma_wait3A_38 : memref<1x2560x125xi32, #tpu.memory_space<hbm>> -> memref<2560x125xi32, #tpu.memory_space<hbm>>
      %dma_wait3A_40 = arith.constant 0 : i32
      %dma_wait3A_41 = tpu.memref_slice %dma_wait3A_39[%mul3A_8, %dma_wait3A_40] : memref<2560x125xi32, #tpu.memory_space<hbm>> -> memref<80x125xi32, #tpu.memory_space<hbm>>
      %dma_wait3A_42 = arith.constant 0 : i32
      %dma_wait3A_43 = arith.constant 0 : i32
      %dma_wait3A_44 = tpu.memref_slice %arg2[%run_scoped3A, %dma_wait3A_42, %dma_wait3A_43] : memref<2x2560x125xi32, #tpu.memory_space<hbm>> -> memref<1x2560x125xi32, #tpu.memory_space<hbm>>
      %dma_wait3A_45 = tpu.memref_squeeze %dma_wait3A_44 : memref<1x2560x125xi32, #tpu.memory_space<hbm>> -> memref<2560x125xi32, #tpu.memory_space<hbm>>
      %dma_wait3A_46 = arith.constant 0 : i32
      %dma_wait3A_47 = tpu.memref_slice %dma_wait3A_45[%mul3A_8, %dma_wait3A_46] : memref<2560x125xi32, #tpu.memory_space<hbm>> -> memref<80x125xi32, #tpu.memory_space<hbm>>
      tpu.wait_dma2 semaphore(%run_scoped3A_25 : memref<!tpu.dma_semaphore, #tpu.memory_space<semaphore_mem>>) src(%dma_wait3A_47 : memref<80x125xi32, #tpu.memory_space<hbm>>) dst(%arg6 : memref<80x125xi32, #tpu.memory_space<vmem>>)
      tpu.yield
    }) : () -> ()
    "tpu.region"() ({
      %run_scoped3A_25 = tpu.sem_alloc : memref<!tpu.dma_semaphore, #tpu.memory_space<semaphore_mem>>
      tpu.enqueue_dma source(%arg3 : memref<125x16xf32, #tpu.memory_space<hbm>>) target(%arg7 : memref<125x16xf32, #tpu.memory_space<vmem>>) target_semaphore(%run_scoped3A_25 : memref<!tpu.dma_semaphore, #tpu.memory_space<semaphore_mem>>)
      tpu.wait_dma2 semaphore(%run_scoped3A_25 : memref<!tpu.dma_semaphore, #tpu.memory_space<semaphore_mem>>) src(%arg3 : memref<125x16xf32, #tpu.memory_space<hbm>>) dst(%arg7 : memref<125x16xf32, #tpu.memory_space<vmem>>)
      tpu.yield
    }) : () -> ()
    %barrier3A = arith.constant 0 : index
    tpu.barrier barrier_id(%barrier3A)
    %scan3A = arith.constant 0 : i32
    %scan3A_9 = arith.constant 0 : i32
    %scan3A_10 = arith.constant 80 : i32
    %scan3A_11 = arith.addi %scan3A_9, %scan3A_10 : i32
    %scan3A_12 = arith.constant 1 : i32
    %scan3A_13 = scf.for %scan3A_25 = %scan3A_9 to %scan3A_11 step %scan3A_12 iter_args(%scan3A_26 = %scan3A) -> (i32)  : i32 {
      "tpu.region"() ({
        %run_scoped3A_28 = tpu.sem_alloc : memref<!tpu.dma_semaphore, #tpu.memory_space<semaphore_mem>>
        %dma_start3A = arith.constant 0 : i32
        %dma_start3A_29 = tpu.memref_slice %arg6[%scan3A_25, %dma_start3A] : memref<80x125xi32, #tpu.memory_space<vmem>> -> memref<1x125xi32, #tpu.memory_space<vmem>>
        %dma_start3A_30 = tpu.memref_squeeze %dma_start3A_29 : memref<1x125xi32, #tpu.memory_space<vmem>> -> memref<125xi32, #tpu.memory_space<vmem>>
        %dma_start3A_31 = arith.constant 0 : i32
        %dma_start3A_32 = arith.constant 0 : i32
        %dma_start3A_33 = tpu.memref_slice %arg8[%dma_start3A_31, %dma_start3A_32] : memref<10000x16xf32, #tpu.memory_space<vmem_shared>> -> memref<10000x16xf32, #tpu.memory_space<vmem_shared>>
        tpu.enqueue_indirect_dma source(%arg7 : memref<125x16xf32, #tpu.memory_space<vmem>>) target(%dma_start3A_33 : memref<10000x16xf32, #tpu.memory_space<vmem_shared>>) offsets(%dma_start3A_30 : memref<125xi32, #tpu.memory_space<vmem>>) semaphore(%run_scoped3A_28 : memref<!tpu.dma_semaphore, #tpu.memory_space<semaphore_mem>>) {add = true}
        %dma_wait3A = arith.constant 0 : i32
        %dma_wait3A_34 = tpu.memref_slice %arg6[%scan3A_25, %dma_wait3A] : memref<80x125xi32, #tpu.memory_space<vmem>> -> memref<1x125xi32, #tpu.memory_space<vmem>>
        %dma_wait3A_35 = tpu.memref_squeeze %dma_wait3A_34 : memref<1x125xi32, #tpu.memory_space<vmem>> -> memref<125xi32, #tpu.memory_space<vmem>>
        %dma_wait3A_36 = arith.constant 0 : i32
        %dma_wait3A_37 = arith.constant 0 : i32
        %dma_wait3A_38 = tpu.memref_slice %arg8[%dma_wait3A_36, %dma_wait3A_37] : memref<10000x16xf32, #tpu.memory_space<vmem_shared>> -> memref<10000x16xf32, #tpu.memory_space<vmem_shared>>
        tpu.wait_indirect_dma semaphore(%run_scoped3A_28 : memref<!tpu.dma_semaphore, #tpu.memory_space<semaphore_mem>>) src(%arg7 : memref<125x16xf32, #tpu.memory_space<vmem>>) dst(%dma_wait3A_38 : memref<10000x16xf32, #tpu.memory_space<vmem_shared>>)
        tpu.yield
      }) : () -> ()
      %scan3A_27 = arith.constant 0 : i32
      scf.yield %scan3A_27 : i32
    }
    %scan3A_14 = arith.constant 80 : i32
    %barrier3A_15 = arith.constant 0 : index
    tpu.barrier barrier_id(%barrier3A_15)
    %mul3A_16 = arith.constant 624 : i32
    %mul3A_17 = arith.muli %arg1, %mul3A_16 : i32
    %mul3A_18 = arith.constant 624 : i32
    %mul3A_19 = arith.muli %arg1, %mul3A_18 : i32
    "tpu.region"() ({
      %run_scoped3A_25 = tpu.sem_alloc : memref<!tpu.dma_semaphore, #tpu.memory_space<semaphore_mem>>
      %dma_start3A = arith.constant 0 : i32
      %dma_start3A_26 = arith.constant 0 : i32
      %dma_start3A_27 = tpu.memref_slice %arg5[%arg0, %dma_start3A, %dma_start3A_26] : memref<2x10000x16xf32, #tpu.memory_space<hbm>> -> memref<1x10000x16xf32, #tpu.memory_space<hbm>>
      %dma_start3A_28 = tpu.memref_squeeze %dma_start3A_27 : memref<1x10000x16xf32, #tpu.memory_space<hbm>> -> memref<10000x16xf32, #tpu.memory_space<hbm>>
      %dma_start3A_29 = arith.constant 0 : i32
      %dma_start3A_30 = tpu.memref_slice %dma_start3A_28[%mul3A_19, %dma_start3A_29] : memref<10000x16xf32, #tpu.memory_space<hbm>> -> memref<624x16xf32, #tpu.memory_space<hbm>>
      %dma_start3A_31 = arith.constant 0 : i32
      %dma_start3A_32 = tpu.memref_slice %arg8[%mul3A_17, %dma_start3A_31] : memref<10000x16xf32, #tpu.memory_space<vmem_shared>> -> memref<624x16xf32, #tpu.memory_space<vmem_shared>>
      tpu.enqueue_dma source(%dma_start3A_32 : memref<624x16xf32, #tpu.memory_space<vmem_shared>>) target(%dma_start3A_30 : memref<624x16xf32, #tpu.memory_space<hbm>>) target_semaphore(%run_scoped3A_25 : memref<!tpu.dma_semaphore, #tpu.memory_space<semaphore_mem>>)
      %dma_wait3A = arith.constant 0 : i32
      %dma_wait3A_33 = arith.constant 0 : i32
      %dma_wait3A_34 = tpu.memref_slice %arg5[%arg0, %dma_wait3A, %dma_wait3A_33] : memref<2x10000x16xf32, #tpu.memory_space<hbm>> -> memref<1x10000x16xf32, #tpu.memory_space<hbm>>
      %dma_wait3A_35 = tpu.memref_squeeze %dma_wait3A_34 : memref<1x10000x16xf32, #tpu.memory_space<hbm>> -> memref<10000x16xf32, #tpu.memory_space<hbm>>
      %dma_wait3A_36 = arith.constant 0 : i32
      %dma_wait3A_37 = tpu.memref_slice %dma_wait3A_35[%mul3A_19, %dma_wait3A_36] : memref<10000x16xf32, #tpu.memory_space<hbm>> -> memref<624x16xf32, #tpu.memory_space<hbm>>
      %dma_wait3A_38 = arith.constant 0 : i32
      %dma_wait3A_39 = tpu.memref_slice %arg8[%mul3A_17, %dma_wait3A_38] : memref<10000x16xf32, #tpu.memory_space<vmem_shared>> -> memref<624x16xf32, #tpu.memory_space<vmem_shared>>
      tpu.wait_dma2 semaphore(%run_scoped3A_25 : memref<!tpu.dma_semaphore, #tpu.memory_space<semaphore_mem>>) src(%dma_wait3A_39 : memref<624x16xf32, #tpu.memory_space<vmem_shared>>) dst(%dma_wait3A_37 : memref<624x16xf32, #tpu.memory_space<hbm>>)
      tpu.yield
    }) : () -> ()
    %eq3A_20 = arith.constant 0 : i32
    %eq3A_21 = arith.cmpi eq, %arg1, %eq3A_20 : i32
    %convert_element_type3A_22 = arith.extui %eq3A_21 : i1 to i32
    %cond3A_23 = arith.constant 0 : i32
    %cond3A_24 = arith.cmpi ne, %convert_element_type3A_22, %cond3A_23 : i32
    scf.if %cond3A_24 {
      "tpu.region"() ({
        %run_scoped3A_25 = tpu.sem_alloc : memref<!tpu.dma_semaphore, #tpu.memory_space<semaphore_mem>>
        %dma_start3A = arith.constant 0 : i32
        %dma_start3A_26 = arith.constant 0 : i32
        %dma_start3A_27 = tpu.memref_slice %arg5[%arg0, %dma_start3A, %dma_start3A_26] : memref<2x10000x16xf32, #tpu.memory_space<hbm>> -> memref<1x10000x16xf32, #tpu.memory_space<hbm>>
        %dma_start3A_28 = tpu.memref_squeeze %dma_start3A_27 : memref<1x10000x16xf32, #tpu.memory_space<hbm>> -> memref<10000x16xf32, #tpu.memory_space<hbm>>
        %dma_start3A_29 = arith.constant 9984 : i32
        %dma_start3A_30 = arith.constant 0 : i32
        %dma_start3A_31 = tpu.memref_slice %dma_start3A_28[%dma_start3A_29, %dma_start3A_30] : memref<10000x16xf32, #tpu.memory_space<hbm>> -> memref<16x16xf32, #tpu.memory_space<hbm>>
        %dma_start3A_32 = arith.constant 9984 : i32
        %dma_start3A_33 = arith.constant 0 : i32
        %dma_start3A_34 = tpu.memref_slice %arg8[%dma_start3A_32, %dma_start3A_33] : memref<10000x16xf32, #tpu.memory_space<vmem_shared>> -> memref<16x16xf32, #tpu.memory_space<vmem_shared>>
        tpu.enqueue_dma source(%dma_start3A_34 : memref<16x16xf32, #tpu.memory_space<vmem_shared>>) target(%dma_start3A_31 : memref<16x16xf32, #tpu.memory_space<hbm>>) target_semaphore(%run_scoped3A_25 : memref<!tpu.dma_semaphore, #tpu.memory_space<semaphore_mem>>)
        %dma_wait3A = arith.constant 0 : i32
        %dma_wait3A_35 = arith.constant 0 : i32
        %dma_wait3A_36 = tpu.memref_slice %arg5[%arg0, %dma_wait3A, %dma_wait3A_35] : memref<2x10000x16xf32, #tpu.memory_space<hbm>> -> memref<1x10000x16xf32, #tpu.memory_space<hbm>>
        %dma_wait3A_37 = tpu.memref_squeeze %dma_wait3A_36 : memref<1x10000x16xf32, #tpu.memory_space<hbm>> -> memref<10000x16xf32, #tpu.memory_space<hbm>>
        %dma_wait3A_38 = arith.constant 9984 : i32
        %dma_wait3A_39 = arith.constant 0 : i32
        %dma_wait3A_40 = tpu.memref_slice %dma_wait3A_37[%dma_wait3A_38, %dma_wait3A_39] : memref<10000x16xf32, #tpu.memory_space<hbm>> -> memref<16x16xf32, #tpu.memory_space<hbm>>
        %dma_wait3A_41 = arith.constant 9984 : i32
        %dma_wait3A_42 = arith.constant 0 : i32
        %dma_wait3A_43 = tpu.memref_slice %arg8[%dma_wait3A_41, %dma_wait3A_42] : memref<10000x16xf32, #tpu.memory_space<vmem_shared>> -> memref<16x16xf32, #tpu.memory_space<vmem_shared>>
        tpu.wait_dma2 semaphore(%run_scoped3A_25 : memref<!tpu.dma_semaphore, #tpu.memory_space<semaphore_mem>>) src(%dma_wait3A_43 : memref<16x16xf32, #tpu.memory_space<vmem_shared>>) dst(%dma_wait3A_40 : memref<16x16xf32, #tpu.memory_space<hbm>>)
        tpu.yield
      }) : () -> ()
    } else {
    }
    return
  }
}

#map = affine_map<(d0, d1) -> (0, 0, 0)>
module attributes {stable_mosaic.version = 14 : i64} {
  func.func @_spmm_sc(%arg0: i32, %arg1: i32, %arg2: memref<2x10000x64xf32, #tpu.memory_space<hbm>>, %arg3: memref<2x2560x125xi32, #tpu.memory_space<hbm>>, %arg4: memref<2x10000x64xf32, #tpu.memory_space<hbm>>, %arg5: memref<160x125xi32, #tpu.memory_space<vmem>>, %arg6: memref<160x125xi32, #tpu.memory_space<vmem>>, %arg7: memref<4x125x64xf32, #tpu.memory_space<vmem>>, %arg8: memref<10000x64xf32, #tpu.memory_space<vmem_shared>>, %arg9: memref<4x!tpu.dma_semaphore, #tpu.memory_space<semaphore_mem>>, %arg10: memref<4x!tpu.dma_semaphore, #tpu.memory_space<semaphore_mem>>) attributes {dimension_semantics = [#tpu.dimension_semantics<core_parallel>, #tpu.dimension_semantics<subcore_parallel>], iteration_bounds = array<i64: 2, 16>, scalar_prefetch = 0 : i64, scratch_operands = 6 : i64, tpu.core_type = #tpu.core_type<sc_vector_subcore>, window_params = [{transform_indices = #map}, {transform_indices = #map}, {transform_indices = #map}]} {
    %mul3A = arith.constant 624 : i32
    %mul3A_0 = arith.muli %arg1, %mul3A : i32
    %mul3A_1 = arith.constant 624 : i32
    %mul3A_2 = arith.muli %arg1, %mul3A_1 : i32
    "tpu.region"() ({
      %run_scoped3A_160 = tpu.sem_alloc : memref<!tpu.dma_semaphore, #tpu.memory_space<semaphore_mem>>
      %dma_start3A_161 = arith.constant 0 : i32
      %dma_start3A_162 = tpu.memref_slice %arg8[%mul3A_2, %dma_start3A_161] : memref<10000x64xf32, #tpu.memory_space<vmem_shared>> -> memref<624x64xf32, #tpu.memory_space<vmem_shared>>
      %dma_start3A_163 = arith.constant 0 : i32
      %dma_start3A_164 = arith.constant 0 : i32
      %dma_start3A_165 = tpu.memref_slice %arg2[%arg0, %dma_start3A_163, %dma_start3A_164] : memref<2x10000x64xf32, #tpu.memory_space<hbm>> -> memref<1x10000x64xf32, #tpu.memory_space<hbm>>
      %dma_start3A_166 = tpu.memref_squeeze %dma_start3A_165 : memref<1x10000x64xf32, #tpu.memory_space<hbm>> -> memref<10000x64xf32, #tpu.memory_space<hbm>>
      %dma_start3A_167 = arith.constant 0 : i32
      %dma_start3A_168 = tpu.memref_slice %dma_start3A_166[%mul3A_0, %dma_start3A_167] : memref<10000x64xf32, #tpu.memory_space<hbm>> -> memref<624x64xf32, #tpu.memory_space<hbm>>
      tpu.enqueue_dma source(%dma_start3A_168 : memref<624x64xf32, #tpu.memory_space<hbm>>) target(%dma_start3A_162 : memref<624x64xf32, #tpu.memory_space<vmem_shared>>) target_semaphore(%run_scoped3A_160 : memref<!tpu.dma_semaphore, #tpu.memory_space<semaphore_mem>>)
      %dma_wait3A_169 = arith.constant 0 : i32
      %dma_wait3A_170 = tpu.memref_slice %arg8[%mul3A_2, %dma_wait3A_169] : memref<10000x64xf32, #tpu.memory_space<vmem_shared>> -> memref<624x64xf32, #tpu.memory_space<vmem_shared>>
      %dma_wait3A_171 = arith.constant 0 : i32
      %dma_wait3A_172 = arith.constant 0 : i32
      %dma_wait3A_173 = tpu.memref_slice %arg2[%arg0, %dma_wait3A_171, %dma_wait3A_172] : memref<2x10000x64xf32, #tpu.memory_space<hbm>> -> memref<1x10000x64xf32, #tpu.memory_space<hbm>>
      %dma_wait3A_174 = tpu.memref_squeeze %dma_wait3A_173 : memref<1x10000x64xf32, #tpu.memory_space<hbm>> -> memref<10000x64xf32, #tpu.memory_space<hbm>>
      %dma_wait3A_175 = arith.constant 0 : i32
      %dma_wait3A_176 = tpu.memref_slice %dma_wait3A_174[%mul3A_0, %dma_wait3A_175] : memref<10000x64xf32, #tpu.memory_space<hbm>> -> memref<624x64xf32, #tpu.memory_space<hbm>>
      tpu.wait_dma2 semaphore(%run_scoped3A_160 : memref<!tpu.dma_semaphore, #tpu.memory_space<semaphore_mem>>) src(%dma_wait3A_176 : memref<624x64xf32, #tpu.memory_space<hbm>>) dst(%dma_wait3A_170 : memref<624x64xf32, #tpu.memory_space<vmem_shared>>)
      tpu.yield
    }) : () -> ()
    %eq3A = arith.constant 0 : i32
    %eq3A_3 = arith.cmpi eq, %arg1, %eq3A : i32
    %convert_element_type3A = arith.extui %eq3A_3 : i1 to i32
    %cond3A = arith.constant 0 : i32
    %cond3A_4 = arith.cmpi ne, %convert_element_type3A, %cond3A : i32
    scf.if %cond3A_4 {
      "tpu.region"() ({
        %run_scoped3A_160 = tpu.sem_alloc : memref<!tpu.dma_semaphore, #tpu.memory_space<semaphore_mem>>
        %dma_start3A_161 = arith.constant 9984 : i32
        %dma_start3A_162 = arith.constant 0 : i32
        %dma_start3A_163 = tpu.memref_slice %arg8[%dma_start3A_161, %dma_start3A_162] : memref<10000x64xf32, #tpu.memory_space<vmem_shared>> -> memref<16x64xf32, #tpu.memory_space<vmem_shared>>
        %dma_start3A_164 = arith.constant 0 : i32
        %dma_start3A_165 = arith.constant 0 : i32
        %dma_start3A_166 = tpu.memref_slice %arg2[%arg0, %dma_start3A_164, %dma_start3A_165] : memref<2x10000x64xf32, #tpu.memory_space<hbm>> -> memref<1x10000x64xf32, #tpu.memory_space<hbm>>
        %dma_start3A_167 = tpu.memref_squeeze %dma_start3A_166 : memref<1x10000x64xf32, #tpu.memory_space<hbm>> -> memref<10000x64xf32, #tpu.memory_space<hbm>>
        %dma_start3A_168 = arith.constant 9984 : i32
        %dma_start3A_169 = arith.constant 0 : i32
        %dma_start3A_170 = tpu.memref_slice %dma_start3A_167[%dma_start3A_168, %dma_start3A_169] : memref<10000x64xf32, #tpu.memory_space<hbm>> -> memref<16x64xf32, #tpu.memory_space<hbm>>
        tpu.enqueue_dma source(%dma_start3A_170 : memref<16x64xf32, #tpu.memory_space<hbm>>) target(%dma_start3A_163 : memref<16x64xf32, #tpu.memory_space<vmem_shared>>) target_semaphore(%run_scoped3A_160 : memref<!tpu.dma_semaphore, #tpu.memory_space<semaphore_mem>>)
        %dma_wait3A_171 = arith.constant 9984 : i32
        %dma_wait3A_172 = arith.constant 0 : i32
        %dma_wait3A_173 = tpu.memref_slice %arg8[%dma_wait3A_171, %dma_wait3A_172] : memref<10000x64xf32, #tpu.memory_space<vmem_shared>> -> memref<16x64xf32, #tpu.memory_space<vmem_shared>>
        %dma_wait3A_174 = arith.constant 0 : i32
        %dma_wait3A_175 = arith.constant 0 : i32
        %dma_wait3A_176 = tpu.memref_slice %arg2[%arg0, %dma_wait3A_174, %dma_wait3A_175] : memref<2x10000x64xf32, #tpu.memory_space<hbm>> -> memref<1x10000x64xf32, #tpu.memory_space<hbm>>
        %dma_wait3A_177 = tpu.memref_squeeze %dma_wait3A_176 : memref<1x10000x64xf32, #tpu.memory_space<hbm>> -> memref<10000x64xf32, #tpu.memory_space<hbm>>
        %dma_wait3A_178 = arith.constant 9984 : i32
        %dma_wait3A_179 = arith.constant 0 : i32
        %dma_wait3A_180 = tpu.memref_slice %dma_wait3A_177[%dma_wait3A_178, %dma_wait3A_179] : memref<10000x64xf32, #tpu.memory_space<hbm>> -> memref<16x64xf32, #tpu.memory_space<hbm>>
        tpu.wait_dma2 semaphore(%run_scoped3A_160 : memref<!tpu.dma_semaphore, #tpu.memory_space<semaphore_mem>>) src(%dma_wait3A_180 : memref<16x64xf32, #tpu.memory_space<hbm>>) dst(%dma_wait3A_173 : memref<16x64xf32, #tpu.memory_space<vmem_shared>>)
        tpu.yield
      }) : () -> ()
    } else {
    }
    %mul3A_5 = arith.constant 160 : i32
    %mul3A_6 = arith.muli %arg1, %mul3A_5 : i32
    %run_scoped3A = arith.constant 0 : i32
    "tpu.region"() ({
      %run_scoped3A_160 = tpu.sem_alloc : memref<!tpu.dma_semaphore, #tpu.memory_space<semaphore_mem>>
      %dma_start3A_161 = arith.constant 0 : i32
      %dma_start3A_162 = arith.constant 0 : i32
      %dma_start3A_163 = tpu.memref_slice %arg3[%run_scoped3A, %dma_start3A_161, %dma_start3A_162] : memref<2x2560x125xi32, #tpu.memory_space<hbm>> -> memref<1x2560x125xi32, #tpu.memory_space<hbm>>
      %dma_start3A_164 = tpu.memref_squeeze %dma_start3A_163 : memref<1x2560x125xi32, #tpu.memory_space<hbm>> -> memref<2560x125xi32, #tpu.memory_space<hbm>>
      %dma_start3A_165 = arith.constant 0 : i32
      %dma_start3A_166 = tpu.memref_slice %dma_start3A_164[%mul3A_6, %dma_start3A_165] : memref<2560x125xi32, #tpu.memory_space<hbm>> -> memref<160x125xi32, #tpu.memory_space<hbm>>
      %dma_start3A_167 = arith.constant 0 : i32
      %dma_start3A_168 = arith.constant 0 : i32
      %dma_start3A_169 = tpu.memref_slice %arg3[%run_scoped3A, %dma_start3A_167, %dma_start3A_168] : memref<2x2560x125xi32, #tpu.memory_space<hbm>> -> memref<1x2560x125xi32, #tpu.memory_space<hbm>>
      %dma_start3A_170 = tpu.memref_squeeze %dma_start3A_169 : memref<1x2560x125xi32, #tpu.memory_space<hbm>> -> memref<2560x125xi32, #tpu.memory_space<hbm>>
      %dma_start3A_171 = arith.constant 0 : i32
      %dma_start3A_172 = tpu.memref_slice %dma_start3A_170[%mul3A_6, %dma_start3A_171] : memref<2560x125xi32, #tpu.memory_space<hbm>> -> memref<160x125xi32, #tpu.memory_space<hbm>>
      tpu.enqueue_dma source(%dma_start3A_172 : memref<160x125xi32, #tpu.memory_space<hbm>>) target(%arg5 : memref<160x125xi32, #tpu.memory_space<vmem>>) target_semaphore(%run_scoped3A_160 : memref<!tpu.dma_semaphore, #tpu.memory_space<semaphore_mem>>)
      %dma_wait3A_173 = arith.constant 0 : i32
      %dma_wait3A_174 = arith.constant 0 : i32
      %dma_wait3A_175 = tpu.memref_slice %arg3[%run_scoped3A, %dma_wait3A_173, %dma_wait3A_174] : memref<2x2560x125xi32, #tpu.memory_space<hbm>> -> memref<1x2560x125xi32, #tpu.memory_space<hbm>>
      %dma_wait3A_176 = tpu.memref_squeeze %dma_wait3A_175 : memref<1x2560x125xi32, #tpu.memory_space<hbm>> -> memref<2560x125xi32, #tpu.memory_space<hbm>>
      %dma_wait3A_177 = arith.constant 0 : i32
      %dma_wait3A_178 = tpu.memref_slice %dma_wait3A_176[%mul3A_6, %dma_wait3A_177] : memref<2560x125xi32, #tpu.memory_space<hbm>> -> memref<160x125xi32, #tpu.memory_space<hbm>>
      %dma_wait3A_179 = arith.constant 0 : i32
      %dma_wait3A_180 = arith.constant 0 : i32
      %dma_wait3A_181 = tpu.memref_slice %arg3[%run_scoped3A, %dma_wait3A_179, %dma_wait3A_180] : memref<2x2560x125xi32, #tpu.memory_space<hbm>> -> memref<1x2560x125xi32, #tpu.memory_space<hbm>>
      %dma_wait3A_182 = tpu.memref_squeeze %dma_wait3A_181 : memref<1x2560x125xi32, #tpu.memory_space<hbm>> -> memref<2560x125xi32, #tpu.memory_space<hbm>>
      %dma_wait3A_183 = arith.constant 0 : i32
      %dma_wait3A_184 = tpu.memref_slice %dma_wait3A_182[%mul3A_6, %dma_wait3A_183] : memref<2560x125xi32, #tpu.memory_space<hbm>> -> memref<160x125xi32, #tpu.memory_space<hbm>>
      tpu.wait_dma2 semaphore(%run_scoped3A_160 : memref<!tpu.dma_semaphore, #tpu.memory_space<semaphore_mem>>) src(%dma_wait3A_184 : memref<160x125xi32, #tpu.memory_space<hbm>>) dst(%arg5 : memref<160x125xi32, #tpu.memory_space<vmem>>)
      tpu.yield
    }) : () -> ()
    %mul3A_7 = arith.constant 160 : i32
    %mul3A_8 = arith.muli %arg1, %mul3A_7 : i32
    %run_scoped3A_9 = arith.constant 1 : i32
    "tpu.region"() ({
      %run_scoped3A_160 = tpu.sem_alloc : memref<!tpu.dma_semaphore, #tpu.memory_space<semaphore_mem>>
      %dma_start3A_161 = arith.constant 0 : i32
      %dma_start3A_162 = arith.constant 0 : i32
      %dma_start3A_163 = tpu.memref_slice %arg3[%run_scoped3A_9, %dma_start3A_161, %dma_start3A_162] : memref<2x2560x125xi32, #tpu.memory_space<hbm>> -> memref<1x2560x125xi32, #tpu.memory_space<hbm>>
      %dma_start3A_164 = tpu.memref_squeeze %dma_start3A_163 : memref<1x2560x125xi32, #tpu.memory_space<hbm>> -> memref<2560x125xi32, #tpu.memory_space<hbm>>
      %dma_start3A_165 = arith.constant 0 : i32
      %dma_start3A_166 = tpu.memref_slice %dma_start3A_164[%mul3A_8, %dma_start3A_165] : memref<2560x125xi32, #tpu.memory_space<hbm>> -> memref<160x125xi32, #tpu.memory_space<hbm>>
      %dma_start3A_167 = arith.constant 0 : i32
      %dma_start3A_168 = arith.constant 0 : i32
      %dma_start3A_169 = tpu.memref_slice %arg3[%run_scoped3A_9, %dma_start3A_167, %dma_start3A_168] : memref<2x2560x125xi32, #tpu.memory_space<hbm>> -> memref<1x2560x125xi32, #tpu.memory_space<hbm>>
      %dma_start3A_170 = tpu.memref_squeeze %dma_start3A_169 : memref<1x2560x125xi32, #tpu.memory_space<hbm>> -> memref<2560x125xi32, #tpu.memory_space<hbm>>
      %dma_start3A_171 = arith.constant 0 : i32
      %dma_start3A_172 = tpu.memref_slice %dma_start3A_170[%mul3A_8, %dma_start3A_171] : memref<2560x125xi32, #tpu.memory_space<hbm>> -> memref<160x125xi32, #tpu.memory_space<hbm>>
      tpu.enqueue_dma source(%dma_start3A_172 : memref<160x125xi32, #tpu.memory_space<hbm>>) target(%arg6 : memref<160x125xi32, #tpu.memory_space<vmem>>) target_semaphore(%run_scoped3A_160 : memref<!tpu.dma_semaphore, #tpu.memory_space<semaphore_mem>>)
      %dma_wait3A_173 = arith.constant 0 : i32
      %dma_wait3A_174 = arith.constant 0 : i32
      %dma_wait3A_175 = tpu.memref_slice %arg3[%run_scoped3A_9, %dma_wait3A_173, %dma_wait3A_174] : memref<2x2560x125xi32, #tpu.memory_space<hbm>> -> memref<1x2560x125xi32, #tpu.memory_space<hbm>>
      %dma_wait3A_176 = tpu.memref_squeeze %dma_wait3A_175 : memref<1x2560x125xi32, #tpu.memory_space<hbm>> -> memref<2560x125xi32, #tpu.memory_space<hbm>>
      %dma_wait3A_177 = arith.constant 0 : i32
      %dma_wait3A_178 = tpu.memref_slice %dma_wait3A_176[%mul3A_8, %dma_wait3A_177] : memref<2560x125xi32, #tpu.memory_space<hbm>> -> memref<160x125xi32, #tpu.memory_space<hbm>>
      %dma_wait3A_179 = arith.constant 0 : i32
      %dma_wait3A_180 = arith.constant 0 : i32
      %dma_wait3A_181 = tpu.memref_slice %arg3[%run_scoped3A_9, %dma_wait3A_179, %dma_wait3A_180] : memref<2x2560x125xi32, #tpu.memory_space<hbm>> -> memref<1x2560x125xi32, #tpu.memory_space<hbm>>
      %dma_wait3A_182 = tpu.memref_squeeze %dma_wait3A_181 : memref<1x2560x125xi32, #tpu.memory_space<hbm>> -> memref<2560x125xi32, #tpu.memory_space<hbm>>
      %dma_wait3A_183 = arith.constant 0 : i32
      %dma_wait3A_184 = tpu.memref_slice %dma_wait3A_182[%mul3A_8, %dma_wait3A_183] : memref<2560x125xi32, #tpu.memory_space<hbm>> -> memref<160x125xi32, #tpu.memory_space<hbm>>
      tpu.wait_dma2 semaphore(%run_scoped3A_160 : memref<!tpu.dma_semaphore, #tpu.memory_space<semaphore_mem>>) src(%dma_wait3A_184 : memref<160x125xi32, #tpu.memory_space<hbm>>) dst(%arg6 : memref<160x125xi32, #tpu.memory_space<vmem>>)
      tpu.yield
    }) : () -> ()
    %barrier3A = arith.constant 0 : index
    tpu.barrier barrier_id(%barrier3A)
    %dma_start3A = arith.constant 0 : i32
    %dma_start3A_10 = arith.constant 0 : i32
    %dma_start3A_11 = arith.constant 0 : i32
    %dma_start3A_12 = arith.constant 0 : i32
    %dma_start3A_13 = arith.constant 0 : i32
    %dma_start3A_14 = tpu.memref_slice %arg7[%dma_start3A_10, %dma_start3A_12, %dma_start3A_13] : memref<4x125x64xf32, #tpu.memory_space<vmem>> -> memref<1x125x64xf32, #tpu.memory_space<vmem>>
    %dma_start3A_15 = tpu.memref_squeeze %dma_start3A_14 : memref<1x125x64xf32, #tpu.memory_space<vmem>> -> memref<125x64xf32, #tpu.memory_space<vmem>>
    %dma_start3A_16 = arith.constant 0 : i32
    %dma_start3A_17 = tpu.memref_slice %arg5[%dma_start3A, %dma_start3A_16] : memref<160x125xi32, #tpu.memory_space<vmem>> -> memref<1x125xi32, #tpu.memory_space<vmem>>
    %dma_start3A_18 = tpu.memref_squeeze %dma_start3A_17 : memref<1x125xi32, #tpu.memory_space<vmem>> -> memref<125xi32, #tpu.memory_space<vmem>>
    %dma_start3A_19 = arith.constant 0 : i32
    %dma_start3A_20 = arith.constant 0 : i32
    %dma_start3A_21 = tpu.memref_slice %arg2[%arg0, %dma_start3A_19, %dma_start3A_20] : memref<2x10000x64xf32, #tpu.memory_space<hbm>> -> memref<1x10000x64xf32, #tpu.memory_space<hbm>>
    %dma_start3A_22 = tpu.memref_squeeze %dma_start3A_21 : memref<1x10000x64xf32, #tpu.memory_space<hbm>> -> memref<10000x64xf32, #tpu.memory_space<hbm>>
    %dma_start3A_23 = arith.constant 0 : i32
    %dma_start3A_24 = arith.constant 0 : i32
    %dma_start3A_25 = tpu.memref_slice %dma_start3A_22[%dma_start3A_23, %dma_start3A_24] : memref<10000x64xf32, #tpu.memory_space<hbm>> -> memref<10000x64xf32, #tpu.memory_space<hbm>>
    %dma_start3A_26 = tpu.memref_slice %arg9[%dma_start3A_11] : memref<4x!tpu.dma_semaphore, #tpu.memory_space<semaphore_mem>> -> memref<1x!tpu.dma_semaphore, #tpu.memory_space<semaphore_mem>>
    %dma_start3A_27 = tpu.memref_squeeze %dma_start3A_26 : memref<1x!tpu.dma_semaphore, #tpu.memory_space<semaphore_mem>> -> memref<!tpu.dma_semaphore, #tpu.memory_space<semaphore_mem>>
    tpu.enqueue_indirect_dma source(%dma_start3A_25 : memref<10000x64xf32, #tpu.memory_space<hbm>>) target(%dma_start3A_15 : memref<125x64xf32, #tpu.memory_space<vmem>>) offsets(%dma_start3A_18 : memref<125xi32, #tpu.memory_space<vmem>>) semaphore(%dma_start3A_27 : memref<!tpu.dma_semaphore, #tpu.memory_space<semaphore_mem>>)
    %dma_start3A_28 = arith.constant 1 : i32
    %dma_start3A_29 = arith.constant 1 : i32
    %dma_start3A_30 = arith.constant 1 : i32
    %dma_start3A_31 = arith.constant 0 : i32
    %dma_start3A_32 = arith.constant 0 : i32
    %dma_start3A_33 = tpu.memref_slice %arg7[%dma_start3A_29, %dma_start3A_31, %dma_start3A_32] : memref<4x125x64xf32, #tpu.memory_space<vmem>> -> memref<1x125x64xf32, #tpu.memory_space<vmem>>
    %dma_start3A_34 = tpu.memref_squeeze %dma_start3A_33 : memref<1x125x64xf32, #tpu.memory_space<vmem>> -> memref<125x64xf32, #tpu.memory_space<vmem>>
    %dma_start3A_35 = arith.constant 0 : i32
    %dma_start3A_36 = tpu.memref_slice %arg5[%dma_start3A_28, %dma_start3A_35] : memref<160x125xi32, #tpu.memory_space<vmem>> -> memref<1x125xi32, #tpu.memory_space<vmem>>
    %dma_start3A_37 = tpu.memref_squeeze %dma_start3A_36 : memref<1x125xi32, #tpu.memory_space<vmem>> -> memref<125xi32, #tpu.memory_space<vmem>>
    %dma_start3A_38 = arith.constant 0 : i32
    %dma_start3A_39 = arith.constant 0 : i32
    %dma_start3A_40 = tpu.memref_slice %arg2[%arg0, %dma_start3A_38, %dma_start3A_39] : memref<2x10000x64xf32, #tpu.memory_space<hbm>> -> memref<1x10000x64xf32, #tpu.memory_space<hbm>>
    %dma_start3A_41 = tpu.memref_squeeze %dma_start3A_40 : memref<1x10000x64xf32, #tpu.memory_space<hbm>> -> memref<10000x64xf32, #tpu.memory_space<hbm>>
    %dma_start3A_42 = arith.constant 0 : i32
    %dma_start3A_43 = arith.constant 0 : i32
    %dma_start3A_44 = tpu.memref_slice %dma_start3A_41[%dma_start3A_42, %dma_start3A_43] : memref<10000x64xf32, #tpu.memory_space<hbm>> -> memref<10000x64xf32, #tpu.memory_space<hbm>>
    %dma_start3A_45 = tpu.memref_slice %arg9[%dma_start3A_30] : memref<4x!tpu.dma_semaphore, #tpu.memory_space<semaphore_mem>> -> memref<1x!tpu.dma_semaphore, #tpu.memory_space<semaphore_mem>>
    %dma_start3A_46 = tpu.memref_squeeze %dma_start3A_45 : memref<1x!tpu.dma_semaphore, #tpu.memory_space<semaphore_mem>> -> memref<!tpu.dma_semaphore, #tpu.memory_space<semaphore_mem>>
    tpu.enqueue_indirect_dma source(%dma_start3A_44 : memref<10000x64xf32, #tpu.memory_space<hbm>>) target(%dma_start3A_34 : memref<125x64xf32, #tpu.memory_space<vmem>>) offsets(%dma_start3A_37 : memref<125xi32, #tpu.memory_space<vmem>>) semaphore(%dma_start3A_46 : memref<!tpu.dma_semaphore, #tpu.memory_space<semaphore_mem>>)
    %dma_start3A_47 = arith.constant 2 : i32
    %dma_start3A_48 = arith.constant 2 : i32
    %dma_start3A_49 = arith.constant 2 : i32
    %dma_start3A_50 = arith.constant 0 : i32
    %dma_start3A_51 = arith.constant 0 : i32
    %dma_start3A_52 = tpu.memref_slice %arg7[%dma_start3A_48, %dma_start3A_50, %dma_start3A_51] : memref<4x125x64xf32, #tpu.memory_space<vmem>> -> memref<1x125x64xf32, #tpu.memory_space<vmem>>
    %dma_start3A_53 = tpu.memref_squeeze %dma_start3A_52 : memref<1x125x64xf32, #tpu.memory_space<vmem>> -> memref<125x64xf32, #tpu.memory_space<vmem>>
    %dma_start3A_54 = arith.constant 0 : i32
    %dma_start3A_55 = tpu.memref_slice %arg5[%dma_start3A_47, %dma_start3A_54] : memref<160x125xi32, #tpu.memory_space<vmem>> -> memref<1x125xi32, #tpu.memory_space<vmem>>
    %dma_start3A_56 = tpu.memref_squeeze %dma_start3A_55 : memref<1x125xi32, #tpu.memory_space<vmem>> -> memref<125xi32, #tpu.memory_space<vmem>>
    %dma_start3A_57 = arith.constant 0 : i32
    %dma_start3A_58 = arith.constant 0 : i32
    %dma_start3A_59 = tpu.memref_slice %arg2[%arg0, %dma_start3A_57, %dma_start3A_58] : memref<2x10000x64xf32, #tpu.memory_space<hbm>> -> memref<1x10000x64xf32, #tpu.memory_space<hbm>>
    %dma_start3A_60 = tpu.memref_squeeze %dma_start3A_59 : memref<1x10000x64xf32, #tpu.memory_space<hbm>> -> memref<10000x64xf32, #tpu.memory_space<hbm>>
    %dma_start3A_61 = arith.constant 0 : i32
    %dma_start3A_62 = arith.constant 0 : i32
    %dma_start3A_63 = tpu.memref_slice %dma_start3A_60[%dma_start3A_61, %dma_start3A_62] : memref<10000x64xf32, #tpu.memory_space<hbm>> -> memref<10000x64xf32, #tpu.memory_space<hbm>>
    %dma_start3A_64 = tpu.memref_slice %arg9[%dma_start3A_49] : memref<4x!tpu.dma_semaphore, #tpu.memory_space<semaphore_mem>> -> memref<1x!tpu.dma_semaphore, #tpu.memory_space<semaphore_mem>>
    %dma_start3A_65 = tpu.memref_squeeze %dma_start3A_64 : memref<1x!tpu.dma_semaphore, #tpu.memory_space<semaphore_mem>> -> memref<!tpu.dma_semaphore, #tpu.memory_space<semaphore_mem>>
    tpu.enqueue_indirect_dma source(%dma_start3A_63 : memref<10000x64xf32, #tpu.memory_space<hbm>>) target(%dma_start3A_53 : memref<125x64xf32, #tpu.memory_space<vmem>>) offsets(%dma_start3A_56 : memref<125xi32, #tpu.memory_space<vmem>>) semaphore(%dma_start3A_65 : memref<!tpu.dma_semaphore, #tpu.memory_space<semaphore_mem>>)
    %dma_start3A_66 = arith.constant 3 : i32
    %dma_start3A_67 = arith.constant 3 : i32
    %dma_start3A_68 = arith.constant 3 : i32
    %dma_start3A_69 = arith.constant 0 : i32
    %dma_start3A_70 = arith.constant 0 : i32
    %dma_start3A_71 = tpu.memref_slice %arg7[%dma_start3A_67, %dma_start3A_69, %dma_start3A_70] : memref<4x125x64xf32, #tpu.memory_space<vmem>> -> memref<1x125x64xf32, #tpu.memory_space<vmem>>
    %dma_start3A_72 = tpu.memref_squeeze %dma_start3A_71 : memref<1x125x64xf32, #tpu.memory_space<vmem>> -> memref<125x64xf32, #tpu.memory_space<vmem>>
    %dma_start3A_73 = arith.constant 0 : i32
    %dma_start3A_74 = tpu.memref_slice %arg5[%dma_start3A_66, %dma_start3A_73] : memref<160x125xi32, #tpu.memory_space<vmem>> -> memref<1x125xi32, #tpu.memory_space<vmem>>
    %dma_start3A_75 = tpu.memref_squeeze %dma_start3A_74 : memref<1x125xi32, #tpu.memory_space<vmem>> -> memref<125xi32, #tpu.memory_space<vmem>>
    %dma_start3A_76 = arith.constant 0 : i32
    %dma_start3A_77 = arith.constant 0 : i32
    %dma_start3A_78 = tpu.memref_slice %arg2[%arg0, %dma_start3A_76, %dma_start3A_77] : memref<2x10000x64xf32, #tpu.memory_space<hbm>> -> memref<1x10000x64xf32, #tpu.memory_space<hbm>>
    %dma_start3A_79 = tpu.memref_squeeze %dma_start3A_78 : memref<1x10000x64xf32, #tpu.memory_space<hbm>> -> memref<10000x64xf32, #tpu.memory_space<hbm>>
    %dma_start3A_80 = arith.constant 0 : i32
    %dma_start3A_81 = arith.constant 0 : i32
    %dma_start3A_82 = tpu.memref_slice %dma_start3A_79[%dma_start3A_80, %dma_start3A_81] : memref<10000x64xf32, #tpu.memory_space<hbm>> -> memref<10000x64xf32, #tpu.memory_space<hbm>>
    %dma_start3A_83 = tpu.memref_slice %arg9[%dma_start3A_68] : memref<4x!tpu.dma_semaphore, #tpu.memory_space<semaphore_mem>> -> memref<1x!tpu.dma_semaphore, #tpu.memory_space<semaphore_mem>>
    %dma_start3A_84 = tpu.memref_squeeze %dma_start3A_83 : memref<1x!tpu.dma_semaphore, #tpu.memory_space<semaphore_mem>> -> memref<!tpu.dma_semaphore, #tpu.memory_space<semaphore_mem>>
    tpu.enqueue_indirect_dma source(%dma_start3A_82 : memref<10000x64xf32, #tpu.memory_space<hbm>>) target(%dma_start3A_72 : memref<125x64xf32, #tpu.memory_space<vmem>>) offsets(%dma_start3A_75 : memref<125xi32, #tpu.memory_space<vmem>>) semaphore(%dma_start3A_84 : memref<!tpu.dma_semaphore, #tpu.memory_space<semaphore_mem>>)
    %scan3A = arith.constant 0 : i32
    %scan3A_85 = arith.constant 0 : i32
    %scan3A_86 = arith.constant 40 : i32
    %scan3A_87 = arith.addi %scan3A_85, %scan3A_86 : i32
    %scan3A_88 = arith.constant 1 : i32
    %scan3A_89 = scf.for %scan3A_160 = %scan3A_85 to %scan3A_87 step %scan3A_88 iter_args(%scan3A_161 = %scan3A) -> (i32)  : i32 {
      %mul3A_162 = arith.constant 4 : i32
      %mul3A_163 = arith.muli %scan3A_160, %mul3A_162 : i32
      %add3A = arith.constant 0 : i32
      %add3A_164 = arith.addi %mul3A_163, %add3A : i32
      %dma_wait3A_165 = arith.constant 0 : i32
      %dma_wait3A_166 = arith.constant 0 : i32
      %dma_wait3A_167 = arith.constant 0 : i32
      %dma_wait3A_168 = arith.constant 0 : i32
      %dma_wait3A_169 = tpu.memref_slice %arg7[%dma_wait3A_165, %dma_wait3A_167, %dma_wait3A_168] : memref<4x125x64xf32, #tpu.memory_space<vmem>> -> memref<1x125x64xf32, #tpu.memory_space<vmem>>
      %dma_wait3A_170 = tpu.memref_squeeze %dma_wait3A_169 : memref<1x125x64xf32, #tpu.memory_space<vmem>> -> memref<125x64xf32, #tpu.memory_space<vmem>>
      %dma_wait3A_171 = arith.constant 0 : i32
      %dma_wait3A_172 = tpu.memref_slice %arg5[%add3A_164, %dma_wait3A_171] : memref<160x125xi32, #tpu.memory_space<vmem>> -> memref<1x125xi32, #tpu.memory_space<vmem>>
      %dma_wait3A_173 = tpu.memref_squeeze %dma_wait3A_172 : memref<1x125xi32, #tpu.memory_space<vmem>> -> memref<125xi32, #tpu.memory_space<vmem>>
      %dma_wait3A_174 = arith.constant 0 : i32
      %dma_wait3A_175 = arith.constant 0 : i32
      %dma_wait3A_176 = tpu.memref_slice %arg2[%arg0, %dma_wait3A_174, %dma_wait3A_175] : memref<2x10000x64xf32, #tpu.memory_space<hbm>> -> memref<1x10000x64xf32, #tpu.memory_space<hbm>>
      %dma_wait3A_177 = tpu.memref_squeeze %dma_wait3A_176 : memref<1x10000x64xf32, #tpu.memory_space<hbm>> -> memref<10000x64xf32, #tpu.memory_space<hbm>>
      %dma_wait3A_178 = arith.constant 0 : i32
      %dma_wait3A_179 = arith.constant 0 : i32
      %dma_wait3A_180 = tpu.memref_slice %dma_wait3A_177[%dma_wait3A_178, %dma_wait3A_179] : memref<10000x64xf32, #tpu.memory_space<hbm>> -> memref<10000x64xf32, #tpu.memory_space<hbm>>
      %dma_wait3A_181 = tpu.memref_slice %arg9[%dma_wait3A_166] : memref<4x!tpu.dma_semaphore, #tpu.memory_space<semaphore_mem>> -> memref<1x!tpu.dma_semaphore, #tpu.memory_space<semaphore_mem>>
      %dma_wait3A_182 = tpu.memref_squeeze %dma_wait3A_181 : memref<1x!tpu.dma_semaphore, #tpu.memory_space<semaphore_mem>> -> memref<!tpu.dma_semaphore, #tpu.memory_space<semaphore_mem>>
      tpu.wait_indirect_dma semaphore(%dma_wait3A_182 : memref<!tpu.dma_semaphore, #tpu.memory_space<semaphore_mem>>) src(%dma_wait3A_180 : memref<10000x64xf32, #tpu.memory_space<hbm>>) dst(%dma_wait3A_170 : memref<125x64xf32, #tpu.memory_space<vmem>>)
      %dma_start3A_183 = arith.constant 0 : i32
      %dma_start3A_184 = arith.constant 0 : i32
      %dma_start3A_185 = arith.constant 0 : i32
      %dma_start3A_186 = arith.constant 0 : i32
      %dma_start3A_187 = tpu.memref_slice %arg7[%dma_start3A_183, %dma_start3A_185, %dma_start3A_186] : memref<4x125x64xf32, #tpu.memory_space<vmem>> -> memref<1x125x64xf32, #tpu.memory_space<vmem>>
      %dma_start3A_188 = tpu.memref_squeeze %dma_start3A_187 : memref<1x125x64xf32, #tpu.memory_space<vmem>> -> memref<125x64xf32, #tpu.memory_space<vmem>>
      %dma_start3A_189 = arith.constant 0 : i32
      %dma_start3A_190 = tpu.memref_slice %arg6[%add3A_164, %dma_start3A_189] : memref<160x125xi32, #tpu.memory_space<vmem>> -> memref<1x125xi32, #tpu.memory_space<vmem>>
      %dma_start3A_191 = tpu.memref_squeeze %dma_start3A_190 : memref<1x125xi32, #tpu.memory_space<vmem>> -> memref<125xi32, #tpu.memory_space<vmem>>
      %dma_start3A_192 = arith.constant 0 : i32
      %dma_start3A_193 = arith.constant 0 : i32
      %dma_start3A_194 = tpu.memref_slice %arg8[%dma_start3A_192, %dma_start3A_193] : memref<10000x64xf32, #tpu.memory_space<vmem_shared>> -> memref<10000x64xf32, #tpu.memory_space<vmem_shared>>
      %dma_start3A_195 = tpu.memref_slice %arg10[%dma_start3A_184] : memref<4x!tpu.dma_semaphore, #tpu.memory_space<semaphore_mem>> -> memref<1x!tpu.dma_semaphore, #tpu.memory_space<semaphore_mem>>
      %dma_start3A_196 = tpu.memref_squeeze %dma_start3A_195 : memref<1x!tpu.dma_semaphore, #tpu.memory_space<semaphore_mem>> -> memref<!tpu.dma_semaphore, #tpu.memory_space<semaphore_mem>>
      tpu.enqueue_indirect_dma source(%dma_start3A_188 : memref<125x64xf32, #tpu.memory_space<vmem>>) target(%dma_start3A_194 : memref<10000x64xf32, #tpu.memory_space<vmem_shared>>) offsets(%dma_start3A_191 : memref<125xi32, #tpu.memory_space<vmem>>) semaphore(%dma_start3A_196 : memref<!tpu.dma_semaphore, #tpu.memory_space<semaphore_mem>>) {add = true}
      %sub3A = arith.constant 2 : i32
      %sub3A_197 = arith.subi %add3A_164, %sub3A : i32
      %ge3A = arith.constant 0 : i32
      %ge3A_198 = arith.cmpi sge, %sub3A_197, %ge3A : i32
      %add3A_199 = arith.constant 4 : i32
      %add3A_200 = arith.addi %sub3A_197, %add3A_199 : i32
      %lt3A = arith.constant 160 : i32
      %lt3A_201 = arith.cmpi slt, %add3A_200, %lt3A : i32
      %and3A = arith.andi %ge3A_198, %lt3A_201 : i1
      %convert_element_type3A_202 = arith.extui %and3A : i1 to i32
      %cond3A_203 = arith.constant 0 : i32
      %cond3A_204 = arith.cmpi ne, %convert_element_type3A_202, %cond3A_203 : i32
      scf.if %cond3A_204 {
        %dma_wait3A_350 = arith.constant 2 : i32
        %dma_wait3A_351 = arith.constant 2 : i32
        %dma_wait3A_352 = arith.constant 0 : i32
        %dma_wait3A_353 = arith.constant 0 : i32
        %dma_wait3A_354 = tpu.memref_slice %arg7[%dma_wait3A_350, %dma_wait3A_352, %dma_wait3A_353] : memref<4x125x64xf32, #tpu.memory_space<vmem>> -> memref<1x125x64xf32, #tpu.memory_space<vmem>>
        %dma_wait3A_355 = tpu.memref_squeeze %dma_wait3A_354 : memref<1x125x64xf32, #tpu.memory_space<vmem>> -> memref<125x64xf32, #tpu.memory_space<vmem>>
        %dma_wait3A_356 = arith.constant 0 : i32
        %dma_wait3A_357 = tpu.memref_slice %arg6[%sub3A_197, %dma_wait3A_356] : memref<160x125xi32, #tpu.memory_space<vmem>> -> memref<1x125xi32, #tpu.memory_space<vmem>>
        %dma_wait3A_358 = tpu.memref_squeeze %dma_wait3A_357 : memref<1x125xi32, #tpu.memory_space<vmem>> -> memref<125xi32, #tpu.memory_space<vmem>>
        %dma_wait3A_359 = arith.constant 0 : i32
        %dma_wait3A_360 = arith.constant 0 : i32
        %dma_wait3A_361 = tpu.memref_slice %arg8[%dma_wait3A_359, %dma_wait3A_360] : memref<10000x64xf32, #tpu.memory_space<vmem_shared>> -> memref<10000x64xf32, #tpu.memory_space<vmem_shared>>
        %dma_wait3A_362 = tpu.memref_slice %arg10[%dma_wait3A_351] : memref<4x!tpu.dma_semaphore, #tpu.memory_space<semaphore_mem>> -> memref<1x!tpu.dma_semaphore, #tpu.memory_space<semaphore_mem>>
        %dma_wait3A_363 = tpu.memref_squeeze %dma_wait3A_362 : memref<1x!tpu.dma_semaphore, #tpu.memory_space<semaphore_mem>> -> memref<!tpu.dma_semaphore, #tpu.memory_space<semaphore_mem>>
        tpu.wait_indirect_dma semaphore(%dma_wait3A_363 : memref<!tpu.dma_semaphore, #tpu.memory_space<semaphore_mem>>) src(%dma_wait3A_355 : memref<125x64xf32, #tpu.memory_space<vmem>>) dst(%dma_wait3A_361 : memref<10000x64xf32, #tpu.memory_space<vmem_shared>>)
        %add3A_364 = arith.constant 4 : i32
        %add3A_365 = arith.addi %sub3A_197, %add3A_364 : i32
        %dma_start3A_366 = arith.constant 2 : i32
        %dma_start3A_367 = arith.constant 2 : i32
        %dma_start3A_368 = arith.constant 0 : i32
        %dma_start3A_369 = arith.constant 0 : i32
        %dma_start3A_370 = tpu.memref_slice %arg7[%dma_start3A_366, %dma_start3A_368, %dma_start3A_369] : memref<4x125x64xf32, #tpu.memory_space<vmem>> -> memref<1x125x64xf32, #tpu.memory_space<vmem>>
        %dma_start3A_371 = tpu.memref_squeeze %dma_start3A_370 : memref<1x125x64xf32, #tpu.memory_space<vmem>> -> memref<125x64xf32, #tpu.memory_space<vmem>>
        %dma_start3A_372 = arith.constant 0 : i32
        %dma_start3A_373 = tpu.memref_slice %arg5[%add3A_365, %dma_start3A_372] : memref<160x125xi32, #tpu.memory_space<vmem>> -> memref<1x125xi32, #tpu.memory_space<vmem>>
        %dma_start3A_374 = tpu.memref_squeeze %dma_start3A_373 : memref<1x125xi32, #tpu.memory_space<vmem>> -> memref<125xi32, #tpu.memory_space<vmem>>
        %dma_start3A_375 = arith.constant 0 : i32
        %dma_start3A_376 = arith.constant 0 : i32
        %dma_start3A_377 = tpu.memref_slice %arg2[%arg0, %dma_start3A_375, %dma_start3A_376] : memref<2x10000x64xf32, #tpu.memory_space<hbm>> -> memref<1x10000x64xf32, #tpu.memory_space<hbm>>
        %dma_start3A_378 = tpu.memref_squeeze %dma_start3A_377 : memref<1x10000x64xf32, #tpu.memory_space<hbm>> -> memref<10000x64xf32, #tpu.memory_space<hbm>>
        %dma_start3A_379 = arith.constant 0 : i32
        %dma_start3A_380 = arith.constant 0 : i32
        %dma_start3A_381 = tpu.memref_slice %dma_start3A_378[%dma_start3A_379, %dma_start3A_380] : memref<10000x64xf32, #tpu.memory_space<hbm>> -> memref<10000x64xf32, #tpu.memory_space<hbm>>
        %dma_start3A_382 = tpu.memref_slice %arg9[%dma_start3A_367] : memref<4x!tpu.dma_semaphore, #tpu.memory_space<semaphore_mem>> -> memref<1x!tpu.dma_semaphore, #tpu.memory_space<semaphore_mem>>
        %dma_start3A_383 = tpu.memref_squeeze %dma_start3A_382 : memref<1x!tpu.dma_semaphore, #tpu.memory_space<semaphore_mem>> -> memref<!tpu.dma_semaphore, #tpu.memory_space<semaphore_mem>>
        tpu.enqueue_indirect_dma source(%dma_start3A_381 : memref<10000x64xf32, #tpu.memory_space<hbm>>) target(%dma_start3A_371 : memref<125x64xf32, #tpu.memory_space<vmem>>) offsets(%dma_start3A_374 : memref<125xi32, #tpu.memory_space<vmem>>) semaphore(%dma_start3A_383 : memref<!tpu.dma_semaphore, #tpu.memory_space<semaphore_mem>>)
      } else {
      }
      %mul3A_205 = arith.constant 4 : i32
      %mul3A_206 = arith.muli %scan3A_160, %mul3A_205 : i32
      %add3A_207 = arith.constant 1 : i32
      %add3A_208 = arith.addi %mul3A_206, %add3A_207 : i32
      %dma_wait3A_209 = arith.constant 1 : i32
      %dma_wait3A_210 = arith.constant 1 : i32
      %dma_wait3A_211 = arith.constant 0 : i32
      %dma_wait3A_212 = arith.constant 0 : i32
      %dma_wait3A_213 = tpu.memref_slice %arg7[%dma_wait3A_209, %dma_wait3A_211, %dma_wait3A_212] : memref<4x125x64xf32, #tpu.memory_space<vmem>> -> memref<1x125x64xf32, #tpu.memory_space<vmem>>
      %dma_wait3A_214 = tpu.memref_squeeze %dma_wait3A_213 : memref<1x125x64xf32, #tpu.memory_space<vmem>> -> memref<125x64xf32, #tpu.memory_space<vmem>>
      %dma_wait3A_215 = arith.constant 0 : i32
      %dma_wait3A_216 = tpu.memref_slice %arg5[%add3A_208, %dma_wait3A_215] : memref<160x125xi32, #tpu.memory_space<vmem>> -> memref<1x125xi32, #tpu.memory_space<vmem>>
      %dma_wait3A_217 = tpu.memref_squeeze %dma_wait3A_216 : memref<1x125xi32, #tpu.memory_space<vmem>> -> memref<125xi32, #tpu.memory_space<vmem>>
      %dma_wait3A_218 = arith.constant 0 : i32
      %dma_wait3A_219 = arith.constant 0 : i32
      %dma_wait3A_220 = tpu.memref_slice %arg2[%arg0, %dma_wait3A_218, %dma_wait3A_219] : memref<2x10000x64xf32, #tpu.memory_space<hbm>> -> memref<1x10000x64xf32, #tpu.memory_space<hbm>>
      %dma_wait3A_221 = tpu.memref_squeeze %dma_wait3A_220 : memref<1x10000x64xf32, #tpu.memory_space<hbm>> -> memref<10000x64xf32, #tpu.memory_space<hbm>>
      %dma_wait3A_222 = arith.constant 0 : i32
      %dma_wait3A_223 = arith.constant 0 : i32
      %dma_wait3A_224 = tpu.memref_slice %dma_wait3A_221[%dma_wait3A_222, %dma_wait3A_223] : memref<10000x64xf32, #tpu.memory_space<hbm>> -> memref<10000x64xf32, #tpu.memory_space<hbm>>
      %dma_wait3A_225 = tpu.memref_slice %arg9[%dma_wait3A_210] : memref<4x!tpu.dma_semaphore, #tpu.memory_space<semaphore_mem>> -> memref<1x!tpu.dma_semaphore, #tpu.memory_space<semaphore_mem>>
      %dma_wait3A_226 = tpu.memref_squeeze %dma_wait3A_225 : memref<1x!tpu.dma_semaphore, #tpu.memory_space<semaphore_mem>> -> memref<!tpu.dma_semaphore, #tpu.memory_space<semaphore_mem>>
      tpu.wait_indirect_dma semaphore(%dma_wait3A_226 : memref<!tpu.dma_semaphore, #tpu.memory_space<semaphore_mem>>) src(%dma_wait3A_224 : memref<10000x64xf32, #tpu.memory_space<hbm>>) dst(%dma_wait3A_214 : memref<125x64xf32, #tpu.memory_space<vmem>>)
      %dma_start3A_227 = arith.constant 1 : i32
      %dma_start3A_228 = arith.constant 1 : i32
      %dma_start3A_229 = arith.constant 0 : i32
      %dma_start3A_230 = arith.constant 0 : i32
      %dma_start3A_231 = tpu.memref_slice %arg7[%dma_start3A_227, %dma_start3A_229, %dma_start3A_230] : memref<4x125x64xf32, #tpu.memory_space<vmem>> -> memref<1x125x64xf32, #tpu.memory_space<vmem>>
      %dma_start3A_232 = tpu.memref_squeeze %dma_start3A_231 : memref<1x125x64xf32, #tpu.memory_space<vmem>> -> memref<125x64xf32, #tpu.memory_space<vmem>>
      %dma_start3A_233 = arith.constant 0 : i32
      %dma_start3A_234 = tpu.memref_slice %arg6[%add3A_208, %dma_start3A_233] : memref<160x125xi32, #tpu.memory_space<vmem>> -> memref<1x125xi32, #tpu.memory_space<vmem>>
      %dma_start3A_235 = tpu.memref_squeeze %dma_start3A_234 : memref<1x125xi32, #tpu.memory_space<vmem>> -> memref<125xi32, #tpu.memory_space<vmem>>
      %dma_start3A_236 = arith.constant 0 : i32
      %dma_start3A_237 = arith.constant 0 : i32
      %dma_start3A_238 = tpu.memref_slice %arg8[%dma_start3A_236, %dma_start3A_237] : memref<10000x64xf32, #tpu.memory_space<vmem_shared>> -> memref<10000x64xf32, #tpu.memory_space<vmem_shared>>
      %dma_start3A_239 = tpu.memref_slice %arg10[%dma_start3A_228] : memref<4x!tpu.dma_semaphore, #tpu.memory_space<semaphore_mem>> -> memref<1x!tpu.dma_semaphore, #tpu.memory_space<semaphore_mem>>
      %dma_start3A_240 = tpu.memref_squeeze %dma_start3A_239 : memref<1x!tpu.dma_semaphore, #tpu.memory_space<semaphore_mem>> -> memref<!tpu.dma_semaphore, #tpu.memory_space<semaphore_mem>>
      tpu.enqueue_indirect_dma source(%dma_start3A_232 : memref<125x64xf32, #tpu.memory_space<vmem>>) target(%dma_start3A_238 : memref<10000x64xf32, #tpu.memory_space<vmem_shared>>) offsets(%dma_start3A_235 : memref<125xi32, #tpu.memory_space<vmem>>) semaphore(%dma_start3A_240 : memref<!tpu.dma_semaphore, #tpu.memory_space<semaphore_mem>>) {add = true}
      %sub3A_241 = arith.constant 2 : i32
      %sub3A_242 = arith.subi %add3A_208, %sub3A_241 : i32
      %ge3A_243 = arith.constant 0 : i32
      %ge3A_244 = arith.cmpi sge, %sub3A_242, %ge3A_243 : i32
      %add3A_245 = arith.constant 4 : i32
      %add3A_246 = arith.addi %sub3A_242, %add3A_245 : i32
      %lt3A_247 = arith.constant 160 : i32
      %lt3A_248 = arith.cmpi slt, %add3A_246, %lt3A_247 : i32
      %and3A_249 = arith.andi %ge3A_244, %lt3A_248 : i1
      %convert_element_type3A_250 = arith.extui %and3A_249 : i1 to i32
      %cond3A_251 = arith.constant 0 : i32
      %cond3A_252 = arith.cmpi ne, %convert_element_type3A_250, %cond3A_251 : i32
      scf.if %cond3A_252 {
        %dma_wait3A_350 = arith.constant 3 : i32
        %dma_wait3A_351 = arith.constant 3 : i32
        %dma_wait3A_352 = arith.constant 0 : i32
        %dma_wait3A_353 = arith.constant 0 : i32
        %dma_wait3A_354 = tpu.memref_slice %arg7[%dma_wait3A_350, %dma_wait3A_352, %dma_wait3A_353] : memref<4x125x64xf32, #tpu.memory_space<vmem>> -> memref<1x125x64xf32, #tpu.memory_space<vmem>>
        %dma_wait3A_355 = tpu.memref_squeeze %dma_wait3A_354 : memref<1x125x64xf32, #tpu.memory_space<vmem>> -> memref<125x64xf32, #tpu.memory_space<vmem>>
        %dma_wait3A_356 = arith.constant 0 : i32
        %dma_wait3A_357 = tpu.memref_slice %arg6[%sub3A_242, %dma_wait3A_356] : memref<160x125xi32, #tpu.memory_space<vmem>> -> memref<1x125xi32, #tpu.memory_space<vmem>>
        %dma_wait3A_358 = tpu.memref_squeeze %dma_wait3A_357 : memref<1x125xi32, #tpu.memory_space<vmem>> -> memref<125xi32, #tpu.memory_space<vmem>>
        %dma_wait3A_359 = arith.constant 0 : i32
        %dma_wait3A_360 = arith.constant 0 : i32
        %dma_wait3A_361 = tpu.memref_slice %arg8[%dma_wait3A_359, %dma_wait3A_360] : memref<10000x64xf32, #tpu.memory_space<vmem_shared>> -> memref<10000x64xf32, #tpu.memory_space<vmem_shared>>
        %dma_wait3A_362 = tpu.memref_slice %arg10[%dma_wait3A_351] : memref<4x!tpu.dma_semaphore, #tpu.memory_space<semaphore_mem>> -> memref<1x!tpu.dma_semaphore, #tpu.memory_space<semaphore_mem>>
        %dma_wait3A_363 = tpu.memref_squeeze %dma_wait3A_362 : memref<1x!tpu.dma_semaphore, #tpu.memory_space<semaphore_mem>> -> memref<!tpu.dma_semaphore, #tpu.memory_space<semaphore_mem>>
        tpu.wait_indirect_dma semaphore(%dma_wait3A_363 : memref<!tpu.dma_semaphore, #tpu.memory_space<semaphore_mem>>) src(%dma_wait3A_355 : memref<125x64xf32, #tpu.memory_space<vmem>>) dst(%dma_wait3A_361 : memref<10000x64xf32, #tpu.memory_space<vmem_shared>>)
        %add3A_364 = arith.constant 4 : i32
        %add3A_365 = arith.addi %sub3A_242, %add3A_364 : i32
        %dma_start3A_366 = arith.constant 3 : i32
        %dma_start3A_367 = arith.constant 3 : i32
        %dma_start3A_368 = arith.constant 0 : i32
        %dma_start3A_369 = arith.constant 0 : i32
        %dma_start3A_370 = tpu.memref_slice %arg7[%dma_start3A_366, %dma_start3A_368, %dma_start3A_369] : memref<4x125x64xf32, #tpu.memory_space<vmem>> -> memref<1x125x64xf32, #tpu.memory_space<vmem>>
        %dma_start3A_371 = tpu.memref_squeeze %dma_start3A_370 : memref<1x125x64xf32, #tpu.memory_space<vmem>> -> memref<125x64xf32, #tpu.memory_space<vmem>>
        %dma_start3A_372 = arith.constant 0 : i32
        %dma_start3A_373 = tpu.memref_slice %arg5[%add3A_365, %dma_start3A_372] : memref<160x125xi32, #tpu.memory_space<vmem>> -> memref<1x125xi32, #tpu.memory_space<vmem>>
        %dma_start3A_374 = tpu.memref_squeeze %dma_start3A_373 : memref<1x125xi32, #tpu.memory_space<vmem>> -> memref<125xi32, #tpu.memory_space<vmem>>
        %dma_start3A_375 = arith.constant 0 : i32
        %dma_start3A_376 = arith.constant 0 : i32
        %dma_start3A_377 = tpu.memref_slice %arg2[%arg0, %dma_start3A_375, %dma_start3A_376] : memref<2x10000x64xf32, #tpu.memory_space<hbm>> -> memref<1x10000x64xf32, #tpu.memory_space<hbm>>
        %dma_start3A_378 = tpu.memref_squeeze %dma_start3A_377 : memref<1x10000x64xf32, #tpu.memory_space<hbm>> -> memref<10000x64xf32, #tpu.memory_space<hbm>>
        %dma_start3A_379 = arith.constant 0 : i32
        %dma_start3A_380 = arith.constant 0 : i32
        %dma_start3A_381 = tpu.memref_slice %dma_start3A_378[%dma_start3A_379, %dma_start3A_380] : memref<10000x64xf32, #tpu.memory_space<hbm>> -> memref<10000x64xf32, #tpu.memory_space<hbm>>
        %dma_start3A_382 = tpu.memref_slice %arg9[%dma_start3A_367] : memref<4x!tpu.dma_semaphore, #tpu.memory_space<semaphore_mem>> -> memref<1x!tpu.dma_semaphore, #tpu.memory_space<semaphore_mem>>
        %dma_start3A_383 = tpu.memref_squeeze %dma_start3A_382 : memref<1x!tpu.dma_semaphore, #tpu.memory_space<semaphore_mem>> -> memref<!tpu.dma_semaphore, #tpu.memory_space<semaphore_mem>>
        tpu.enqueue_indirect_dma source(%dma_start3A_381 : memref<10000x64xf32, #tpu.memory_space<hbm>>) target(%dma_start3A_371 : memref<125x64xf32, #tpu.memory_space<vmem>>) offsets(%dma_start3A_374 : memref<125xi32, #tpu.memory_space<vmem>>) semaphore(%dma_start3A_383 : memref<!tpu.dma_semaphore, #tpu.memory_space<semaphore_mem>>)
      } else {
      }
      %mul3A_253 = arith.constant 4 : i32
      %mul3A_254 = arith.muli %scan3A_160, %mul3A_253 : i32
      %add3A_255 = arith.constant 2 : i32
      %add3A_256 = arith.addi %mul3A_254, %add3A_255 : i32
      %dma_wait3A_257 = arith.constant 2 : i32
      %dma_wait3A_258 = arith.constant 2 : i32
      %dma_wait3A_259 = arith.constant 0 : i32
      %dma_wait3A_260 = arith.constant 0 : i32
      %dma_wait3A_261 = tpu.memref_slice %arg7[%dma_wait3A_257, %dma_wait3A_259, %dma_wait3A_260] : memref<4x125x64xf32, #tpu.memory_space<vmem>> -> memref<1x125x64xf32, #tpu.memory_space<vmem>>
      %dma_wait3A_262 = tpu.memref_squeeze %dma_wait3A_261 : memref<1x125x64xf32, #tpu.memory_space<vmem>> -> memref<125x64xf32, #tpu.memory_space<vmem>>
      %dma_wait3A_263 = arith.constant 0 : i32
      %dma_wait3A_264 = tpu.memref_slice %arg5[%add3A_256, %dma_wait3A_263] : memref<160x125xi32, #tpu.memory_space<vmem>> -> memref<1x125xi32, #tpu.memory_space<vmem>>
      %dma_wait3A_265 = tpu.memref_squeeze %dma_wait3A_264 : memref<1x125xi32, #tpu.memory_space<vmem>> -> memref<125xi32, #tpu.memory_space<vmem>>
      %dma_wait3A_266 = arith.constant 0 : i32
      %dma_wait3A_267 = arith.constant 0 : i32
      %dma_wait3A_268 = tpu.memref_slice %arg2[%arg0, %dma_wait3A_266, %dma_wait3A_267] : memref<2x10000x64xf32, #tpu.memory_space<hbm>> -> memref<1x10000x64xf32, #tpu.memory_space<hbm>>
      %dma_wait3A_269 = tpu.memref_squeeze %dma_wait3A_268 : memref<1x10000x64xf32, #tpu.memory_space<hbm>> -> memref<10000x64xf32, #tpu.memory_space<hbm>>
      %dma_wait3A_270 = arith.constant 0 : i32
      %dma_wait3A_271 = arith.constant 0 : i32
      %dma_wait3A_272 = tpu.memref_slice %dma_wait3A_269[%dma_wait3A_270, %dma_wait3A_271] : memref<10000x64xf32, #tpu.memory_space<hbm>> -> memref<10000x64xf32, #tpu.memory_space<hbm>>
      %dma_wait3A_273 = tpu.memref_slice %arg9[%dma_wait3A_258] : memref<4x!tpu.dma_semaphore, #tpu.memory_space<semaphore_mem>> -> memref<1x!tpu.dma_semaphore, #tpu.memory_space<semaphore_mem>>
      %dma_wait3A_274 = tpu.memref_squeeze %dma_wait3A_273 : memref<1x!tpu.dma_semaphore, #tpu.memory_space<semaphore_mem>> -> memref<!tpu.dma_semaphore, #tpu.memory_space<semaphore_mem>>
      tpu.wait_indirect_dma semaphore(%dma_wait3A_274 : memref<!tpu.dma_semaphore, #tpu.memory_space<semaphore_mem>>) src(%dma_wait3A_272 : memref<10000x64xf32, #tpu.memory_space<hbm>>) dst(%dma_wait3A_262 : memref<125x64xf32, #tpu.memory_space<vmem>>)
      %dma_start3A_275 = arith.constant 2 : i32
      %dma_start3A_276 = arith.constant 2 : i32
      %dma_start3A_277 = arith.constant 0 : i32
      %dma_start3A_278 = arith.constant 0 : i32
      %dma_start3A_279 = tpu.memref_slice %arg7[%dma_start3A_275, %dma_start3A_277, %dma_start3A_278] : memref<4x125x64xf32, #tpu.memory_space<vmem>> -> memref<1x125x64xf32, #tpu.memory_space<vmem>>
      %dma_start3A_280 = tpu.memref_squeeze %dma_start3A_279 : memref<1x125x64xf32, #tpu.memory_space<vmem>> -> memref<125x64xf32, #tpu.memory_space<vmem>>
      %dma_start3A_281 = arith.constant 0 : i32
      %dma_start3A_282 = tpu.memref_slice %arg6[%add3A_256, %dma_start3A_281] : memref<160x125xi32, #tpu.memory_space<vmem>> -> memref<1x125xi32, #tpu.memory_space<vmem>>
      %dma_start3A_283 = tpu.memref_squeeze %dma_start3A_282 : memref<1x125xi32, #tpu.memory_space<vmem>> -> memref<125xi32, #tpu.memory_space<vmem>>
      %dma_start3A_284 = arith.constant 0 : i32
      %dma_start3A_285 = arith.constant 0 : i32
      %dma_start3A_286 = tpu.memref_slice %arg8[%dma_start3A_284, %dma_start3A_285] : memref<10000x64xf32, #tpu.memory_space<vmem_shared>> -> memref<10000x64xf32, #tpu.memory_space<vmem_shared>>
      %dma_start3A_287 = tpu.memref_slice %arg10[%dma_start3A_276] : memref<4x!tpu.dma_semaphore, #tpu.memory_space<semaphore_mem>> -> memref<1x!tpu.dma_semaphore, #tpu.memory_space<semaphore_mem>>
      %dma_start3A_288 = tpu.memref_squeeze %dma_start3A_287 : memref<1x!tpu.dma_semaphore, #tpu.memory_space<semaphore_mem>> -> memref<!tpu.dma_semaphore, #tpu.memory_space<semaphore_mem>>
      tpu.enqueue_indirect_dma source(%dma_start3A_280 : memref<125x64xf32, #tpu.memory_space<vmem>>) target(%dma_start3A_286 : memref<10000x64xf32, #tpu.memory_space<vmem_shared>>) offsets(%dma_start3A_283 : memref<125xi32, #tpu.memory_space<vmem>>) semaphore(%dma_start3A_288 : memref<!tpu.dma_semaphore, #tpu.memory_space<semaphore_mem>>) {add = true}
      %sub3A_289 = arith.constant 2 : i32
      %sub3A_290 = arith.subi %add3A_256, %sub3A_289 : i32
      %ge3A_291 = arith.constant 0 : i32
      %ge3A_292 = arith.cmpi sge, %sub3A_290, %ge3A_291 : i32
      %add3A_293 = arith.constant 4 : i32
      %add3A_294 = arith.addi %sub3A_290, %add3A_293 : i32
      %lt3A_295 = arith.constant 160 : i32
      %lt3A_296 = arith.cmpi slt, %add3A_294, %lt3A_295 : i32
      %and3A_297 = arith.andi %ge3A_292, %lt3A_296 : i1
      %convert_element_type3A_298 = arith.extui %and3A_297 : i1 to i32
      %cond3A_299 = arith.constant 0 : i32
      %cond3A_300 = arith.cmpi ne, %convert_element_type3A_298, %cond3A_299 : i32
      scf.if %cond3A_300 {
        %dma_wait3A_350 = arith.constant 0 : i32
        %dma_wait3A_351 = arith.constant 0 : i32
        %dma_wait3A_352 = arith.constant 0 : i32
        %dma_wait3A_353 = arith.constant 0 : i32
        %dma_wait3A_354 = tpu.memref_slice %arg7[%dma_wait3A_350, %dma_wait3A_352, %dma_wait3A_353] : memref<4x125x64xf32, #tpu.memory_space<vmem>> -> memref<1x125x64xf32, #tpu.memory_space<vmem>>
        %dma_wait3A_355 = tpu.memref_squeeze %dma_wait3A_354 : memref<1x125x64xf32, #tpu.memory_space<vmem>> -> memref<125x64xf32, #tpu.memory_space<vmem>>
        %dma_wait3A_356 = arith.constant 0 : i32
        %dma_wait3A_357 = tpu.memref_slice %arg6[%sub3A_290, %dma_wait3A_356] : memref<160x125xi32, #tpu.memory_space<vmem>> -> memref<1x125xi32, #tpu.memory_space<vmem>>
        %dma_wait3A_358 = tpu.memref_squeeze %dma_wait3A_357 : memref<1x125xi32, #tpu.memory_space<vmem>> -> memref<125xi32, #tpu.memory_space<vmem>>
        %dma_wait3A_359 = arith.constant 0 : i32
        %dma_wait3A_360 = arith.constant 0 : i32
        %dma_wait3A_361 = tpu.memref_slice %arg8[%dma_wait3A_359, %dma_wait3A_360] : memref<10000x64xf32, #tpu.memory_space<vmem_shared>> -> memref<10000x64xf32, #tpu.memory_space<vmem_shared>>
        %dma_wait3A_362 = tpu.memref_slice %arg10[%dma_wait3A_351] : memref<4x!tpu.dma_semaphore, #tpu.memory_space<semaphore_mem>> -> memref<1x!tpu.dma_semaphore, #tpu.memory_space<semaphore_mem>>
        %dma_wait3A_363 = tpu.memref_squeeze %dma_wait3A_362 : memref<1x!tpu.dma_semaphore, #tpu.memory_space<semaphore_mem>> -> memref<!tpu.dma_semaphore, #tpu.memory_space<semaphore_mem>>
        tpu.wait_indirect_dma semaphore(%dma_wait3A_363 : memref<!tpu.dma_semaphore, #tpu.memory_space<semaphore_mem>>) src(%dma_wait3A_355 : memref<125x64xf32, #tpu.memory_space<vmem>>) dst(%dma_wait3A_361 : memref<10000x64xf32, #tpu.memory_space<vmem_shared>>)
        %add3A_364 = arith.constant 4 : i32
        %add3A_365 = arith.addi %sub3A_290, %add3A_364 : i32
        %dma_start3A_366 = arith.constant 0 : i32
        %dma_start3A_367 = arith.constant 0 : i32
        %dma_start3A_368 = arith.constant 0 : i32
        %dma_start3A_369 = arith.constant 0 : i32
        %dma_start3A_370 = tpu.memref_slice %arg7[%dma_start3A_366, %dma_start3A_368, %dma_start3A_369] : memref<4x125x64xf32, #tpu.memory_space<vmem>> -> memref<1x125x64xf32, #tpu.memory_space<vmem>>
        %dma_start3A_371 = tpu.memref_squeeze %dma_start3A_370 : memref<1x125x64xf32, #tpu.memory_space<vmem>> -> memref<125x64xf32, #tpu.memory_space<vmem>>
        %dma_start3A_372 = arith.constant 0 : i32
        %dma_start3A_373 = tpu.memref_slice %arg5[%add3A_365, %dma_start3A_372] : memref<160x125xi32, #tpu.memory_space<vmem>> -> memref<1x125xi32, #tpu.memory_space<vmem>>
        %dma_start3A_374 = tpu.memref_squeeze %dma_start3A_373 : memref<1x125xi32, #tpu.memory_space<vmem>> -> memref<125xi32, #tpu.memory_space<vmem>>
        %dma_start3A_375 = arith.constant 0 : i32
        %dma_start3A_376 = arith.constant 0 : i32
        %dma_start3A_377 = tpu.memref_slice %arg2[%arg0, %dma_start3A_375, %dma_start3A_376] : memref<2x10000x64xf32, #tpu.memory_space<hbm>> -> memref<1x10000x64xf32, #tpu.memory_space<hbm>>
        %dma_start3A_378 = tpu.memref_squeeze %dma_start3A_377 : memref<1x10000x64xf32, #tpu.memory_space<hbm>> -> memref<10000x64xf32, #tpu.memory_space<hbm>>
        %dma_start3A_379 = arith.constant 0 : i32
        %dma_start3A_380 = arith.constant 0 : i32
        %dma_start3A_381 = tpu.memref_slice %dma_start3A_378[%dma_start3A_379, %dma_start3A_380] : memref<10000x64xf32, #tpu.memory_space<hbm>> -> memref<10000x64xf32, #tpu.memory_space<hbm>>
        %dma_start3A_382 = tpu.memref_slice %arg9[%dma_start3A_367] : memref<4x!tpu.dma_semaphore, #tpu.memory_space<semaphore_mem>> -> memref<1x!tpu.dma_semaphore, #tpu.memory_space<semaphore_mem>>
        %dma_start3A_383 = tpu.memref_squeeze %dma_start3A_382 : memref<1x!tpu.dma_semaphore, #tpu.memory_space<semaphore_mem>> -> memref<!tpu.dma_semaphore, #tpu.memory_space<semaphore_mem>>
        tpu.enqueue_indirect_dma source(%dma_start3A_381 : memref<10000x64xf32, #tpu.memory_space<hbm>>) target(%dma_start3A_371 : memref<125x64xf32, #tpu.memory_space<vmem>>) offsets(%dma_start3A_374 : memref<125xi32, #tpu.memory_space<vmem>>) semaphore(%dma_start3A_383 : memref<!tpu.dma_semaphore, #tpu.memory_space<semaphore_mem>>)
      } else {
      }
      %mul3A_301 = arith.constant 4 : i32
      %mul3A_302 = arith.muli %scan3A_160, %mul3A_301 : i32
      %add3A_303 = arith.constant 3 : i32
      %add3A_304 = arith.addi %mul3A_302, %add3A_303 : i32
      %dma_wait3A_305 = arith.constant 3 : i32
      %dma_wait3A_306 = arith.constant 3 : i32
      %dma_wait3A_307 = arith.constant 0 : i32
      %dma_wait3A_308 = arith.constant 0 : i32
      %dma_wait3A_309 = tpu.memref_slice %arg7[%dma_wait3A_305, %dma_wait3A_307, %dma_wait3A_308] : memref<4x125x64xf32, #tpu.memory_space<vmem>> -> memref<1x125x64xf32, #tpu.memory_space<vmem>>
      %dma_wait3A_310 = tpu.memref_squeeze %dma_wait3A_309 : memref<1x125x64xf32, #tpu.memory_space<vmem>> -> memref<125x64xf32, #tpu.memory_space<vmem>>
      %dma_wait3A_311 = arith.constant 0 : i32
      %dma_wait3A_312 = tpu.memref_slice %arg5[%add3A_304, %dma_wait3A_311] : memref<160x125xi32, #tpu.memory_space<vmem>> -> memref<1x125xi32, #tpu.memory_space<vmem>>
      %dma_wait3A_313 = tpu.memref_squeeze %dma_wait3A_312 : memref<1x125xi32, #tpu.memory_space<vmem>> -> memref<125xi32, #tpu.memory_space<vmem>>
      %dma_wait3A_314 = arith.constant 0 : i32
      %dma_wait3A_315 = arith.constant 0 : i32
      %dma_wait3A_316 = tpu.memref_slice %arg2[%arg0, %dma_wait3A_314, %dma_wait3A_315] : memref<2x10000x64xf32, #tpu.memory_space<hbm>> -> memref<1x10000x64xf32, #tpu.memory_space<hbm>>
      %dma_wait3A_317 = tpu.memref_squeeze %dma_wait3A_316 : memref<1x10000x64xf32, #tpu.memory_space<hbm>> -> memref<10000x64xf32, #tpu.memory_space<hbm>>
      %dma_wait3A_318 = arith.constant 0 : i32
      %dma_wait3A_319 = arith.constant 0 : i32
      %dma_wait3A_320 = tpu.memref_slice %dma_wait3A_317[%dma_wait3A_318, %dma_wait3A_319] : memref<10000x64xf32, #tpu.memory_space<hbm>> -> memref<10000x64xf32, #tpu.memory_space<hbm>>
      %dma_wait3A_321 = tpu.memref_slice %arg9[%dma_wait3A_306] : memref<4x!tpu.dma_semaphore, #tpu.memory_space<semaphore_mem>> -> memref<1x!tpu.dma_semaphore, #tpu.memory_space<semaphore_mem>>
      %dma_wait3A_322 = tpu.memref_squeeze %dma_wait3A_321 : memref<1x!tpu.dma_semaphore, #tpu.memory_space<semaphore_mem>> -> memref<!tpu.dma_semaphore, #tpu.memory_space<semaphore_mem>>
      tpu.wait_indirect_dma semaphore(%dma_wait3A_322 : memref<!tpu.dma_semaphore, #tpu.memory_space<semaphore_mem>>) src(%dma_wait3A_320 : memref<10000x64xf32, #tpu.memory_space<hbm>>) dst(%dma_wait3A_310 : memref<125x64xf32, #tpu.memory_space<vmem>>)
      %dma_start3A_323 = arith.constant 3 : i32
      %dma_start3A_324 = arith.constant 3 : i32
      %dma_start3A_325 = arith.constant 0 : i32
      %dma_start3A_326 = arith.constant 0 : i32
      %dma_start3A_327 = tpu.memref_slice %arg7[%dma_start3A_323, %dma_start3A_325, %dma_start3A_326] : memref<4x125x64xf32, #tpu.memory_space<vmem>> -> memref<1x125x64xf32, #tpu.memory_space<vmem>>
      %dma_start3A_328 = tpu.memref_squeeze %dma_start3A_327 : memref<1x125x64xf32, #tpu.memory_space<vmem>> -> memref<125x64xf32, #tpu.memory_space<vmem>>
      %dma_start3A_329 = arith.constant 0 : i32
      %dma_start3A_330 = tpu.memref_slice %arg6[%add3A_304, %dma_start3A_329] : memref<160x125xi32, #tpu.memory_space<vmem>> -> memref<1x125xi32, #tpu.memory_space<vmem>>
      %dma_start3A_331 = tpu.memref_squeeze %dma_start3A_330 : memref<1x125xi32, #tpu.memory_space<vmem>> -> memref<125xi32, #tpu.memory_space<vmem>>
      %dma_start3A_332 = arith.constant 0 : i32
      %dma_start3A_333 = arith.constant 0 : i32
      %dma_start3A_334 = tpu.memref_slice %arg8[%dma_start3A_332, %dma_start3A_333] : memref<10000x64xf32, #tpu.memory_space<vmem_shared>> -> memref<10000x64xf32, #tpu.memory_space<vmem_shared>>
      %dma_start3A_335 = tpu.memref_slice %arg10[%dma_start3A_324] : memref<4x!tpu.dma_semaphore, #tpu.memory_space<semaphore_mem>> -> memref<1x!tpu.dma_semaphore, #tpu.memory_space<semaphore_mem>>
      %dma_start3A_336 = tpu.memref_squeeze %dma_start3A_335 : memref<1x!tpu.dma_semaphore, #tpu.memory_space<semaphore_mem>> -> memref<!tpu.dma_semaphore, #tpu.memory_space<semaphore_mem>>
      tpu.enqueue_indirect_dma source(%dma_start3A_328 : memref<125x64xf32, #tpu.memory_space<vmem>>) target(%dma_start3A_334 : memref<10000x64xf32, #tpu.memory_space<vmem_shared>>) offsets(%dma_start3A_331 : memref<125xi32, #tpu.memory_space<vmem>>) semaphore(%dma_start3A_336 : memref<!tpu.dma_semaphore, #tpu.memory_space<semaphore_mem>>) {add = true}
      %sub3A_337 = arith.constant 2 : i32
      %sub3A_338 = arith.subi %add3A_304, %sub3A_337 : i32
      %ge3A_339 = arith.constant 0 : i32
      %ge3A_340 = arith.cmpi sge, %sub3A_338, %ge3A_339 : i32
      %add3A_341 = arith.constant 4 : i32
      %add3A_342 = arith.addi %sub3A_338, %add3A_341 : i32
      %lt3A_343 = arith.constant 160 : i32
      %lt3A_344 = arith.cmpi slt, %add3A_342, %lt3A_343 : i32
      %and3A_345 = arith.andi %ge3A_340, %lt3A_344 : i1
      %convert_element_type3A_346 = arith.extui %and3A_345 : i1 to i32
      %cond3A_347 = arith.constant 0 : i32
      %cond3A_348 = arith.cmpi ne, %convert_element_type3A_346, %cond3A_347 : i32
      scf.if %cond3A_348 {
        %dma_wait3A_350 = arith.constant 1 : i32
        %dma_wait3A_351 = arith.constant 1 : i32
        %dma_wait3A_352 = arith.constant 0 : i32
        %dma_wait3A_353 = arith.constant 0 : i32
        %dma_wait3A_354 = tpu.memref_slice %arg7[%dma_wait3A_350, %dma_wait3A_352, %dma_wait3A_353] : memref<4x125x64xf32, #tpu.memory_space<vmem>> -> memref<1x125x64xf32, #tpu.memory_space<vmem>>
        %dma_wait3A_355 = tpu.memref_squeeze %dma_wait3A_354 : memref<1x125x64xf32, #tpu.memory_space<vmem>> -> memref<125x64xf32, #tpu.memory_space<vmem>>
        %dma_wait3A_356 = arith.constant 0 : i32
        %dma_wait3A_357 = tpu.memref_slice %arg6[%sub3A_338, %dma_wait3A_356] : memref<160x125xi32, #tpu.memory_space<vmem>> -> memref<1x125xi32, #tpu.memory_space<vmem>>
        %dma_wait3A_358 = tpu.memref_squeeze %dma_wait3A_357 : memref<1x125xi32, #tpu.memory_space<vmem>> -> memref<125xi32, #tpu.memory_space<vmem>>
        %dma_wait3A_359 = arith.constant 0 : i32
        %dma_wait3A_360 = arith.constant 0 : i32
        %dma_wait3A_361 = tpu.memref_slice %arg8[%dma_wait3A_359, %dma_wait3A_360] : memref<10000x64xf32, #tpu.memory_space<vmem_shared>> -> memref<10000x64xf32, #tpu.memory_space<vmem_shared>>
        %dma_wait3A_362 = tpu.memref_slice %arg10[%dma_wait3A_351] : memref<4x!tpu.dma_semaphore, #tpu.memory_space<semaphore_mem>> -> memref<1x!tpu.dma_semaphore, #tpu.memory_space<semaphore_mem>>
        %dma_wait3A_363 = tpu.memref_squeeze %dma_wait3A_362 : memref<1x!tpu.dma_semaphore, #tpu.memory_space<semaphore_mem>> -> memref<!tpu.dma_semaphore, #tpu.memory_space<semaphore_mem>>
        tpu.wait_indirect_dma semaphore(%dma_wait3A_363 : memref<!tpu.dma_semaphore, #tpu.memory_space<semaphore_mem>>) src(%dma_wait3A_355 : memref<125x64xf32, #tpu.memory_space<vmem>>) dst(%dma_wait3A_361 : memref<10000x64xf32, #tpu.memory_space<vmem_shared>>)
        %add3A_364 = arith.constant 4 : i32
        %add3A_365 = arith.addi %sub3A_338, %add3A_364 : i32
        %dma_start3A_366 = arith.constant 1 : i32
        %dma_start3A_367 = arith.constant 1 : i32
        %dma_start3A_368 = arith.constant 0 : i32
        %dma_start3A_369 = arith.constant 0 : i32
        %dma_start3A_370 = tpu.memref_slice %arg7[%dma_start3A_366, %dma_start3A_368, %dma_start3A_369] : memref<4x125x64xf32, #tpu.memory_space<vmem>> -> memref<1x125x64xf32, #tpu.memory_space<vmem>>
        %dma_start3A_371 = tpu.memref_squeeze %dma_start3A_370 : memref<1x125x64xf32, #tpu.memory_space<vmem>> -> memref<125x64xf32, #tpu.memory_space<vmem>>
        %dma_start3A_372 = arith.constant 0 : i32
        %dma_start3A_373 = tpu.memref_slice %arg5[%add3A_365, %dma_start3A_372] : memref<160x125xi32, #tpu.memory_space<vmem>> -> memref<1x125xi32, #tpu.memory_space<vmem>>
        %dma_start3A_374 = tpu.memref_squeeze %dma_start3A_373 : memref<1x125xi32, #tpu.memory_space<vmem>> -> memref<125xi32, #tpu.memory_space<vmem>>
        %dma_start3A_375 = arith.constant 0 : i32
        %dma_start3A_376 = arith.constant 0 : i32
        %dma_start3A_377 = tpu.memref_slice %arg2[%arg0, %dma_start3A_375, %dma_start3A_376] : memref<2x10000x64xf32, #tpu.memory_space<hbm>> -> memref<1x10000x64xf32, #tpu.memory_space<hbm>>
        %dma_start3A_378 = tpu.memref_squeeze %dma_start3A_377 : memref<1x10000x64xf32, #tpu.memory_space<hbm>> -> memref<10000x64xf32, #tpu.memory_space<hbm>>
        %dma_start3A_379 = arith.constant 0 : i32
        %dma_start3A_380 = arith.constant 0 : i32
        %dma_start3A_381 = tpu.memref_slice %dma_start3A_378[%dma_start3A_379, %dma_start3A_380] : memref<10000x64xf32, #tpu.memory_space<hbm>> -> memref<10000x64xf32, #tpu.memory_space<hbm>>
        %dma_start3A_382 = tpu.memref_slice %arg9[%dma_start3A_367] : memref<4x!tpu.dma_semaphore, #tpu.memory_space<semaphore_mem>> -> memref<1x!tpu.dma_semaphore, #tpu.memory_space<semaphore_mem>>
        %dma_start3A_383 = tpu.memref_squeeze %dma_start3A_382 : memref<1x!tpu.dma_semaphore, #tpu.memory_space<semaphore_mem>> -> memref<!tpu.dma_semaphore, #tpu.memory_space<semaphore_mem>>
        tpu.enqueue_indirect_dma source(%dma_start3A_381 : memref<10000x64xf32, #tpu.memory_space<hbm>>) target(%dma_start3A_371 : memref<125x64xf32, #tpu.memory_space<vmem>>) offsets(%dma_start3A_374 : memref<125xi32, #tpu.memory_space<vmem>>) semaphore(%dma_start3A_383 : memref<!tpu.dma_semaphore, #tpu.memory_space<semaphore_mem>>)
      } else {
      }
      %scan3A_349 = arith.constant 0 : i32
      scf.yield %scan3A_349 : i32
    }
    %scan3A_90 = arith.constant 40 : i32
    %dma_wait3A = arith.constant 0 : i32
    %dma_wait3A_91 = arith.constant 156 : i32
    %dma_wait3A_92 = arith.constant 0 : i32
    %dma_wait3A_93 = arith.constant 0 : i32
    %dma_wait3A_94 = arith.constant 0 : i32
    %dma_wait3A_95 = tpu.memref_slice %arg7[%dma_wait3A, %dma_wait3A_93, %dma_wait3A_94] : memref<4x125x64xf32, #tpu.memory_space<vmem>> -> memref<1x125x64xf32, #tpu.memory_space<vmem>>
    %dma_wait3A_96 = tpu.memref_squeeze %dma_wait3A_95 : memref<1x125x64xf32, #tpu.memory_space<vmem>> -> memref<125x64xf32, #tpu.memory_space<vmem>>
    %dma_wait3A_97 = arith.constant 0 : i32
    %dma_wait3A_98 = tpu.memref_slice %arg6[%dma_wait3A_91, %dma_wait3A_97] : memref<160x125xi32, #tpu.memory_space<vmem>> -> memref<1x125xi32, #tpu.memory_space<vmem>>
    %dma_wait3A_99 = tpu.memref_squeeze %dma_wait3A_98 : memref<1x125xi32, #tpu.memory_space<vmem>> -> memref<125xi32, #tpu.memory_space<vmem>>
    %dma_wait3A_100 = arith.constant 0 : i32
    %dma_wait3A_101 = arith.constant 0 : i32
    %dma_wait3A_102 = tpu.memref_slice %arg8[%dma_wait3A_100, %dma_wait3A_101] : memref<10000x64xf32, #tpu.memory_space<vmem_shared>> -> memref<10000x64xf32, #tpu.memory_space<vmem_shared>>
    %dma_wait3A_103 = tpu.memref_slice %arg10[%dma_wait3A_92] : memref<4x!tpu.dma_semaphore, #tpu.memory_space<semaphore_mem>> -> memref<1x!tpu.dma_semaphore, #tpu.memory_space<semaphore_mem>>
    %dma_wait3A_104 = tpu.memref_squeeze %dma_wait3A_103 : memref<1x!tpu.dma_semaphore, #tpu.memory_space<semaphore_mem>> -> memref<!tpu.dma_semaphore, #tpu.memory_space<semaphore_mem>>
    tpu.wait_indirect_dma semaphore(%dma_wait3A_104 : memref<!tpu.dma_semaphore, #tpu.memory_space<semaphore_mem>>) src(%dma_wait3A_96 : memref<125x64xf32, #tpu.memory_space<vmem>>) dst(%dma_wait3A_102 : memref<10000x64xf32, #tpu.memory_space<vmem_shared>>)
    %dma_wait3A_105 = arith.constant 1 : i32
    %dma_wait3A_106 = arith.constant 157 : i32
    %dma_wait3A_107 = arith.constant 1 : i32
    %dma_wait3A_108 = arith.constant 0 : i32
    %dma_wait3A_109 = arith.constant 0 : i32
    %dma_wait3A_110 = tpu.memref_slice %arg7[%dma_wait3A_105, %dma_wait3A_108, %dma_wait3A_109] : memref<4x125x64xf32, #tpu.memory_space<vmem>> -> memref<1x125x64xf32, #tpu.memory_space<vmem>>
    %dma_wait3A_111 = tpu.memref_squeeze %dma_wait3A_110 : memref<1x125x64xf32, #tpu.memory_space<vmem>> -> memref<125x64xf32, #tpu.memory_space<vmem>>
    %dma_wait3A_112 = arith.constant 0 : i32
    %dma_wait3A_113 = tpu.memref_slice %arg6[%dma_wait3A_106, %dma_wait3A_112] : memref<160x125xi32, #tpu.memory_space<vmem>> -> memref<1x125xi32, #tpu.memory_space<vmem>>
    %dma_wait3A_114 = tpu.memref_squeeze %dma_wait3A_113 : memref<1x125xi32, #tpu.memory_space<vmem>> -> memref<125xi32, #tpu.memory_space<vmem>>
    %dma_wait3A_115 = arith.constant 0 : i32
    %dma_wait3A_116 = arith.constant 0 : i32
    %dma_wait3A_117 = tpu.memref_slice %arg8[%dma_wait3A_115, %dma_wait3A_116] : memref<10000x64xf32, #tpu.memory_space<vmem_shared>> -> memref<10000x64xf32, #tpu.memory_space<vmem_shared>>
    %dma_wait3A_118 = tpu.memref_slice %arg10[%dma_wait3A_107] : memref<4x!tpu.dma_semaphore, #tpu.memory_space<semaphore_mem>> -> memref<1x!tpu.dma_semaphore, #tpu.memory_space<semaphore_mem>>
    %dma_wait3A_119 = tpu.memref_squeeze %dma_wait3A_118 : memref<1x!tpu.dma_semaphore, #tpu.memory_space<semaphore_mem>> -> memref<!tpu.dma_semaphore, #tpu.memory_space<semaphore_mem>>
    tpu.wait_indirect_dma semaphore(%dma_wait3A_119 : memref<!tpu.dma_semaphore, #tpu.memory_space<semaphore_mem>>) src(%dma_wait3A_111 : memref<125x64xf32, #tpu.memory_space<vmem>>) dst(%dma_wait3A_117 : memref<10000x64xf32, #tpu.memory_space<vmem_shared>>)
    %dma_wait3A_120 = arith.constant 2 : i32
    %dma_wait3A_121 = arith.constant 158 : i32
    %dma_wait3A_122 = arith.constant 2 : i32
    %dma_wait3A_123 = arith.constant 0 : i32
    %dma_wait3A_124 = arith.constant 0 : i32
    %dma_wait3A_125 = tpu.memref_slice %arg7[%dma_wait3A_120, %dma_wait3A_123, %dma_wait3A_124] : memref<4x125x64xf32, #tpu.memory_space<vmem>> -> memref<1x125x64xf32, #tpu.memory_space<vmem>>
    %dma_wait3A_126 = tpu.memref_squeeze %dma_wait3A_125 : memref<1x125x64xf32, #tpu.memory_space<vmem>> -> memref<125x64xf32, #tpu.memory_space<vmem>>
    %dma_wait3A_127 = arith.constant 0 : i32
    %dma_wait3A_128 = tpu.memref_slice %arg6[%dma_wait3A_121, %dma_wait3A_127] : memref<160x125xi32, #tpu.memory_space<vmem>> -> memref<1x125xi32, #tpu.memory_space<vmem>>
    %dma_wait3A_129 = tpu.memref_squeeze %dma_wait3A_128 : memref<1x125xi32, #tpu.memory_space<vmem>> -> memref<125xi32, #tpu.memory_space<vmem>>
    %dma_wait3A_130 = arith.constant 0 : i32
    %dma_wait3A_131 = arith.constant 0 : i32
    %dma_wait3A_132 = tpu.memref_slice %arg8[%dma_wait3A_130, %dma_wait3A_131] : memref<10000x64xf32, #tpu.memory_space<vmem_shared>> -> memref<10000x64xf32, #tpu.memory_space<vmem_shared>>
    %dma_wait3A_133 = tpu.memref_slice %arg10[%dma_wait3A_122] : memref<4x!tpu.dma_semaphore, #tpu.memory_space<semaphore_mem>> -> memref<1x!tpu.dma_semaphore, #tpu.memory_space<semaphore_mem>>
    %dma_wait3A_134 = tpu.memref_squeeze %dma_wait3A_133 : memref<1x!tpu.dma_semaphore, #tpu.memory_space<semaphore_mem>> -> memref<!tpu.dma_semaphore, #tpu.memory_space<semaphore_mem>>
    tpu.wait_indirect_dma semaphore(%dma_wait3A_134 : memref<!tpu.dma_semaphore, #tpu.memory_space<semaphore_mem>>) src(%dma_wait3A_126 : memref<125x64xf32, #tpu.memory_space<vmem>>) dst(%dma_wait3A_132 : memref<10000x64xf32, #tpu.memory_space<vmem_shared>>)
    %dma_wait3A_135 = arith.constant 3 : i32
    %dma_wait3A_136 = arith.constant 159 : i32
    %dma_wait3A_137 = arith.constant 3 : i32
    %dma_wait3A_138 = arith.constant 0 : i32
    %dma_wait3A_139 = arith.constant 0 : i32
    %dma_wait3A_140 = tpu.memref_slice %arg7[%dma_wait3A_135, %dma_wait3A_138, %dma_wait3A_139] : memref<4x125x64xf32, #tpu.memory_space<vmem>> -> memref<1x125x64xf32, #tpu.memory_space<vmem>>
    %dma_wait3A_141 = tpu.memref_squeeze %dma_wait3A_140 : memref<1x125x64xf32, #tpu.memory_space<vmem>> -> memref<125x64xf32, #tpu.memory_space<vmem>>
    %dma_wait3A_142 = arith.constant 0 : i32
    %dma_wait3A_143 = tpu.memref_slice %arg6[%dma_wait3A_136, %dma_wait3A_142] : memref<160x125xi32, #tpu.memory_space<vmem>> -> memref<1x125xi32, #tpu.memory_space<vmem>>
    %dma_wait3A_144 = tpu.memref_squeeze %dma_wait3A_143 : memref<1x125xi32, #tpu.memory_space<vmem>> -> memref<125xi32, #tpu.memory_space<vmem>>
    %dma_wait3A_145 = arith.constant 0 : i32
    %dma_wait3A_146 = arith.constant 0 : i32
    %dma_wait3A_147 = tpu.memref_slice %arg8[%dma_wait3A_145, %dma_wait3A_146] : memref<10000x64xf32, #tpu.memory_space<vmem_shared>> -> memref<10000x64xf32, #tpu.memory_space<vmem_shared>>
    %dma_wait3A_148 = tpu.memref_slice %arg10[%dma_wait3A_137] : memref<4x!tpu.dma_semaphore, #tpu.memory_space<semaphore_mem>> -> memref<1x!tpu.dma_semaphore, #tpu.memory_space<semaphore_mem>>
    %dma_wait3A_149 = tpu.memref_squeeze %dma_wait3A_148 : memref<1x!tpu.dma_semaphore, #tpu.memory_space<semaphore_mem>> -> memref<!tpu.dma_semaphore, #tpu.memory_space<semaphore_mem>>
    tpu.wait_indirect_dma semaphore(%dma_wait3A_149 : memref<!tpu.dma_semaphore, #tpu.memory_space<semaphore_mem>>) src(%dma_wait3A_141 : memref<125x64xf32, #tpu.memory_space<vmem>>) dst(%dma_wait3A_147 : memref<10000x64xf32, #tpu.memory_space<vmem_shared>>)
    %barrier3A_150 = arith.constant 0 : index
    tpu.barrier barrier_id(%barrier3A_150)
    %mul3A_151 = arith.constant 624 : i32
    %mul3A_152 = arith.muli %arg1, %mul3A_151 : i32
    %mul3A_153 = arith.constant 624 : i32
    %mul3A_154 = arith.muli %arg1, %mul3A_153 : i32
    "tpu.region"() ({
      %run_scoped3A_160 = tpu.sem_alloc : memref<!tpu.dma_semaphore, #tpu.memory_space<semaphore_mem>>
      %dma_start3A_161 = arith.constant 0 : i32
      %dma_start3A_162 = arith.constant 0 : i32
      %dma_start3A_163 = tpu.memref_slice %arg4[%arg0, %dma_start3A_161, %dma_start3A_162] : memref<2x10000x64xf32, #tpu.memory_space<hbm>> -> memref<1x10000x64xf32, #tpu.memory_space<hbm>>
      %dma_start3A_164 = tpu.memref_squeeze %dma_start3A_163 : memref<1x10000x64xf32, #tpu.memory_space<hbm>> -> memref<10000x64xf32, #tpu.memory_space<hbm>>
      %dma_start3A_165 = arith.constant 0 : i32
      %dma_start3A_166 = tpu.memref_slice %dma_start3A_164[%mul3A_154, %dma_start3A_165] : memref<10000x64xf32, #tpu.memory_space<hbm>> -> memref<624x64xf32, #tpu.memory_space<hbm>>
      %dma_start3A_167 = arith.constant 0 : i32
      %dma_start3A_168 = tpu.memref_slice %arg8[%mul3A_152, %dma_start3A_167] : memref<10000x64xf32, #tpu.memory_space<vmem_shared>> -> memref<624x64xf32, #tpu.memory_space<vmem_shared>>
      tpu.enqueue_dma source(%dma_start3A_168 : memref<624x64xf32, #tpu.memory_space<vmem_shared>>) target(%dma_start3A_166 : memref<624x64xf32, #tpu.memory_space<hbm>>) target_semaphore(%run_scoped3A_160 : memref<!tpu.dma_semaphore, #tpu.memory_space<semaphore_mem>>)
      %dma_wait3A_169 = arith.constant 0 : i32
      %dma_wait3A_170 = arith.constant 0 : i32
      %dma_wait3A_171 = tpu.memref_slice %arg4[%arg0, %dma_wait3A_169, %dma_wait3A_170] : memref<2x10000x64xf32, #tpu.memory_space<hbm>> -> memref<1x10000x64xf32, #tpu.memory_space<hbm>>
      %dma_wait3A_172 = tpu.memref_squeeze %dma_wait3A_171 : memref<1x10000x64xf32, #tpu.memory_space<hbm>> -> memref<10000x64xf32, #tpu.memory_space<hbm>>
      %dma_wait3A_173 = arith.constant 0 : i32
      %dma_wait3A_174 = tpu.memref_slice %dma_wait3A_172[%mul3A_154, %dma_wait3A_173] : memref<10000x64xf32, #tpu.memory_space<hbm>> -> memref<624x64xf32, #tpu.memory_space<hbm>>
      %dma_wait3A_175 = arith.constant 0 : i32
      %dma_wait3A_176 = tpu.memref_slice %arg8[%mul3A_152, %dma_wait3A_175] : memref<10000x64xf32, #tpu.memory_space<vmem_shared>> -> memref<624x64xf32, #tpu.memory_space<vmem_shared>>
      tpu.wait_dma2 semaphore(%run_scoped3A_160 : memref<!tpu.dma_semaphore, #tpu.memory_space<semaphore_mem>>) src(%dma_wait3A_176 : memref<624x64xf32, #tpu.memory_space<vmem_shared>>) dst(%dma_wait3A_174 : memref<624x64xf32, #tpu.memory_space<hbm>>)
      tpu.yield
    }) : () -> ()
    %eq3A_155 = arith.constant 0 : i32
    %eq3A_156 = arith.cmpi eq, %arg1, %eq3A_155 : i32
    %convert_element_type3A_157 = arith.extui %eq3A_156 : i1 to i32
    %cond3A_158 = arith.constant 0 : i32
    %cond3A_159 = arith.cmpi ne, %convert_element_type3A_157, %cond3A_158 : i32
    scf.if %cond3A_159 {
      "tpu.region"() ({
        %run_scoped3A_160 = tpu.sem_alloc : memref<!tpu.dma_semaphore, #tpu.memory_space<semaphore_mem>>
        %dma_start3A_161 = arith.constant 0 : i32
        %dma_start3A_162 = arith.constant 0 : i32
        %dma_start3A_163 = tpu.memref_slice %arg4[%arg0, %dma_start3A_161, %dma_start3A_162] : memref<2x10000x64xf32, #tpu.memory_space<hbm>> -> memref<1x10000x64xf32, #tpu.memory_space<hbm>>
        %dma_start3A_164 = tpu.memref_squeeze %dma_start3A_163 : memref<1x10000x64xf32, #tpu.memory_space<hbm>> -> memref<10000x64xf32, #tpu.memory_space<hbm>>
        %dma_start3A_165 = arith.constant 9984 : i32
        %dma_start3A_166 = arith.constant 0 : i32
        %dma_start3A_167 = tpu.memref_slice %dma_start3A_164[%dma_start3A_165, %dma_start3A_166] : memref<10000x64xf32, #tpu.memory_space<hbm>> -> memref<16x64xf32, #tpu.memory_space<hbm>>
        %dma_start3A_168 = arith.constant 9984 : i32
        %dma_start3A_169 = arith.constant 0 : i32
        %dma_start3A_170 = tpu.memref_slice %arg8[%dma_start3A_168, %dma_start3A_169] : memref<10000x64xf32, #tpu.memory_space<vmem_shared>> -> memref<16x64xf32, #tpu.memory_space<vmem_shared>>
        tpu.enqueue_dma source(%dma_start3A_170 : memref<16x64xf32, #tpu.memory_space<vmem_shared>>) target(%dma_start3A_167 : memref<16x64xf32, #tpu.memory_space<hbm>>) target_semaphore(%run_scoped3A_160 : memref<!tpu.dma_semaphore, #tpu.memory_space<semaphore_mem>>)
        %dma_wait3A_171 = arith.constant 0 : i32
        %dma_wait3A_172 = arith.constant 0 : i32
        %dma_wait3A_173 = tpu.memref_slice %arg4[%arg0, %dma_wait3A_171, %dma_wait3A_172] : memref<2x10000x64xf32, #tpu.memory_space<hbm>> -> memref<1x10000x64xf32, #tpu.memory_space<hbm>>
        %dma_wait3A_174 = tpu.memref_squeeze %dma_wait3A_173 : memref<1x10000x64xf32, #tpu.memory_space<hbm>> -> memref<10000x64xf32, #tpu.memory_space<hbm>>
        %dma_wait3A_175 = arith.constant 9984 : i32
        %dma_wait3A_176 = arith.constant 0 : i32
        %dma_wait3A_177 = tpu.memref_slice %dma_wait3A_174[%dma_wait3A_175, %dma_wait3A_176] : memref<10000x64xf32, #tpu.memory_space<hbm>> -> memref<16x64xf32, #tpu.memory_space<hbm>>
        %dma_wait3A_178 = arith.constant 9984 : i32
        %dma_wait3A_179 = arith.constant 0 : i32
        %dma_wait3A_180 = tpu.memref_slice %arg8[%dma_wait3A_178, %dma_wait3A_179] : memref<10000x64xf32, #tpu.memory_space<vmem_shared>> -> memref<16x64xf32, #tpu.memory_space<vmem_shared>>
        tpu.wait_dma2 semaphore(%run_scoped3A_160 : memref<!tpu.dma_semaphore, #tpu.memory_space<semaphore_mem>>) src(%dma_wait3A_180 : memref<16x64xf32, #tpu.memory_space<vmem_shared>>) dst(%dma_wait3A_177 : memref<16x64xf32, #tpu.memory_space<hbm>>)
        tpu.yield
      }) : () -> ()
    } else {
    }
    return
  }
}

module attributes {stable_mosaic.version = 14 : i64} {
  func.func @_tc_in_body(%arg0: i32, %arg1: memref<2000x128xf32, #tpu.memory_space<vmem>>, %arg2: memref<128x128xf32, #tpu.memory_space<vmem>>, %arg3: memref<1x128xf32, #tpu.memory_space<vmem>>, %arg4: memref<128x128xf32, #tpu.memory_space<vmem>>, %arg5: memref<2x2000x16xf32, #tpu.memory_space<vmem>>, %arg6: memref<2x2000x64xf32, #tpu.memory_space<vmem>>) attributes {dimension_semantics = [#tpu.dimension_semantics<arbitrary>], iteration_bounds = array<i64: 5>, scalar_prefetch = 0 : i64, scratch_operands = 0 : i64, tpu.core_type = #tpu.core_type<tc>, window_params = [{transform_indices = @transform_0, window_bounds = array<i64: 2000, 128>}, {pipeline_mode = #tpu.pipeline_mode<synchronous>, transform_indices = @transform_1, window_bounds = array<i64: 128, 128>}, {pipeline_mode = #tpu.pipeline_mode<synchronous>, transform_indices = @transform_2, window_bounds = array<i64: 1, 128>}, {pipeline_mode = #tpu.pipeline_mode<synchronous>, transform_indices = @transform_3, window_bounds = array<i64: 128, 128>}, {transform_indices = @transform_4, window_bounds = array<i64: 2, 2000, 16>}, {transform_indices = @transform_5, window_bounds = array<i64: 2, 2000, 64>}]} {
    %get3A = arith.constant 0 : index
    %get3A_0 = arith.constant 0 : index
    %get3A_1 = vector.load %arg1[%get3A, %get3A_0] : memref<2000x128xf32, #tpu.memory_space<vmem>>, vector<2000x128xf32>
    %get3A_2 = arith.constant 0 : index
    %get3A_3 = arith.constant 0 : index
    %get3A_4 = vector.load %arg2[%get3A_2, %get3A_3] : memref<128x128xf32, #tpu.memory_space<vmem>>, vector<128x128xf32>
    %dot_general3A = arith.constant dense<0.000000e+00> : vector<2000x128xf32>
    %dot_general3A_5 = tpu.matmul %get3A_1, %get3A_4, %dot_general3A {dimension_numbers = #tpu.dot_dimension_numbers<[1], [0], [0], [1], [0, 0, 1, 1], [], []>, transpose_lhs_hint = false} : vector<2000x128xf32>, vector<128x128xf32>, vector<2000x128xf32> -> vector<2000x128xf32>
    %get3A_6 = arith.constant 0 : index
    %get3A_7 = arith.constant 0 : index
    %get3A_8 = vector.load %arg3[%get3A_6, %get3A_7] : memref<1x128xf32, #tpu.memory_space<vmem>>, vector<1x128xf32>
    %add3A = vector.broadcast %get3A_8 : vector<1x128xf32> to vector<2000x128xf32>
    %add3A_9 = arith.addf %dot_general3A_5, %add3A : vector<2000x128xf32>
    %get3A_10 = arith.constant 0 : index
    %get3A_11 = arith.constant 0 : index
    %get3A_12 = arith.constant 0 : index
    %get3A_13 = vector.load %arg5[%get3A_10, %get3A_11, %get3A_12] : memref<2x2000x16xf32, #tpu.memory_space<vmem>>, vector<1x2000x16xf32>
    %get3A_14 = vector.shape_cast %get3A_13 : vector<1x2000x16xf32> to vector<2000x16xf32>
    %get3A_15 = arith.constant 1 : index
    %get3A_16 = arith.constant 0 : index
    %get3A_17 = arith.constant 0 : index
    %get3A_18 = vector.load %arg5[%get3A_15, %get3A_16, %get3A_17] : memref<2x2000x16xf32, #tpu.memory_space<vmem>>, vector<1x2000x16xf32>
    %get3A_19 = vector.shape_cast %get3A_18 : vector<1x2000x16xf32> to vector<2000x16xf32>
    %add3A_20 = arith.addf %get3A_14, %get3A_19 : vector<2000x16xf32>
    %slice3A = vector.extract_strided_slice %add3A_20 {offsets = [0, 0], sizes = [2000, 1], strides = [1, 1]} : vector<2000x16xf32> to vector<2000x1xf32>
    %add3A_21 = arith.constant 1.000000e+00 : f32
    %add3A_22 = vector.broadcast %add3A_21 : f32 to vector<2000x1xf32>
    %add3A_23 = arith.addf %slice3A, %add3A_22 : vector<2000x1xf32>
    %rsqrt3A = math.rsqrt %add3A_23 : vector<2000x1xf32>
    %get3A_24 = arith.constant 0 : index
    %get3A_25 = arith.constant 0 : index
    %get3A_26 = vector.load %arg4[%get3A_24, %get3A_25] : memref<128x128xf32, #tpu.memory_space<vmem>>, vector<128x128xf32>
    %dot_general3A_27 = arith.constant dense<0.000000e+00> : vector<2000x128xf32>
    %dot_general3A_28 = tpu.matmul %add3A_9, %get3A_26, %dot_general3A_27 {dimension_numbers = #tpu.dot_dimension_numbers<[1], [0], [0], [1], [0, 0, 1, 1], [], []>, transpose_lhs_hint = false} : vector<2000x128xf32>, vector<128x128xf32>, vector<2000x128xf32> -> vector<2000x128xf32>
    %mul3A = vector.broadcast %rsqrt3A : vector<2000x1xf32> to vector<2000x128xf32>
    %mul3A_29 = arith.mulf %mul3A, %dot_general3A_28 : vector<2000x128xf32>
    %slice3A_30 = vector.extract_strided_slice %mul3A_29 {offsets = [0, 0], sizes = [2000, 64], strides = [1, 1]} : vector<2000x128xf32> to vector<2000x64xf32>
    %slice3A_31 = vector.extract_strided_slice %mul3A_29 {offsets = [0, 64], sizes = [2000, 64], strides = [1, 1]} : vector<2000x128xf32> to vector<2000x64xf32>
    %stack3A = vector.shape_cast %slice3A_30 : vector<2000x64xf32> to vector<1x2000x64xf32>
    %stack3A_32 = vector.shape_cast %slice3A_31 : vector<2000x64xf32> to vector<1x2000x64xf32>
    %stack3A_33 = tpu.concatenate %stack3A, %stack3A_32 in 0 : vector<1x2000x64xf32>, vector<1x2000x64xf32> -> vector<2x2000x64xf32>
    %swap3A = arith.constant 0 : index
    %swap3A_34 = arith.constant 0 : index
    %swap3A_35 = arith.constant 0 : index
    %swap3A_36 = vector.load %arg6[%swap3A, %swap3A_34, %swap3A_35] : memref<2x2000x64xf32, #tpu.memory_space<vmem>>, vector<2x2000x64xf32>
    tpu.vector_store %arg6[%swap3A, %swap3A_34, %swap3A_35], %stack3A_33 {strides = array<i32>} : memref<2x2000x64xf32, #tpu.memory_space<vmem>>, vector<2x2000x64xf32>,
    return
  }
  func.func @transform_0(%arg0: i32) -> (i32, i32) {
    %c0_i32 = arith.constant 0 : i32
    %c0_i32_0 = arith.constant 0 : i32
    return %arg0, %c0_i32 : i32, i32
  }
  func.func @transform_1(%arg0: i32) -> (i32, i32) {
    %c0_i32 = arith.constant 0 : i32
    %c0_i32_0 = arith.constant 0 : i32
    %c0_i32_1 = arith.constant 0 : i32
    return %c0_i32, %c0_i32_0 : i32, i32
  }
  func.func @transform_2(%arg0: i32) -> (i32, i32) {
    %c0_i32 = arith.constant 0 : i32
    %c0_i32_0 = arith.constant 0 : i32
    %c0_i32_1 = arith.constant 0 : i32
    return %c0_i32, %c0_i32_0 : i32, i32
  }
  func.func @transform_3(%arg0: i32) -> (i32, i32) {
    %c0_i32 = arith.constant 0 : i32
    %c0_i32_0 = arith.constant 0 : i32
    %c0_i32_1 = arith.constant 0 : i32
    return %c0_i32, %c0_i32_0 : i32, i32
  }
  func.func @transform_4(%arg0: i32) -> (i32, i32, i32) {
    %c0_i32 = arith.constant 0 : i32
    %c0_i32_0 = arith.constant 0 : i32
    %c0_i32_1 = arith.constant 0 : i32
    return %c0_i32, %arg0, %c0_i32_0 : i32, i32, i32
  }
  func.func @transform_5(%arg0: i32) -> (i32, i32, i32) {
    %c0_i32 = arith.constant 0 : i32
    %c0_i32_0 = arith.constant 0 : i32
    %c0_i32_1 = arith.constant 0 : i32
    return %c0_i32, %arg0, %c0_i32_0 : i32, i32, i32
  }
}

module attributes {stable_mosaic.version = 14 : i64} {
  func.func @_tc_mid_body(%arg0: i32, %arg1: memref<2x2000x64xf32, #tpu.memory_space<vmem>>, %arg2: memref<2x2000x16xf32, #tpu.memory_space<vmem>>, %arg3: memref<1x128xf32, #tpu.memory_space<vmem>>, %arg4: memref<128x128xf32, #tpu.memory_space<vmem>>, %arg5: memref<2x2000x64xf32, #tpu.memory_space<vmem>>) attributes {dimension_semantics = [#tpu.dimension_semantics<arbitrary>], iteration_bounds = array<i64: 5>, scalar_prefetch = 0 : i64, scratch_operands = 0 : i64, tpu.core_type = #tpu.core_type<tc>, window_params = [{transform_indices = @transform_0, window_bounds = array<i64: 2, 2000, 64>}, {transform_indices = @transform_1, window_bounds = array<i64: 2, 2000, 16>}, {pipeline_mode = #tpu.pipeline_mode<synchronous>, transform_indices = @transform_2, window_bounds = array<i64: 1, 128>}, {pipeline_mode = #tpu.pipeline_mode<synchronous>, transform_indices = @transform_3, window_bounds = array<i64: 128, 128>}, {transform_indices = @transform_4, window_bounds = array<i64: 2, 2000, 64>}]} {
    %get3A = arith.constant 0 : index
    %get3A_0 = arith.constant 0 : index
    %get3A_1 = arith.constant 0 : index
    %get3A_2 = vector.load %arg2[%get3A, %get3A_0, %get3A_1] : memref<2x2000x16xf32, #tpu.memory_space<vmem>>, vector<1x2000x16xf32>
    %get3A_3 = vector.shape_cast %get3A_2 : vector<1x2000x16xf32> to vector<2000x16xf32>
    %get3A_4 = arith.constant 1 : index
    %get3A_5 = arith.constant 0 : index
    %get3A_6 = arith.constant 0 : index
    %get3A_7 = vector.load %arg2[%get3A_4, %get3A_5, %get3A_6] : memref<2x2000x16xf32, #tpu.memory_space<vmem>>, vector<1x2000x16xf32>
    %get3A_8 = vector.shape_cast %get3A_7 : vector<1x2000x16xf32> to vector<2000x16xf32>
    %add3A = arith.addf %get3A_3, %get3A_8 : vector<2000x16xf32>
    %slice3A = vector.extract_strided_slice %add3A {offsets = [0, 0], sizes = [2000, 1], strides = [1, 1]} : vector<2000x16xf32> to vector<2000x1xf32>
    %add3A_9 = arith.constant 1.000000e+00 : f32
    %add3A_10 = vector.broadcast %add3A_9 : f32 to vector<2000x1xf32>
    %add3A_11 = arith.addf %slice3A, %add3A_10 : vector<2000x1xf32>
    %rsqrt3A = math.rsqrt %add3A_11 : vector<2000x1xf32>
    %get3A_12 = arith.constant 0 : index
    %get3A_13 = arith.constant 0 : index
    %get3A_14 = arith.constant 0 : index
    %get3A_15 = vector.load %arg1[%get3A_12, %get3A_13, %get3A_14] : memref<2x2000x64xf32, #tpu.memory_space<vmem>>, vector<1x2000x64xf32>
    %get3A_16 = vector.shape_cast %get3A_15 : vector<1x2000x64xf32> to vector<2000x64xf32>
    %get3A_17 = arith.constant 1 : index
    %get3A_18 = arith.constant 0 : index
    %get3A_19 = arith.constant 0 : index
    %get3A_20 = vector.load %arg1[%get3A_17, %get3A_18, %get3A_19] : memref<2x2000x64xf32, #tpu.memory_space<vmem>>, vector<1x2000x64xf32>
    %get3A_21 = vector.shape_cast %get3A_20 : vector<1x2000x64xf32> to vector<2000x64xf32>
    %concatenate3A = tpu.concatenate %get3A_16, %get3A_21 in 1 : vector<2000x64xf32>, vector<2000x64xf32> -> vector<2000x128xf32>
    %mul3A = vector.broadcast %rsqrt3A : vector<2000x1xf32> to vector<2000x128xf32>
    %mul3A_22 = arith.mulf %mul3A, %concatenate3A : vector<2000x128xf32>
    %get3A_23 = arith.constant 0 : index
    %get3A_24 = arith.constant 0 : index
    %get3A_25 = vector.load %arg3[%get3A_23, %get3A_24] : memref<1x128xf32, #tpu.memory_space<vmem>>, vector<1x128xf32>
    %add3A_26 = vector.broadcast %get3A_25 : vector<1x128xf32> to vector<2000x128xf32>
    %add3A_27 = arith.addf %mul3A_22, %add3A_26 : vector<2000x128xf32>
    %max3A = arith.constant 0.000000e+00 : f32
    %max3A_28 = vector.broadcast %max3A : f32 to vector<2000x128xf32>
    %max3A_29 = arith.maximumf %add3A_27, %max3A_28 : vector<2000x128xf32>
    %get3A_30 = arith.constant 0 : index
    %get3A_31 = arith.constant 0 : index
    %get3A_32 = vector.load %arg4[%get3A_30, %get3A_31] : memref<128x128xf32, #tpu.memory_space<vmem>>, vector<128x128xf32>
    %dot_general3A = arith.constant dense<0.000000e+00> : vector<2000x128xf32>
    %dot_general3A_33 = tpu.matmul %max3A_29, %get3A_32, %dot_general3A {dimension_numbers = #tpu.dot_dimension_numbers<[1], [0], [0], [1], [0, 0, 1, 1], [], []>, transpose_lhs_hint = false} : vector<2000x128xf32>, vector<128x128xf32>, vector<2000x128xf32> -> vector<2000x128xf32>
    %mul3A_34 = vector.broadcast %rsqrt3A : vector<2000x1xf32> to vector<2000x128xf32>
    %mul3A_35 = arith.mulf %mul3A_34, %dot_general3A_33 : vector<2000x128xf32>
    %slice3A_36 = vector.extract_strided_slice %mul3A_35 {offsets = [0, 0], sizes = [2000, 64], strides = [1, 1]} : vector<2000x128xf32> to vector<2000x64xf32>
    %slice3A_37 = vector.extract_strided_slice %mul3A_35 {offsets = [0, 64], sizes = [2000, 64], strides = [1, 1]} : vector<2000x128xf32> to vector<2000x64xf32>
    %stack3A = vector.shape_cast %slice3A_36 : vector<2000x64xf32> to vector<1x2000x64xf32>
    %stack3A_38 = vector.shape_cast %slice3A_37 : vector<2000x64xf32> to vector<1x2000x64xf32>
    %stack3A_39 = tpu.concatenate %stack3A, %stack3A_38 in 0 : vector<1x2000x64xf32>, vector<1x2000x64xf32> -> vector<2x2000x64xf32>
    %swap3A = arith.constant 0 : index
    %swap3A_40 = arith.constant 0 : index
    %swap3A_41 = arith.constant 0 : index
    %swap3A_42 = vector.load %arg5[%swap3A, %swap3A_40, %swap3A_41] : memref<2x2000x64xf32, #tpu.memory_space<vmem>>, vector<2x2000x64xf32>
    tpu.vector_store %arg5[%swap3A, %swap3A_40, %swap3A_41], %stack3A_39 {strides = array<i32>} : memref<2x2000x64xf32, #tpu.memory_space<vmem>>, vector<2x2000x64xf32>,
    return
  }
  func.func @transform_0(%arg0: i32) -> (i32, i32, i32) {
    %c0_i32 = arith.constant 0 : i32
    %c0_i32_0 = arith.constant 0 : i32
    %c0_i32_1 = arith.constant 0 : i32
    return %c0_i32, %arg0, %c0_i32_0 : i32, i32, i32
  }
  func.func @transform_1(%arg0: i32) -> (i32, i32, i32) {
    %c0_i32 = arith.constant 0 : i32
    %c0_i32_0 = arith.constant 0 : i32
    %c0_i32_1 = arith.constant 0 : i32
    return %c0_i32, %arg0, %c0_i32_0 : i32, i32, i32
  }
  func.func @transform_2(%arg0: i32) -> (i32, i32) {
    %c0_i32 = arith.constant 0 : i32
    %c0_i32_0 = arith.constant 0 : i32
    %c0_i32_1 = arith.constant 0 : i32
    return %c0_i32, %c0_i32_0 : i32, i32
  }
  func.func @transform_3(%arg0: i32) -> (i32, i32) {
    %c0_i32 = arith.constant 0 : i32
    %c0_i32_0 = arith.constant 0 : i32
    %c0_i32_1 = arith.constant 0 : i32
    return %c0_i32, %c0_i32_0 : i32, i32
  }
  func.func @transform_4(%arg0: i32) -> (i32, i32, i32) {
    %c0_i32 = arith.constant 0 : i32
    %c0_i32_0 = arith.constant 0 : i32
    %c0_i32_1 = arith.constant 0 : i32
    return %c0_i32, %arg0, %c0_i32_0 : i32, i32, i32
  }
}

module attributes {stable_mosaic.version = 14 : i64} {
  func.func @_tc_out_body(%arg0: i32, %arg1: memref<2x2000x64xf32, #tpu.memory_space<vmem>>, %arg2: memref<2x2000x16xf32, #tpu.memory_space<vmem>>, %arg3: memref<1x128xf32, #tpu.memory_space<vmem>>, %arg4: memref<2000x128xf32, #tpu.memory_space<vmem>>) attributes {dimension_semantics = [#tpu.dimension_semantics<arbitrary>], iteration_bounds = array<i64: 5>, scalar_prefetch = 0 : i64, scratch_operands = 0 : i64, tpu.core_type = #tpu.core_type<tc>, window_params = [{transform_indices = @transform_0, window_bounds = array<i64: 2, 2000, 64>}, {transform_indices = @transform_1, window_bounds = array<i64: 2, 2000, 16>}, {pipeline_mode = #tpu.pipeline_mode<synchronous>, transform_indices = @transform_2, window_bounds = array<i64: 1, 128>}, {transform_indices = @transform_3, window_bounds = array<i64: 2000, 128>}]} {
    %get3A = arith.constant 0 : index
    %get3A_0 = arith.constant 0 : index
    %get3A_1 = arith.constant 0 : index
    %get3A_2 = vector.load %arg2[%get3A, %get3A_0, %get3A_1] : memref<2x2000x16xf32, #tpu.memory_space<vmem>>, vector<1x2000x16xf32>
    %get3A_3 = vector.shape_cast %get3A_2 : vector<1x2000x16xf32> to vector<2000x16xf32>
    %get3A_4 = arith.constant 1 : index
    %get3A_5 = arith.constant 0 : index
    %get3A_6 = arith.constant 0 : index
    %get3A_7 = vector.load %arg2[%get3A_4, %get3A_5, %get3A_6] : memref<2x2000x16xf32, #tpu.memory_space<vmem>>, vector<1x2000x16xf32>
    %get3A_8 = vector.shape_cast %get3A_7 : vector<1x2000x16xf32> to vector<2000x16xf32>
    %add3A = arith.addf %get3A_3, %get3A_8 : vector<2000x16xf32>
    %slice3A = vector.extract_strided_slice %add3A {offsets = [0, 0], sizes = [2000, 1], strides = [1, 1]} : vector<2000x16xf32> to vector<2000x1xf32>
    %add3A_9 = arith.constant 1.000000e+00 : f32
    %add3A_10 = vector.broadcast %add3A_9 : f32 to vector<2000x1xf32>
    %add3A_11 = arith.addf %slice3A, %add3A_10 : vector<2000x1xf32>
    %rsqrt3A = math.rsqrt %add3A_11 : vector<2000x1xf32>
    %get3A_12 = arith.constant 0 : index
    %get3A_13 = arith.constant 0 : index
    %get3A_14 = arith.constant 0 : index
    %get3A_15 = vector.load %arg1[%get3A_12, %get3A_13, %get3A_14] : memref<2x2000x64xf32, #tpu.memory_space<vmem>>, vector<1x2000x64xf32>
    %get3A_16 = vector.shape_cast %get3A_15 : vector<1x2000x64xf32> to vector<2000x64xf32>
    %get3A_17 = arith.constant 1 : index
    %get3A_18 = arith.constant 0 : index
    %get3A_19 = arith.constant 0 : index
    %get3A_20 = vector.load %arg1[%get3A_17, %get3A_18, %get3A_19] : memref<2x2000x64xf32, #tpu.memory_space<vmem>>, vector<1x2000x64xf32>
    %get3A_21 = vector.shape_cast %get3A_20 : vector<1x2000x64xf32> to vector<2000x64xf32>
    %concatenate3A = tpu.concatenate %get3A_16, %get3A_21 in 1 : vector<2000x64xf32>, vector<2000x64xf32> -> vector<2000x128xf32>
    %mul3A = vector.broadcast %rsqrt3A : vector<2000x1xf32> to vector<2000x128xf32>
    %mul3A_22 = arith.mulf %mul3A, %concatenate3A : vector<2000x128xf32>
    %get3A_23 = arith.constant 0 : index
    %get3A_24 = arith.constant 0 : index
    %get3A_25 = vector.load %arg3[%get3A_23, %get3A_24] : memref<1x128xf32, #tpu.memory_space<vmem>>, vector<1x128xf32>
    %add3A_26 = vector.broadcast %get3A_25 : vector<1x128xf32> to vector<2000x128xf32>
    %add3A_27 = arith.addf %mul3A_22, %add3A_26 : vector<2000x128xf32>
    %max3A = arith.constant 0.000000e+00 : f32
    %max3A_28 = vector.broadcast %max3A : f32 to vector<2000x128xf32>
    %max3A_29 = arith.maximumf %add3A_27, %max3A_28 : vector<2000x128xf32>
    %swap3A = arith.constant 0 : index
    %swap3A_30 = arith.constant 0 : index
    %swap3A_31 = vector.load %arg4[%swap3A, %swap3A_30] : memref<2000x128xf32, #tpu.memory_space<vmem>>, vector<2000x128xf32>
    tpu.vector_store %arg4[%swap3A, %swap3A_30], %max3A_29 {strides = array<i32>} : memref<2000x128xf32, #tpu.memory_space<vmem>>, vector<2000x128xf32>,
    return
  }
  func.func @transform_0(%arg0: i32) -> (i32, i32, i32) {
    %c0_i32 = arith.constant 0 : i32
    %c0_i32_0 = arith.constant 0 : i32
    %c0_i32_1 = arith.constant 0 : i32
    return %c0_i32, %arg0, %c0_i32_0 : i32, i32, i32
  }
  func.func @transform_1(%arg0: i32) -> (i32, i32, i32) {
    %c0_i32 = arith.constant 0 : i32
    %c0_i32_0 = arith.constant 0 : i32
    %c0_i32_1 = arith.constant 0 : i32
    return %c0_i32, %arg0, %c0_i32_0 : i32, i32, i32
  }
  func.func @transform_2(%arg0: i32) -> (i32, i32) {
    %c0_i32 = arith.constant 0 : i32
    %c0_i32_0 = arith.constant 0 : i32
    %c0_i32_1 = arith.constant 0 : i32
    return %c0_i32, %c0_i32_0 : i32, i32
  }
  func.func @transform_3(%arg0: i32) -> (i32, i32) {
    %c0_i32 = arith.constant 0 : i32
    %c0_i32_0 = arith.constant 0 : i32
    return %arg0, %c0_i32 : i32, i32
  }
}

</mosaic_0001>

<sc_bundles>
// kernel: kernel.11.cloned.1.call-start
scs
__scs_entry_jumppad:
0x0: {  	(pc) =	sbr.rel $0x88, $3  }
0x1: {  	(tag) =	ssettag $0x0;
	lr =	simm.s32 $0x1  }
0x2: {  	[smem:$0x3F99] =	sst lr;
	_ =	strace $0xD0000000  }
0x3: {  	_ = 	snop  }
0x4: {  	_ = 	snop  }
0x5: {  	_ = 	snop  }
0x6: {  	_ = 	snop  }
0x7: {  	_ = 	snop  }
__scs_overlays_trampoline_lowered:
0x8: {  	[smem:$0x3FA8] =	sst s0  }
0x9: {  	[smem:$0x3FA9] =	sst s1  }
0xa: {  	[smem:$0x3FAA] =	sst s2  }
0xb: {  	[smem:$0x3FAB] =	sst s3  }
0xc: {  	[smem:$0x3FAC] =	sst s4  }
0xd: {  	[smem:$0x3FAD] =	sst s5  }
0xe: {  	[smem:$0x3FAE] =	sst s6  }
0xf: {  	[smem:$0x3FAF] =	sst s7  }
0x10: {  	[smem:$0x3FB0] =	sst s8  }
0x11: {  	[smem:$0x3FB1] =	sst s9;
	s0 =	simm.s32 @!p0 $0x0  }
0x12: {  	s1 =	sld [smem:$0x3F97];
	s0 =	simm.s32 @p0 $0x1  }
0x13: {  	[smem:$0x3FB2] =	sst s0;
	s0 =	simm.s32 @!p1 $0x0  }
0x14: {  	s2 =	sld [smem:$0x3F96];
	s0 =	simm.s32 @p1 $0x1  }
0x15: {  	[smem:$0x3FB3] =	sst s0;
	s0 =	simm.s32 @!p2 $0x0  }
0x16: {  	s3 =	sld [smem:$0x3FDB];
	s0 =	simm.s32 @p2 $0x1  }
0x17: {  	s4 =	simm.s32 $0x1BF5;
	[smem:$0x3FB5] =	sst s0  }
0x18: {  	s0 =	sld [smem:$0x3F98];
	_ =	swait.ge [sflag:s4], $0x0  }
0x19: {  	s7 =	sld [smem:$0x3F99]  }
0x1a: {  	s8 =	sadd.s32 $0xFFFFE003, lr  }
0x1b: {  	s9 =	sadd.s32 $0xFFFFFEF7, lr;
	s5 =	simm.s32 $0xFFFFFFFF;
	p2 =	slt.u32 s8, $0xFFFFF086  }
0x1c: {  	p1 =	slt.u32 s9, $0xF7A;
	s5 =	simm.s32 @!p2 $0x0  }
0x1d: {  	s5 =	simm.s32 @p1 $0x1;
	p0 =	seq.s32 s7, s2  }
0x1e: {  	s7 =	smul.u32 @!p0 $0xF7A, s2;
	p2 =	seq.s32 @!p0 s5, $0x0  }
0x1f: {  	s9 =	smul.u32 $0xF7A, s1;
	s8 =	simm.s32 @!p0 $0x1BF5;
	p2 =	por !p2, p0  }
0x20: {  	[sflag:s8] =	ssyncset.s32 @!p0 $0xFFFFF086;
	s6 =	sadd.s32 @!p0 s3, s7;
	s7 =	simm.s32 @!p0 $0x108  }
0x21: {  	s3 =	sadd.s32 s3, s9;
	s6 =	sadd.s32 @!p0 $0x88, s6;
	s7 =	simm.s32 @p2 $0x1082  }
0x22: {  	[simem:s7], [sflag:s8] =	dma.local @!p0 [hbm:s6], $0xF7A  }
0x23: {  	s9 =	sor.u32 $0xD0000000, s2;
	s6 =	simm.s32 $0x108;
	_ =	swait.ge @!p0 [sflag:s8], $0x0  }
0x24: {  	s3 =	sadd.s32 $0x88, s3;
	s6 =	simm.s32 @!p1 $0x1082;
	[sflag:s4] =	ssyncset.s32 $0xFFFFF086  }
0x25: {  	[simem:s6], [sflag:s4] =	dma.local [hbm:s3], $0xF7A  }
0x26: {  	[smem:$0x3F99] =	sst s1;
	(tag) =	ssettag s2;
	_ =	strace s9  }
0x27: {  	s1 =	sld [smem:$0x3FA9]  }
0x28: {  	s2 =	sld [smem:$0x3FAA]  }
0x29: {  	s4 =	sld [smem:$0x3FAC]  }
0x2a: {  	p0 =	seq.s32 s5, $0x0;
	s5 =	sld [smem:$0x3FAD]  }
0x2b: {  	s6 =	sld [smem:$0x3FAE]  }
0x2c: {  	s7 =	sld [smem:$0x3FAF]  }
0x2d: {  	s3 =	simm.s32 $0x108;
	s8 =	sld [smem:$0x3FB0]  }
0x2e: {  	s3 =	simm.s32 @!p0 $0x1082;
	s9 =	sld [smem:$0x3FB1]  }
0x2f: {  	lr =	sadd.s32 s0, s3;
	s0 =	sld [smem:$0x3FA8]  }
0x30: {  	s3 =	sld [smem:$0x3FAB]  }
0x31: {  	[smem:$0x3FB4] =	sst s10  }
0x32: {  	s10 =	sld [smem:$0x3FB2];
	_ =	sdelay $0x3  }
0x33: {  	p0 =	seq.s32 s10, $0x1;
	s10 =	sld [smem:$0x3FB4];
	_ =	sdelay $0x3  }
0x34: {  	[smem:$0x3FB4] =	sst s10  }
0x35: {  	s10 =	sld [smem:$0x3FB3];
	_ =	sdelay $0x3  }
0x36: {  	p1 =	seq.s32 s10, $0x1;
	s10 =	sld [smem:$0x3FB4];
	_ =	sdelay $0x3  }
0x37: {  	[smem:$0x3FB4] =	sst s10  }
0x38: {  	s10 =	sld [smem:$0x3FB5]  }
0x39: {  	_ = 	snop;
	(pc) =	sbr.ind lr, $3  }
0x3a: {  	_ = 	snop  }
0x3b: {  	_ = 	snop  }
0x3c: {  	p2 =	seq.s32 s10, $0x1;
	s10 =	sld [smem:$0x3FB4]  }
0x3d: {  	_ =	shalt  }
0x3e: {  	_ =	shalt  }
0x3f: {  	_ =	shalt  }
0x40: {  	_ =	shalt  }
0x41: {  	_ =	shalt  }
0x42: {  	_ =	shalt  }
0x43: {  	_ =	shalt  }
0x44: {  	_ =	shalt  }
0x45: {  	_ =	shalt  }
0x46: {  	_ =	shalt  }
0x47: {  	_ =	shalt  }
0x48: {  	_ =	shalt  }
0x49: {  	_ =	shalt  }
0x4a: {  	_ =	shalt  }
0x4b: {  	_ =	shalt  }
0x4c: {  	_ =	shalt  }
0x4d: {  	_ =	shalt  }
0x4e: {  	_ =	shalt  }
0x4f: {  	_ =	shalt  }
0x50: {  	_ =	shalt  }
0x51: {  	_ =	shalt  }
0x52: {  	_ =	shalt  }
0x53: {  	_ =	shalt  }
0x54: {  	_ =	shalt  }
0x55: {  	_ =	shalt  }
0x56: {  	_ =	shalt  }
0x57: {  	_ =	shalt  }
0x58: {  	_ =	shalt  }
0x59: {  	_ =	shalt  }
0x5a: {  	_ =	shalt  }
0x5b: {  	_ =	shalt  }
0x5c: {  	_ =	shalt  }
0x5d: {  	_ =	shalt  }
0x5e: {  	_ =	shalt  }
0x5f: {  	_ =	shalt  }
0x60: {  	_ =	shalt  }
0x61: {  	_ =	shalt  }
0x62: {  	_ =	shalt  }
0x63: {  	_ =	shalt  }
0x64: {  	_ =	shalt  }
0x65: {  	_ =	shalt  }
0x66: {  	_ =	shalt  }
0x67: {  	_ =	shalt  }
0x68: {  	_ =	shalt  }
0x69: {  	_ =	shalt  }
0x6a: {  	_ =	shalt  }
0x6b: {  	_ =	shalt  }
0x6c: {  	_ =	shalt  }
0x6d: {  	_ =	shalt  }
0x6e: {  	_ =	shalt  }
0x6f: {  	_ =	shalt  }
0x70: {  	_ =	shalt  }
0x71: {  	_ =	shalt  }
0x72: {  	_ =	shalt  }
0x73: {  	_ =	shalt  }
0x74: {  	_ =	shalt  }
0x75: {  	_ =	shalt  }
0x76: {  	_ =	shalt  }
0x77: {  	_ =	shalt  }
0x78: {  	_ =	shalt  }
0x79: {  	_ =	shalt  }
0x7a: {  	_ =	shalt  }
0x7b: {  	_ =	shalt  }
0x7c: {  	_ =	shalt  }
0x7d: {  	_ =	shalt  }
0x7e: {  	_ =	shalt  }
0x7f: {  	_ =	shalt  }
0x80: {  	_ =	shalt  }
0x81: {  	_ =	shalt  }
0x82: {  	_ =	shalt  }
0x83: {  	_ =	shalt  }
0x84: {  	_ =	shalt  }
0x85: {  	_ =	shalt  }
0x86: {  	_ =	shalt  }
0x87: {  	_ =	shalt  }
.Lfunc_end0:
.L_simem_size_0:
called_computation.1_lowered:
.L_overlay_start_0:
0x88: {  	s2 =	sld [smem:$0x3FD9]  }
0x89: {  	s3 =	sld [smem:$0x3FFE];
	_ =	sdelay $0x1  }
0x8a: {  	s1 =	srdreg.scid  }
0x8b: {  	s0 =	sand.u32 $0x1, s1  }
0x8c: {  	s17 =	sshll.u32 s0, $0xA;
	s2 =	sadd.s32 s3, s2  }
0x8d: {  	s2 =	sadd.s32 s2, s17  }
0x8e: {  	[smem:$0x3FC0] =	sst s2  }
0x8f: {  	_ = 	snop  }
0x90: {  	s2 =	sld [smem:$0x3FD0];
	(tm) =	ssettm $0x1  }
0x91: {  	s18 =	sld [smem:$0x3FFB];
	_ =	sdelay $0x3  }
0x92: {  	_ =	strace s18  }
0x93: {  	s3 =	sld [smem:$0x3FFC];
	_ =	sdelay $0x3  }
0x94: {  	_ =	strace s3  }
0x95: {  	s3 =	sld [smem:$0x3FFD];
	_ =	sdelay $0x3  }
0x96: {  	_ =	strace s3  }
0x97: {  	_ =	strace $0x8FFFFFFF  }
0x98: {  	s19 =	sld [smem:$0x3FDB];
	_ =	sdelay $0x1  }
0x99: {  	s4 =	simm.s32 $_scs_section_size  }
0x9a: {  	s5 =	simm.s32 $_size__tile_overlayer_lowered;
	s6 =	simm.s32 $_tile_overlayer_lowered  }
0x9b: {  	s22 =	simm.s32 $0x1BFF;
	s21 =	sshll.u32 s6, $0x1;
	s3 =	sadd.s32 s4, s19  }
0x9c: {  	s7 =	simm.s32 $0x0;
	s20 =	sshll.u32 s5, $0x1;
	s5 =	sadd.s32 s21, s3  }
0x9d: {  	[timem:s7], [sflag:s22] =	dma.local [hbm:s5], s20  }
0x9e: {  	_ =	swait.ge [sflag:s22], s20  }
0x9f: {  	s4 =	ssub.s32 $0x0, s20;
	[sflag:s22] =	ssyncset.done $0x0  }
0xa0: {  	[sflag:s22] =	ssyncadd.s32 s4;
	_ =	sdelay $0x1  }
0xa1: {  	s23 =	simm.s32 $0x1B8B  }
0xa2: {  	_ =	swait.ge [sflag:s23], $0x1  }
0xa3: {  	[sflag:s23] =	ssyncset.done $0x0  }
0xa4: {  	s25 =	simm.s32 $0x1B8E;
	s24 =	sld [smem:$0x3FFE];
	[sflag:s23] =	ssyncadd.s32 $0xFFFFFFFF  }
0xa5: {  	s26 =	simm.s32 $execute0_lowered;
	[smem:$0x3FD2] =	sst s25  }
0xa6: {  	s5 =	sshll.u32 s26, $0x1;
	_ =	strace $0x80000049;
	[dreg:$0x1] =	wrdreg $0xFFFFFFFF  }
0xa7: {  	s28 =	simm.s32 $_size_execute0_lowered;
	s3 =	sadd.s32 s3, s5;
	[dreg:$0x0] =	wrdreg $0x0  }
0xa8: {  	s5 =	sshll.u32 s28, $0x1;
	[dreg:$0x2] =	wrdreg s3  }
0xa9: {  	[dreg:$0x3] =	wrdreg s5  }
0xaa: {  	[dreg:$0x4] =	wrdreg $0xC0  }
0xab: {  	_ =	task [dreg:s7], $0x5FFFF  }
0xac: {  	[dreg:$0x1] =	wrdreg $0xFFFFFFFF  }
0xad: {  	[dreg:$0x0] =	wrdreg $0x60  }
0xae: {  	[dreg:$0x2] =	wrdreg s2  }
0xaf: {  	[dreg:$0x3] =	wrdreg s24  }
0xb0: {  	[dreg:$0x4] =	wrdreg $0x11D000  }
0xb1: {  	[dreg:$0x5] =	wrdreg $0x9  }
0xb2: {  	_ =	task.clear_ibuf [dreg:s7], $0x6FFFF;
	_ =	strace $0x90000049  }
0xb3: {  	s29 =	simm.s32 $0x9;
	_ =	strace $0x8000004B  }
0xb4: {  	_ =	swait.ge [sflag:s29], $0x1  }
0xb5: {  	[sflag:s29] =	ssyncadd.s32 $0xFFFFFFFF  }
0xb6: {  	_ =	strace $0x9000004B  }
0xb7: {  	_ =	sfence  }
0xb8: {  	s30 =	sld [smem:$0x0];
	_ =	sdelay $0x2  }
0xb9: {  	s31 =	sshll.u32 s1, $0xD;
	s1 =	sshrl.u32 s1, $0x2  }
0xba: {  	s3 =	sand.u32 $0x4000, s31;
	s1 =	sadd.s32 s1, s30  }
0xbb: {  	s0 =	sor.u32 s3, s0;
	s1 =	sshll.u32 s1, $0x11  }
0xbc: {  	s0 =	sor.u32 s1, s0  }
0xbd: {  	s0 =	sadd.s32 $0x8F2B, s0  }
0xbe: {  	[sflag:s0] =	ssyncadd.remote.s32 $0x1  }
0xbf: {  	_ =	sfence.sel $0xFFFF  }
0xc0: {  	[dreg:$0x0] =	wrdreg $0xFFFFFFFF;
	(pc) =	sbr.abs _section_cstart, $3  }
0xc1: {  	[dreg:$0x1] =	wrdreg $0xFFFFFFFF  }
0xc2: {  	_ =	task.clear_ibuf [dreg:s7], $0x2FFFF;
	_ =	strace $0x9FFFFFFF  }
0xc3: {  	(tm) =	ssettm $0x7FFFFFFF  }
tec
execute0_lowered:
.L_overlay_start_1:
0x0: {  	(tag) =	ssettag $0x1  }
0x1: {  	s0 =	rddreg [dreg:$0x0]  }
0x2: {  	s9 =	rddreg [dreg:$0x1]  }
0x3: {  	s1 =	rddreg [dreg:$0x2]  }
0x4: {  	s11 =	stileid.u32;
	s3 =	srdreg.scid;
	s2 =	simm.s32 $0x0  }
0x5: {  	s16 =	simm.s32 $0x7D;
	s17 =	simm.s32 $0xA000;
	s19 =	simm.s32 $0xBF40  }
0x6: {  	s21 =	simm.s32 $0xDE80;
	s23 =	simm.s32 $0xFDC0;
	s24 =	simm.s32 $0x1  }
0x7: {  	s28 =	simm.s32 $0x3;
	s30 =	simm.s32 $0x5;
	s20 =	simm.s32 $0x6  }
0x8: {  	s29 =	simm.s32 $0x8;
	s18 =	simm.s32 $0x0;
	s14 =	smul.u32 $0xA00, s11  }
0x9: {  	s3 =	sand.u32 $0x1, s3;
	[smem:$0x7FF] =	sst s2;
	s5 =	smul.u32 $0x9C00, s11  }
0xa: {  	s31 =	sshll.u32 s11, $0x6;
	s13 =	sadd.s32 $0x9C000, s1;
	s15 =	sadd.s32 $0xCC00, s9  }
0xb: {  	p0 =	sne.s32 s11, $0x0;
	s4 =	smul.u32 $0x13880, s3;
	_ =	strace $0x8000004A  }
0xc: {  	s3 =	ssub.s32 $0x2, s3;
	s13 =	sshrl.u32 @!p0 s13, $0x3;
	s8 =	sadd.s32 s14, s9  }
0xd: {  	s6 =	sshrl.u32 s3, $0x1;
	s25 =	sadd.s32 s5, s1;
	s14 =	sadd.s32 s14, s15  }
0xe: {  	s15 =	simm.s32 $0x5000;
	s10 =	sadd.s32 s4, s9;
	s12 =	ssub.s32 s3, s6  }
.Ltmp0:
0xf: {  	s3 =	sadd.s32 s0, s4;
	s4 =	sshrl.u32 s5, $0x3;
	(pc) =	sbr.rel .LBB2_1-.Ltmp0, $4  }
0x10: {  	s6 =	sor.u32 $0x1C09, s31;
	s8 =	sadd.s32 $0x2C00, s8;
	s11 =	sshrl.u32 s25, $0x3  }
0x11: {  	s25 =	simm.s32 $0x2;
	s0 =	simm.s32 $0x4;
	s26 =	sadd.s32 s4, s3  }
0x12: {  	s7 =	sadd.s32 $0x13800, s3;
	s9 =	sadd.s32 $0x64E00, s10;
	s10 =	smax.u32 s12, $0x1  }
0x13: {  	s12 =	simm.s32 $0x9;
	[dreg:$0x4] =	wrdreg s26;
	s26 =	simm.s32 $0x7  }
.LBB2_4:
0x14: {  	_ =	swait.ge [sflag:s0], $0x1F40  }
0x15: {  	[sflag:s0] =	ssyncset.done $0x0  }
0x16: {  	s5 =	simm.s32 $0x9F80;
	[sflag:s0] =	ssyncadd.s32 $0xFFFFE0C0  }
0x17: {  	[spmem:s1] =	stream.indirect.scatter.add.f32 [tilespmem:s23], [sflag:$0x8], $0x40, s5, s16, $0xb8;
	[tilespmem:$0x1B940] =	vst v63  }
0x18: {  	_ =	swait.ge [sflag:s30], $0x1F40  }
0x19: {  	[sflag:s30] =	ssyncset.done $0x0  }
0x1a: {  	[sflag:s30] =	ssyncadd.s32 $0xFFFFE0C0  }
0x1b: {  	_ =	swait.ge [sflag:s20], $0x1F40  }
0x1c: {  	[sflag:s20] =	ssyncset.done $0x0  }
0x1d: {  	[sflag:s20] =	ssyncadd.s32 $0xFFFFE0C0  }
0x1e: {  	_ =	swait.ge [sflag:s26], $0x1F40  }
0x1f: {  	[sflag:s26] =	ssyncset.done $0x0  }
0x20: {  	[sflag:s26] =	ssyncadd.s32 $0xFFFFE0C0  }
0x21: {  	_ =	swait.ge [sflag:s29], $0x1F40  }
0x22: {  	[sflag:s29] =	ssyncset.done $0x0  }
0x23: {  	[sflag:s29] =	ssyncadd.s32 $0xFFFFE0C0  }
0x24: {  	s31 =	sadd.s32 s4, s9;
	[bflag:$0x0] =	sbarrier.arrive $0xFFFF  }
0x25: {  	[hbm:s31], [sflag:s6] =	dma.local [spmem:s11], $0x1380  }
0x26: {  	_ =	swait.ge [sflag:s12], $0x1380  }
0x27: {  	s18 =	sadd.s32 $0x1, s18;
	[sflag:s12] =	ssyncset.done $0x0  }
0x28: {  	p1 =	sne.s32 s18, s10;
	s5 =	sadd.s32 @!p0 $0x13800, s9;
	[sflag:s12] =	ssyncadd.s32 $0xFFFFEC80  }
0x29: {  	[hbm:s5], [sflag:s6] =	dma.local @!p0 [spmem:s13], $0x80  }
.Ltmp1:
0x2a: {  	_ = 	snop;
	(pc) =	sbr.rel @!p1 .LBB2_5-.Ltmp1, $4  }
0x2b: {  	s5 =	simm.s32 @!p0 $0x9  }
0x2c: {  	_ =	swait.ge @!p0 [sflag:s5], $0x80  }
0x2d: {  	[sflag:s5] =	ssyncset.done @!p0 $0x0  }
0x2e: {  	[sflag:s5] =	ssyncadd.s32 @!p0 $0xFFFFFF80  }
.LBB2_1:
0x2f: {  	s5 =	rddreg [dreg:$0x4]  }
0x30: {  	[spmem:s11], [sflag:s6] =	dma.local [hbm:s5], $0x1380  }
0x31: {  	_ =	swait.ge [sflag:s12], $0x1380  }
0x32: {  	[sflag:s12] =	ssyncset.done $0x0  }
0x33: {  	s22 =	simm.s32 @!p0 $0x9;
	[sflag:s12] =	ssyncadd.s32 $0xFFFFEC80  }
0x34: {  	[spmem:s13], [sflag:s6] =	dma.local @!p0 [hbm:s7], $0x80  }
0x35: {  	_ =	swait.ge @!p0 [sflag:s22], $0x80  }
0x36: {  	[sflag:s22] =	ssyncset.done @!p0 $0x0  }
0x37: {  	[sflag:s22] =	ssyncadd.s32 @!p0 $0xFFFFFF80  }
0x38: {  	[tilespmem:s2], [sflag:$0x9] =	stream.linear.gather [hbm4b:s8+s2], $0x5000, $0x38;
	[tilespmem:$0x1B940] =	vst v63  }
0x39: {  	_ =	swait.ge [sflag:s12], $0x5000  }
0x3a: {  	[sflag:s12] =	ssyncset.done $0x0  }
0x3b: {  	[sflag:s12] =	ssyncadd.s32 $0xFFFFB000  }
0x3c: {  	[tilespmem:s15], [sflag:$0x9] =	stream.linear.gather [hbm4b:s14+s2], $0x5000, $0x38;
	[tilespmem:$0x1B940] =	vst v63  }
0x3d: {  	_ =	swait.ge [sflag:s12], $0x5000  }
0x3e: {  	[sflag:s12] =	ssyncset.done $0x0  }
0x3f: {  	[sflag:s12] =	ssyncadd.s32 $0xFFFFB000  }
0x40: {  	[bflag:$0x0] =	sbarrier.arrive $0xFFFF  }
0x41: {  	[tilespmem:s17], [sflag:$0x1] =	stream.indirect.gather [hbm4b:s3+s16], $0x40, s2, s16, $0xb8;
	[tilespmem:$0x1B940] =	vst v63  }
0x42: {  	s22 =	simm.s32 $0x80  }
0x43: {  	[tilespmem:s19], [sflag:$0x2] =	stream.indirect.gather [hbm4b:s3+s16], $0x40, s22, s16, $0xb8;
	[tilespmem:$0x1B940] =	vst v63  }
0x44: {  	s31 =	simm.s32 $0x100  }
0x45: {  	[tilespmem:s21], [sflag:$0x3] =	stream.indirect.gather [hbm4b:s3+s16], $0x40, s31, s16, $0xb8;
	[tilespmem:$0x1B940] =	vst v63  }
0x46: {  	s22 =	simm.s32 $0x180  }
0x47: {  	[tilespmem:s23], [sflag:$0x4] =	stream.indirect.gather [hbm4b:s3+s16], $0x40, s22, s16, $0xb8;
	[tilespmem:$0x1B940] =	vst v63  }
0x48: {  	_ =	swait.ge [sflag:s24], $0x1F40  }
0x49: {  	[sflag:s24] =	ssyncset.done $0x0  }
0x4a: {  	[sflag:s24] =	ssyncadd.s32 $0xFFFFE0C0  }
0x4b: {  	[spmem:s1] =	stream.indirect.scatter.add.f32 [tilespmem:s17], [sflag:$0x5], $0x40, s15, s16, $0xb8;
	[tilespmem:$0x1B940] =	vst v63  }
0x4c: {  	_ =	swait.ge [sflag:s25], $0x1F40  }
0x4d: {  	[sflag:s25] =	ssyncset.done $0x0  }
0x4e: {  	s31 =	simm.s32 $0x5080;
	[sflag:s25] =	ssyncadd.s32 $0xFFFFE0C0  }
0x4f: {  	[spmem:s1] =	stream.indirect.scatter.add.f32 [tilespmem:s19], [sflag:$0x6], $0x40, s31, s16, $0xb8;
	[tilespmem:$0x1B940] =	vst v63  }
0x50: {  	_ =	swait.ge [sflag:s28], $0x1F40  }
0x51: {  	[sflag:s28] =	ssyncset.done $0x0  }
0x52: {  	s22 =	simm.s32 $0x5100;
	[sflag:s28] =	ssyncadd.s32 $0xFFFFE0C0  }
0x53: {  	[spmem:s1] =	stream.indirect.scatter.add.f32 [tilespmem:s21], [sflag:$0x7], $0x40, s22, s16, $0xb8;
	[tilespmem:$0x1B940] =	vst v63  }
0x54: {  	_ =	swait.ge [sflag:s30], $0x1F40  }
0x55: {  	[sflag:s30] =	ssyncset.done $0x0  }
0x56: {  	s31 =	simm.s32 $0x200;
	[sflag:s30] =	ssyncadd.s32 $0xFFFFE0C0  }
0x57: {  	[tilespmem:s17], [sflag:$0x1] =	stream.indirect.gather [hbm4b:s3+s16], $0x40, s31, s16, $0xb8;
	[tilespmem:$0x1B940] =	vst v63  }
0x58: {  	_ =	swait.ge [sflag:s0], $0x1F40  }
0x59: {  	[sflag:s0] =	ssyncset.done $0x0  }
0x5a: {  	s22 =	simm.s32 $0x5180;
	[sflag:s0] =	ssyncadd.s32 $0xFFFFE0C0  }
0x5b: {  	[spmem:s1] =	stream.indirect.scatter.add.f32 [tilespmem:s23], [sflag:$0x8], $0x40, s22, s16, $0xb8;
	[tilespmem:$0x1B940] =	vst v63  }
0x5c: {  	_ =	swait.ge [sflag:s20], $0x1F40  }
0x5d: {  	[sflag:s20] =	ssyncset.done $0x0  }
0x5e: {  	s31 =	simm.s32 $0x280;
	s22 =	simm.s32 $0x0;
	[sflag:s20] =	ssyncadd.s32 $0xFFFFE0C0  }
0x5f: {  	[tilespmem:s19], [sflag:$0x2] =	stream.indirect.gather [hbm4b:s3+s16], $0x40, s31, s16, $0xb8;
	[tilespmem:$0x1B940] =	vst v63  }
.LBB2_2:
0x60: {  	_ =	swait.ge [sflag:s24], $0x1F40  }
0x61: {  	s31 =	sshra.s32 s22, $0x2;
	[sflag:s24] =	ssyncset.done $0x0  }
0x62: {  	s5 =	sadd.s32 $0x5200, s31;
	[sflag:s24] =	ssyncadd.s32 $0xFFFFE0C0  }
0x63: {  	[spmem:s1] =	stream.indirect.scatter.add.f32 [tilespmem:s17], [sflag:$0x5], $0x40, s5, s16, $0xb8;
	[tilespmem:$0x1B940] =	vst v63  }
0x64: {  	_ =	swait.ge [sflag:s26], $0x1F40  }
0x65: {  	[sflag:s26] =	ssyncset.done $0x0  }
0x66: {  	s5 =	sadd.s32 $0x300, s31;
	[sflag:s26] =	ssyncadd.s32 $0xFFFFE0C0  }
0x67: {  	[tilespmem:s21], [sflag:$0x3] =	stream.indirect.gather [hbm4b:s3+s16], $0x40, s5, s16, $0xb8;
	[tilespmem:$0x1B940] =	vst v63  }
0x68: {  	_ =	swait.ge [sflag:s25], $0x1F40  }
0x69: {  	[sflag:s25] =	ssyncset.done $0x0  }
0x6a: {  	s5 =	sadd.s32 $0x5280, s31;
	[sflag:s25] =	ssyncadd.s32 $0xFFFFE0C0  }
0x6b: {  	[spmem:s1] =	stream.indirect.scatter.add.f32 [tilespmem:s19], [sflag:$0x6], $0x40, s5, s16, $0xb8;
	[tilespmem:$0x1B940] =	vst v63  }
0x6c: {  	_ =	swait.ge [sflag:s29], $0x1F40  }
0x6d: {  	[sflag:s29] =	ssyncset.done $0x0  }
0x6e: {  	p1 =	seq.s32 s22, $0x13000;
	s5 =	sadd.s32 $0x380, s31;
	[sflag:s29] =	ssyncadd.s32 $0xFFFFE0C0  }
0x6f: {  	[tilespmem:s23], [sflag:$0x4] =	stream.indirect.gather [hbm4b:s3+s16], $0x40, s5, s16, $0xb8;
	[tilespmem:$0x1B940] =	vst v63  }
.Ltmp2:
0x70: {  	_ = 	snop;
	(pc) =	sbr.rel @p1 .LBB2_4-.Ltmp2, $4  }
0x71: {  	_ =	swait.ge [sflag:s28], $0x1F40  }
0x72: {  	[sflag:s28] =	ssyncset.done $0x0  }
0x73: {  	s5 =	sadd.s32 $0x5300, s31;
	[sflag:s28] =	ssyncadd.s32 $0xFFFFE0C0  }
0x74: {  	[spmem:s1] =	stream.indirect.scatter.add.f32 [tilespmem:s21], [sflag:$0x7], $0x40, s5, s16, $0xb8;
	[tilespmem:$0x1B940] =	vst v63  }
0x75: {  	_ =	swait.ge [sflag:s30], $0x1F40  }
0x76: {  	[sflag:s30] =	ssyncset.done $0x0  }
0x77: {  	s5 =	sadd.s32 $0x400, s31;
	[sflag:s30] =	ssyncadd.s32 $0xFFFFE0C0  }
0x78: {  	[tilespmem:s17], [sflag:$0x1] =	stream.indirect.gather [hbm4b:s3+s16], $0x40, s5, s16, $0xb8;
	[tilespmem:$0x1B940] =	vst v63  }
0x79: {  	_ =	swait.ge [sflag:s0], $0x1F40  }
0x7a: {  	[sflag:s0] =	ssyncset.done $0x0  }
0x7b: {  	s5 =	sadd.s32 $0x5380, s31;
	[sflag:s0] =	ssyncadd.s32 $0xFFFFE0C0  }
0x7c: {  	[spmem:s1] =	stream.indirect.scatter.add.f32 [tilespmem:s23], [sflag:$0x8], $0x40, s5, s16, $0xb8;
	[tilespmem:$0x1B940] =	vst v63  }
.Ltmp3:
0x7d: {  	_ = 	snop;
	(pc) =	sbr.rel .LBB2_2-.Ltmp3, $4  }
0x7e: {  	_ =	swait.ge [sflag:s20], $0x1F40  }
0x7f: {  	[sflag:s20] =	ssyncset.done $0x0  }
0x80: {  	s22 =	sadd.s32 $0x800, s22;
	s31 =	sadd.s32 $0x480, s31;
	[sflag:s20] =	ssyncadd.s32 $0xFFFFE0C0  }
0x81: {  	[tilespmem:s19], [sflag:$0x2] =	stream.indirect.gather [hbm4b:s3+s16], $0x40, s31, s16, $0xb8;
	[tilespmem:$0x1B940] =	vst v63  }
.LBB2_5:
0x82: {  	_ =	sfence.sel $0x180000  }
0x83: {  	[bflag:$0x0] =	sbarrier.arrive $0xFFFF  }
0x84: {  	_ =	strace $0x9000004A  }
0x85: {  	[bflag:$0x2] =	sbarrier.arrive $0xFFFF  }
0x86: {  	s0 =	rddreg [dreg:$0x3]  }
0x87: {  	s0 =	sadd.s32 @!p0 $0x100000, s0  }
0x88: {  	[sflag:s0] =	ssyncadd.tile.s32 @!p0 $0x1;
	_ =	shalt  }
.Lfunc_end2:
_tile_overlayer_lowered:
.L_overlay_start_2:
0x89: {  	(tag) =	ssettag $0x2  }
0x8a: {  	s0 =	rddreg [dreg:$0x0];
	s2 =	stileid.u32  }
0x8b: {  	s1 =	rddreg [dreg:$0x1];
	p0 =	sne.s32 s2, $0x0  }
0x8c: {  	s3 =	rddreg [dreg:$0x2];
	[bflag:$0x3] =	sbarrier.arrive $0xFFFF;
	s2 =	simm.s32 @!p0 $0x1C09  }
0x8d: {  	[timem:s3], [sflag:s2] =	dma.local @!p0 [hbm:s0], s1  }
0x8e: {  	s0 =	simm.s32 @!p0 $0x9  }
0x8f: {  	_ =	swait.ge @!p0 [sflag:s0], s1  }
0x90: {  	s1 =	ssub.s32 @!p0 $0x0, s1;
	[sflag:s0] =	ssyncset.done @!p0 $0x0  }
0x91: {  	[sflag:s0] =	ssyncadd.s32 @!p0 s1  }
0x92: {  	[bflag:$0x3] =	sbarrier.arrive $0xFFFF  }
0x93: {  	_ =	shalt  }

// kernel: kernel.14.cloned.1.call-start
scs
__scs_entry_jumppad:
0x0: {  	(pc) =	sbr.rel $0x88, $3  }
0x1: {  	(tag) =	ssettag $0x0;
	lr =	simm.s32 $0x1  }
0x2: {  	[smem:$0x3F99] =	sst lr;
	_ =	strace $0xD0000000  }
0x3: {  	_ = 	snop  }
0x4: {  	_ = 	snop  }
0x5: {  	_ = 	snop  }
0x6: {  	_ = 	snop  }
0x7: {  	_ = 	snop  }
__scs_overlays_trampoline_lowered:
0x8: {  	[smem:$0x3FA8] =	sst s0  }
0x9: {  	[smem:$0x3FA9] =	sst s1  }
0xa: {  	[smem:$0x3FAA] =	sst s2  }
0xb: {  	[smem:$0x3FAB] =	sst s3  }
0xc: {  	[smem:$0x3FAC] =	sst s4  }
0xd: {  	[smem:$0x3FAD] =	sst s5  }
0xe: {  	[smem:$0x3FAE] =	sst s6  }
0xf: {  	[smem:$0x3FAF] =	sst s7  }
0x10: {  	[smem:$0x3FB0] =	sst s8  }
0x11: {  	[smem:$0x3FB1] =	sst s9;
	s0 =	simm.s32 @!p0 $0x0  }
0x12: {  	s1 =	sld [smem:$0x3F97];
	s0 =	simm.s32 @p0 $0x1  }
0x13: {  	[smem:$0x3FB2] =	sst s0;
	s0 =	simm.s32 @!p1 $0x0  }
0x14: {  	s2 =	sld [smem:$0x3F96];
	s0 =	simm.s32 @p1 $0x1  }
0x15: {  	[smem:$0x3FB3] =	sst s0;
	s0 =	simm.s32 @!p2 $0x0  }
0x16: {  	s3 =	sld [smem:$0x3FDB];
	s0 =	simm.s32 @p2 $0x1  }
0x17: {  	s4 =	simm.s32 $0x1BF5;
	[smem:$0x3FB5] =	sst s0  }
0x18: {  	s0 =	sld [smem:$0x3F98];
	_ =	swait.ge [sflag:s4], $0x0  }
0x19: {  	s7 =	sld [smem:$0x3F99]  }
0x1a: {  	s8 =	sadd.s32 $0xFFFFE003, lr  }
0x1b: {  	s9 =	sadd.s32 $0xFFFFFEF7, lr;
	s5 =	simm.s32 $0xFFFFFFFF;
	p2 =	slt.u32 s8, $0xFFFFF086  }
0x1c: {  	p1 =	slt.u32 s9, $0xF7A;
	s5 =	simm.s32 @!p2 $0x0  }
0x1d: {  	s5 =	simm.s32 @p1 $0x1;
	p0 =	seq.s32 s7, s2  }
0x1e: {  	s7 =	smul.u32 @!p0 $0xF7A, s2;
	p2 =	seq.s32 @!p0 s5, $0x0  }
0x1f: {  	s9 =	smul.u32 $0xF7A, s1;
	s8 =	simm.s32 @!p0 $0x1BF5;
	p2 =	por !p2, p0  }
0x20: {  	[sflag:s8] =	ssyncset.s32 @!p0 $0xFFFFF086;
	s6 =	sadd.s32 @!p0 s3, s7;
	s7 =	simm.s32 @!p0 $0x108  }
0x21: {  	s3 =	sadd.s32 s3, s9;
	s6 =	sadd.s32 @!p0 $0x88, s6;
	s7 =	simm.s32 @p2 $0x1082  }
0x22: {  	[simem:s7], [sflag:s8] =	dma.local @!p0 [hbm:s6], $0xF7A  }
0x23: {  	s9 =	sor.u32 $0xD0000000, s2;
	s6 =	simm.s32 $0x108;
	_ =	swait.ge @!p0 [sflag:s8], $0x0  }
0x24: {  	s3 =	sadd.s32 $0x88, s3;
	s6 =	simm.s32 @!p1 $0x1082;
	[sflag:s4] =	ssyncset.s32 $0xFFFFF086  }
0x25: {  	[simem:s6], [sflag:s4] =	dma.local [hbm:s3], $0xF7A  }
0x26: {  	[smem:$0x3F99] =	sst s1;
	(tag) =	ssettag s2;
	_ =	strace s9  }
0x27: {  	s1 =	sld [smem:$0x3FA9]  }
0x28: {  	s2 =	sld [smem:$0x3FAA]  }
0x29: {  	s4 =	sld [smem:$0x3FAC]  }
0x2a: {  	p0 =	seq.s32 s5, $0x0;
	s5 =	sld [smem:$0x3FAD]  }
0x2b: {  	s6 =	sld [smem:$0x3FAE]  }
0x2c: {  	s7 =	sld [smem:$0x3FAF]  }
0x2d: {  	s3 =	simm.s32 $0x108;
	s8 =	sld [smem:$0x3FB0]  }
0x2e: {  	s3 =	simm.s32 @!p0 $0x1082;
	s9 =	sld [smem:$0x3FB1]  }
0x2f: {  	lr =	sadd.s32 s0, s3;
	s0 =	sld [smem:$0x3FA8]  }
0x30: {  	s3 =	sld [smem:$0x3FAB]  }
0x31: {  	[smem:$0x3FB4] =	sst s10  }
0x32: {  	s10 =	sld [smem:$0x3FB2];
	_ =	sdelay $0x3  }
0x33: {  	p0 =	seq.s32 s10, $0x1;
	s10 =	sld [smem:$0x3FB4];
	_ =	sdelay $0x3  }
0x34: {  	[smem:$0x3FB4] =	sst s10  }
0x35: {  	s10 =	sld [smem:$0x3FB3];
	_ =	sdelay $0x3  }
0x36: {  	p1 =	seq.s32 s10, $0x1;
	s10 =	sld [smem:$0x3FB4];
	_ =	sdelay $0x3  }
0x37: {  	[smem:$0x3FB4] =	sst s10  }
0x38: {  	s10 =	sld [smem:$0x3FB5]  }
0x39: {  	_ = 	snop;
	(pc) =	sbr.ind lr, $3  }
0x3a: {  	_ = 	snop  }
0x3b: {  	_ = 	snop  }
0x3c: {  	p2 =	seq.s32 s10, $0x1;
	s10 =	sld [smem:$0x3FB4]  }
0x3d: {  	_ =	shalt  }
0x3e: {  	_ =	shalt  }
0x3f: {  	_ =	shalt  }
0x40: {  	_ =	shalt  }
0x41: {  	_ =	shalt  }
0x42: {  	_ =	shalt  }
0x43: {  	_ =	shalt  }
0x44: {  	_ =	shalt  }
0x45: {  	_ =	shalt  }
0x46: {  	_ =	shalt  }
0x47: {  	_ =	shalt  }
0x48: {  	_ =	shalt  }
0x49: {  	_ =	shalt  }
0x4a: {  	_ =	shalt  }
0x4b: {  	_ =	shalt  }
0x4c: {  	_ =	shalt  }
0x4d: {  	_ =	shalt  }
0x4e: {  	_ =	shalt  }
0x4f: {  	_ =	shalt  }
0x50: {  	_ =	shalt  }
0x51: {  	_ =	shalt  }
0x52: {  	_ =	shalt  }
0x53: {  	_ =	shalt  }
0x54: {  	_ =	shalt  }
0x55: {  	_ =	shalt  }
0x56: {  	_ =	shalt  }
0x57: {  	_ =	shalt  }
0x58: {  	_ =	shalt  }
0x59: {  	_ =	shalt  }
0x5a: {  	_ =	shalt  }
0x5b: {  	_ =	shalt  }
0x5c: {  	_ =	shalt  }
0x5d: {  	_ =	shalt  }
0x5e: {  	_ =	shalt  }
0x5f: {  	_ =	shalt  }
0x60: {  	_ =	shalt  }
0x61: {  	_ =	shalt  }
0x62: {  	_ =	shalt  }
0x63: {  	_ =	shalt  }
0x64: {  	_ =	shalt  }
0x65: {  	_ =	shalt  }
0x66: {  	_ =	shalt  }
0x67: {  	_ =	shalt  }
0x68: {  	_ =	shalt  }
0x69: {  	_ =	shalt  }
0x6a: {  	_ =	shalt  }
0x6b: {  	_ =	shalt  }
0x6c: {  	_ =	shalt  }
0x6d: {  	_ =	shalt  }
0x6e: {  	_ =	shalt  }
0x6f: {  	_ =	shalt  }
0x70: {  	_ =	shalt  }
0x71: {  	_ =	shalt  }
0x72: {  	_ =	shalt  }
0x73: {  	_ =	shalt  }
0x74: {  	_ =	shalt  }
0x75: {  	_ =	shalt  }
0x76: {  	_ =	shalt  }
0x77: {  	_ =	shalt  }
0x78: {  	_ =	shalt  }
0x79: {  	_ =	shalt  }
0x7a: {  	_ =	shalt  }
0x7b: {  	_ =	shalt  }
0x7c: {  	_ =	shalt  }
0x7d: {  	_ =	shalt  }
0x7e: {  	_ =	shalt  }
0x7f: {  	_ =	shalt  }
0x80: {  	_ =	shalt  }
0x81: {  	_ =	shalt  }
0x82: {  	_ =	shalt  }
0x83: {  	_ =	shalt  }
0x84: {  	_ =	shalt  }
0x85: {  	_ =	shalt  }
0x86: {  	_ =	shalt  }
0x87: {  	_ =	shalt  }
.Lfunc_end0:
.L_simem_size_0:
called_computation.2_lowered:
.L_overlay_start_0:
0x88: {  	s2 =	sld [smem:$0x3FD9]  }
0x89: {  	s3 =	sld [smem:$0x3FFE];
	_ =	sdelay $0x1  }
0x8a: {  	s1 =	srdreg.scid  }
0x8b: {  	s0 =	sand.u32 $0x1, s1  }
0x8c: {  	s17 =	sshll.u32 s0, $0xA;
	s2 =	sadd.s32 s3, s2  }
0x8d: {  	s2 =	sadd.s32 s2, s17  }
0x8e: {  	[smem:$0x3FC0] =	sst s2  }
0x8f: {  	_ = 	snop  }
0x90: {  	s2 =	sld [smem:$0x3FD0];
	(tm) =	ssettm $0x1  }
0x91: {  	s18 =	sld [smem:$0x3FFB];
	_ =	sdelay $0x3  }
0x92: {  	_ =	strace s18  }
0x93: {  	s3 =	sld [smem:$0x3FFC];
	_ =	sdelay $0x3  }
0x94: {  	_ =	strace s3  }
0x95: {  	s3 =	sld [smem:$0x3FFD];
	_ =	sdelay $0x3  }
0x96: {  	_ =	strace s3  }
0x97: {  	_ =	strace $0x8FFFFFFF  }
0x98: {  	s19 =	sld [smem:$0x3FDB];
	_ =	sdelay $0x1  }
0x99: {  	s4 =	simm.s32 $_scs_section_size  }
0x9a: {  	s5 =	simm.s32 $_size__tile_overlayer_lowered;
	s6 =	simm.s32 $_tile_overlayer_lowered  }
0x9b: {  	s22 =	simm.s32 $0x1BFF;
	s21 =	sshll.u32 s6, $0x1;
	s3 =	sadd.s32 s4, s19  }
0x9c: {  	s7 =	simm.s32 $0x0;
	s20 =	sshll.u32 s5, $0x1;
	s5 =	sadd.s32 s21, s3  }
0x9d: {  	[timem:s7], [sflag:s22] =	dma.local [hbm:s5], s20  }
0x9e: {  	_ =	swait.ge [sflag:s22], s20  }
0x9f: {  	s4 =	ssub.s32 $0x0, s20;
	[sflag:s22] =	ssyncset.done $0x0  }
0xa0: {  	[sflag:s22] =	ssyncadd.s32 s4;
	_ =	sdelay $0x1  }
0xa1: {  	s23 =	simm.s32 $0x1B8B  }
0xa2: {  	_ =	swait.ge [sflag:s23], $0x1  }
0xa3: {  	[sflag:s23] =	ssyncset.done $0x0  }
0xa4: {  	s25 =	simm.s32 $0x1B8E;
	s24 =	sld [smem:$0x3FFE];
	[sflag:s23] =	ssyncadd.s32 $0xFFFFFFFF  }
0xa5: {  	s26 =	simm.s32 $execute0_lowered;
	[smem:$0x3FD2] =	sst s25  }
0xa6: {  	s5 =	sshll.u32 s26, $0x1;
	_ =	strace $0x8000004C;
	[dreg:$0x1] =	wrdreg $0xFFFFFFFF  }
0xa7: {  	s28 =	simm.s32 $_size_execute0_lowered;
	s3 =	sadd.s32 s3, s5;
	[dreg:$0x0] =	wrdreg $0x0  }
0xa8: {  	s5 =	sshll.u32 s28, $0x1;
	[dreg:$0x2] =	wrdreg s3  }
0xa9: {  	[dreg:$0x3] =	wrdreg s5  }
0xaa: {  	[dreg:$0x4] =	wrdreg $0xC0  }
0xab: {  	_ =	task [dreg:s7], $0x5FFFF  }
0xac: {  	[dreg:$0x1] =	wrdreg $0xFFFFFFFF  }
0xad: {  	[dreg:$0x0] =	wrdreg $0x60  }
0xae: {  	[dreg:$0x2] =	wrdreg s2  }
0xaf: {  	[dreg:$0x3] =	wrdreg s24  }
0xb0: {  	[dreg:$0x4] =	wrdreg $0x11D000  }
0xb1: {  	[dreg:$0x5] =	wrdreg $0x9  }
0xb2: {  	_ =	task.clear_ibuf [dreg:s7], $0x6FFFF;
	_ =	strace $0x9000004C  }
0xb3: {  	s29 =	simm.s32 $0x9;
	_ =	strace $0x8000004E  }
0xb4: {  	_ =	swait.ge [sflag:s29], $0x1  }
0xb5: {  	[sflag:s29] =	ssyncadd.s32 $0xFFFFFFFF  }
0xb6: {  	_ =	strace $0x9000004E  }
0xb7: {  	_ =	sfence  }
0xb8: {  	s30 =	sld [smem:$0x0];
	_ =	sdelay $0x2  }
0xb9: {  	s31 =	sshll.u32 s1, $0xD;
	s1 =	sshrl.u32 s1, $0x2  }
0xba: {  	s3 =	sand.u32 $0x4000, s31;
	s1 =	sadd.s32 s1, s30  }
0xbb: {  	s0 =	sor.u32 s3, s0;
	s1 =	sshll.u32 s1, $0x11  }
0xbc: {  	s0 =	sor.u32 s1, s0  }
0xbd: {  	s0 =	sadd.s32 $0x8F2B, s0  }
0xbe: {  	[sflag:s0] =	ssyncadd.remote.s32 $0x1  }
0xbf: {  	_ =	sfence.sel $0xFFFF  }
0xc0: {  	[dreg:$0x0] =	wrdreg $0xFFFFFFFF;
	(pc) =	sbr.abs _section_cstart, $3  }
0xc1: {  	[dreg:$0x1] =	wrdreg $0xFFFFFFFF  }
0xc2: {  	_ =	task.clear_ibuf [dreg:s7], $0x2FFFF;
	_ =	strace $0x9FFFFFFF  }
0xc3: {  	(tm) =	ssettm $0x7FFFFFFF  }
tec
execute0_lowered:
.L_overlay_start_1:
0x0: {  	(tag) =	ssettag $0x1  }
0x1: {  	s0 =	rddreg [dreg:$0x0]  }
0x2: {  	s9 =	rddreg [dreg:$0x1]  }
0x3: {  	s1 =	rddreg [dreg:$0x2]  }
0x4: {  	s11 =	stileid.u32;
	s3 =	srdreg.scid;
	s2 =	simm.s32 $0x0  }
0x5: {  	s16 =	simm.s32 $0x7D;
	s17 =	simm.s32 $0xA000;
	s19 =	simm.s32 $0xBF40  }
0x6: {  	s21 =	simm.s32 $0xDE80;
	s23 =	simm.s32 $0xFDC0;
	s24 =	simm.s32 $0x1  }
0x7: {  	s28 =	simm.s32 $0x3;
	s30 =	simm.s32 $0x5;
	s20 =	simm.s32 $0x6  }
0x8: {  	s29 =	simm.s32 $0x8;
	s18 =	simm.s32 $0x0;
	s14 =	smul.u32 $0xA00, s11  }
0x9: {  	s3 =	sand.u32 $0x1, s3;
	[smem:$0x7FF] =	sst s2;
	s5 =	smul.u32 $0x9C00, s11  }
0xa: {  	s31 =	sshll.u32 s11, $0x6;
	s13 =	sadd.s32 $0x9C000, s1;
	s15 =	sadd.s32 $0xCC00, s9  }
0xb: {  	p0 =	sne.s32 s11, $0x0;
	s4 =	smul.u32 $0x13880, s3;
	_ =	strace $0x8000004D  }
0xc: {  	s3 =	ssub.s32 $0x2, s3;
	s13 =	sshrl.u32 @!p0 s13, $0x3;
	s8 =	sadd.s32 s14, s9  }
0xd: {  	s6 =	sshrl.u32 s3, $0x1;
	s25 =	sadd.s32 s5, s1;
	s14 =	sadd.s32 s14, s15  }
0xe: {  	s15 =	simm.s32 $0x5000;
	s10 =	sadd.s32 s4, s9;
	s12 =	ssub.s32 s3, s6  }
.Ltmp0:
0xf: {  	s3 =	sadd.s32 s0, s4;
	s4 =	sshrl.u32 s5, $0x3;
	(pc) =	sbr.rel .LBB2_1-.Ltmp0, $4  }
0x10: {  	s6 =	sor.u32 $0x1C09, s31;
	s8 =	sadd.s32 $0x2C00, s8;
	s11 =	sshrl.u32 s25, $0x3  }
0x11: {  	s25 =	simm.s32 $0x2;
	s0 =	simm.s32 $0x4;
	s26 =	sadd.s32 s4, s3  }
0x12: {  	s7 =	sadd.s32 $0x13800, s3;
	s9 =	sadd.s32 $0x64E00, s10;
	s10 =	smax.u32 s12, $0x1  }
0x13: {  	s12 =	simm.s32 $0x9;
	[dreg:$0x4] =	wrdreg s26;
	s26 =	simm.s32 $0x7  }
.LBB2_4:
0x14: {  	_ =	swait.ge [sflag:s0], $0x1F40  }
0x15: {  	[sflag:s0] =	ssyncset.done $0x0  }
0x16: {  	s5 =	simm.s32 $0x9F80;
	[sflag:s0] =	ssyncadd.s32 $0xFFFFE0C0  }
0x17: {  	[spmem:s1] =	stream.indirect.scatter.add.f32 [tilespmem:s23], [sflag:$0x8], $0x40, s5, s16, $0xb8;
	[tilespmem:$0x1B940] =	vst v63  }
0x18: {  	_ =	swait.ge [sflag:s30], $0x1F40  }
0x19: {  	[sflag:s30] =	ssyncset.done $0x0  }
0x1a: {  	[sflag:s30] =	ssyncadd.s32 $0xFFFFE0C0  }
0x1b: {  	_ =	swait.ge [sflag:s20], $0x1F40  }
0x1c: {  	[sflag:s20] =	ssyncset.done $0x0  }
0x1d: {  	[sflag:s20] =	ssyncadd.s32 $0xFFFFE0C0  }
0x1e: {  	_ =	swait.ge [sflag:s26], $0x1F40  }
0x1f: {  	[sflag:s26] =	ssyncset.done $0x0  }
0x20: {  	[sflag:s26] =	ssyncadd.s32 $0xFFFFE0C0  }
0x21: {  	_ =	swait.ge [sflag:s29], $0x1F40  }
0x22: {  	[sflag:s29] =	ssyncset.done $0x0  }
0x23: {  	[sflag:s29] =	ssyncadd.s32 $0xFFFFE0C0  }
0x24: {  	s31 =	sadd.s32 s4, s9;
	[bflag:$0x0] =	sbarrier.arrive $0xFFFF  }
0x25: {  	[hbm:s31], [sflag:s6] =	dma.local [spmem:s11], $0x1380  }
0x26: {  	_ =	swait.ge [sflag:s12], $0x1380  }
0x27: {  	s18 =	sadd.s32 $0x1, s18;
	[sflag:s12] =	ssyncset.done $0x0  }
0x28: {  	p1 =	sne.s32 s18, s10;
	s5 =	sadd.s32 @!p0 $0x13800, s9;
	[sflag:s12] =	ssyncadd.s32 $0xFFFFEC80  }
0x29: {  	[hbm:s5], [sflag:s6] =	dma.local @!p0 [spmem:s13], $0x80  }
.Ltmp1:
0x2a: {  	_ = 	snop;
	(pc) =	sbr.rel @!p1 .LBB2_5-.Ltmp1, $4  }
0x2b: {  	s5 =	simm.s32 @!p0 $0x9  }
0x2c: {  	_ =	swait.ge @!p0 [sflag:s5], $0x80  }
0x2d: {  	[sflag:s5] =	ssyncset.done @!p0 $0x0  }
0x2e: {  	[sflag:s5] =	ssyncadd.s32 @!p0 $0xFFFFFF80  }
.LBB2_1:
0x2f: {  	s5 =	rddreg [dreg:$0x4]  }
0x30: {  	[spmem:s11], [sflag:s6] =	dma.local [hbm:s5], $0x1380  }
0x31: {  	_ =	swait.ge [sflag:s12], $0x1380  }
0x32: {  	[sflag:s12] =	ssyncset.done $0x0  }
0x33: {  	s22 =	simm.s32 @!p0 $0x9;
	[sflag:s12] =	ssyncadd.s32 $0xFFFFEC80  }
0x34: {  	[spmem:s13], [sflag:s6] =	dma.local @!p0 [hbm:s7], $0x80  }
0x35: {  	_ =	swait.ge @!p0 [sflag:s22], $0x80  }
0x36: {  	[sflag:s22] =	ssyncset.done @!p0 $0x0  }
0x37: {  	[sflag:s22] =	ssyncadd.s32 @!p0 $0xFFFFFF80  }
0x38: {  	[tilespmem:s2], [sflag:$0x9] =	stream.linear.gather [hbm4b:s8+s2], $0x5000, $0x38;
	[tilespmem:$0x1B940] =	vst v63  }
0x39: {  	_ =	swait.ge [sflag:s12], $0x5000  }
0x3a: {  	[sflag:s12] =	ssyncset.done $0x0  }
0x3b: {  	[sflag:s12] =	ssyncadd.s32 $0xFFFFB000  }
0x3c: {  	[tilespmem:s15], [sflag:$0x9] =	stream.linear.gather [hbm4b:s14+s2], $0x5000, $0x38;
	[tilespmem:$0x1B940] =	vst v63  }
0x3d: {  	_ =	swait.ge [sflag:s12], $0x5000  }
0x3e: {  	[sflag:s12] =	ssyncset.done $0x0  }
0x3f: {  	[sflag:s12] =	ssyncadd.s32 $0xFFFFB000  }
0x40: {  	[bflag:$0x0] =	sbarrier.arrive $0xFFFF  }
0x41: {  	[tilespmem:s17], [sflag:$0x1] =	stream.indirect.gather [hbm4b:s3+s16], $0x40, s2, s16, $0xb8;
	[tilespmem:$0x1B940] =	vst v63  }
0x42: {  	s22 =	simm.s32 $0x80  }
0x43: {  	[tilespmem:s19], [sflag:$0x2] =	stream.indirect.gather [hbm4b:s3+s16], $0x40, s22, s16, $0xb8;
	[tilespmem:$0x1B940] =	vst v63  }
0x44: {  	s31 =	simm.s32 $0x100  }
0x45: {  	[tilespmem:s21], [sflag:$0x3] =	stream.indirect.gather [hbm4b:s3+s16], $0x40, s31, s16, $0xb8;
	[tilespmem:$0x1B940] =	vst v63  }
0x46: {  	s22 =	simm.s32 $0x180  }
0x47: {  	[tilespmem:s23], [sflag:$0x4] =	stream.indirect.gather [hbm4b:s3+s16], $0x40, s22, s16, $0xb8;
	[tilespmem:$0x1B940] =	vst v63  }
0x48: {  	_ =	swait.ge [sflag:s24], $0x1F40  }
0x49: {  	[sflag:s24] =	ssyncset.done $0x0  }
0x4a: {  	[sflag:s24] =	ssyncadd.s32 $0xFFFFE0C0  }
0x4b: {  	[spmem:s1] =	stream.indirect.scatter.add.f32 [tilespmem:s17], [sflag:$0x5], $0x40, s15, s16, $0xb8;
	[tilespmem:$0x1B940] =	vst v63  }
0x4c: {  	_ =	swait.ge [sflag:s25], $0x1F40  }
0x4d: {  	[sflag:s25] =	ssyncset.done $0x0  }
0x4e: {  	s31 =	simm.s32 $0x5080;
	[sflag:s25] =	ssyncadd.s32 $0xFFFFE0C0  }
0x4f: {  	[spmem:s1] =	stream.indirect.scatter.add.f32 [tilespmem:s19], [sflag:$0x6], $0x40, s31, s16, $0xb8;
	[tilespmem:$0x1B940] =	vst v63  }
0x50: {  	_ =	swait.ge [sflag:s28], $0x1F40  }
0x51: {  	[sflag:s28] =	ssyncset.done $0x0  }
0x52: {  	s22 =	simm.s32 $0x5100;
	[sflag:s28] =	ssyncadd.s32 $0xFFFFE0C0  }
0x53: {  	[spmem:s1] =	stream.indirect.scatter.add.f32 [tilespmem:s21], [sflag:$0x7], $0x40, s22, s16, $0xb8;
	[tilespmem:$0x1B940] =	vst v63  }
0x54: {  	_ =	swait.ge [sflag:s30], $0x1F40  }
0x55: {  	[sflag:s30] =	ssyncset.done $0x0  }
0x56: {  	s31 =	simm.s32 $0x200;
	[sflag:s30] =	ssyncadd.s32 $0xFFFFE0C0  }
0x57: {  	[tilespmem:s17], [sflag:$0x1] =	stream.indirect.gather [hbm4b:s3+s16], $0x40, s31, s16, $0xb8;
	[tilespmem:$0x1B940] =	vst v63  }
0x58: {  	_ =	swait.ge [sflag:s0], $0x1F40  }
0x59: {  	[sflag:s0] =	ssyncset.done $0x0  }
0x5a: {  	s22 =	simm.s32 $0x5180;
	[sflag:s0] =	ssyncadd.s32 $0xFFFFE0C0  }
0x5b: {  	[spmem:s1] =	stream.indirect.scatter.add.f32 [tilespmem:s23], [sflag:$0x8], $0x40, s22, s16, $0xb8;
	[tilespmem:$0x1B940] =	vst v63  }
0x5c: {  	_ =	swait.ge [sflag:s20], $0x1F40  }
0x5d: {  	[sflag:s20] =	ssyncset.done $0x0  }
0x5e: {  	s31 =	simm.s32 $0x280;
	s22 =	simm.s32 $0x0;
	[sflag:s20] =	ssyncadd.s32 $0xFFFFE0C0  }
0x5f: {  	[tilespmem:s19], [sflag:$0x2] =	stream.indirect.gather [hbm4b:s3+s16], $0x40, s31, s16, $0xb8;
	[tilespmem:$0x1B940] =	vst v63  }
.LBB2_2:
0x60: {  	_ =	swait.ge [sflag:s24], $0x1F40  }
0x61: {  	s31 =	sshra.s32 s22, $0x2;
	[sflag:s24] =	ssyncset.done $0x0  }
0x62: {  	s5 =	sadd.s32 $0x5200, s31;
	[sflag:s24] =	ssyncadd.s32 $0xFFFFE0C0  }
0x63: {  	[spmem:s1] =	stream.indirect.scatter.add.f32 [tilespmem:s17], [sflag:$0x5], $0x40, s5, s16, $0xb8;
	[tilespmem:$0x1B940] =	vst v63  }
0x64: {  	_ =	swait.ge [sflag:s26], $0x1F40  }
0x65: {  	[sflag:s26] =	ssyncset.done $0x0  }
0x66: {  	s5 =	sadd.s32 $0x300, s31;
	[sflag:s26] =	ssyncadd.s32 $0xFFFFE0C0  }
0x67: {  	[tilespmem:s21], [sflag:$0x3] =	stream.indirect.gather [hbm4b:s3+s16], $0x40, s5, s16, $0xb8;
	[tilespmem:$0x1B940] =	vst v63  }
0x68: {  	_ =	swait.ge [sflag:s25], $0x1F40  }
0x69: {  	[sflag:s25] =	ssyncset.done $0x0  }
0x6a: {  	s5 =	sadd.s32 $0x5280, s31;
	[sflag:s25] =	ssyncadd.s32 $0xFFFFE0C0  }
0x6b: {  	[spmem:s1] =	stream.indirect.scatter.add.f32 [tilespmem:s19], [sflag:$0x6], $0x40, s5, s16, $0xb8;
	[tilespmem:$0x1B940] =	vst v63  }
0x6c: {  	_ =	swait.ge [sflag:s29], $0x1F40  }
0x6d: {  	[sflag:s29] =	ssyncset.done $0x0  }
0x6e: {  	p1 =	seq.s32 s22, $0x13000;
	s5 =	sadd.s32 $0x380, s31;
	[sflag:s29] =	ssyncadd.s32 $0xFFFFE0C0  }
0x6f: {  	[tilespmem:s23], [sflag:$0x4] =	stream.indirect.gather [hbm4b:s3+s16], $0x40, s5, s16, $0xb8;
	[tilespmem:$0x1B940] =	vst v63  }
.Ltmp2:
0x70: {  	_ = 	snop;
	(pc) =	sbr.rel @p1 .LBB2_4-.Ltmp2, $4  }
0x71: {  	_ =	swait.ge [sflag:s28], $0x1F40  }
0x72: {  	[sflag:s28] =	ssyncset.done $0x0  }
0x73: {  	s5 =	sadd.s32 $0x5300, s31;
	[sflag:s28] =	ssyncadd.s32 $0xFFFFE0C0  }
0x74: {  	[spmem:s1] =	stream.indirect.scatter.add.f32 [tilespmem:s21], [sflag:$0x7], $0x40, s5, s16, $0xb8;
	[tilespmem:$0x1B940] =	vst v63  }
0x75: {  	_ =	swait.ge [sflag:s30], $0x1F40  }
0x76: {  	[sflag:s30] =	ssyncset.done $0x0  }
0x77: {  	s5 =	sadd.s32 $0x400, s31;
	[sflag:s30] =	ssyncadd.s32 $0xFFFFE0C0  }
0x78: {  	[tilespmem:s17], [sflag:$0x1] =	stream.indirect.gather [hbm4b:s3+s16], $0x40, s5, s16, $0xb8;
	[tilespmem:$0x1B940] =	vst v63  }
0x79: {  	_ =	swait.ge [sflag:s0], $0x1F40  }
0x7a: {  	[sflag:s0] =	ssyncset.done $0x0  }
0x7b: {  	s5 =	sadd.s32 $0x5380, s31;
	[sflag:s0] =	ssyncadd.s32 $0xFFFFE0C0  }
0x7c: {  	[spmem:s1] =	stream.indirect.scatter.add.f32 [tilespmem:s23], [sflag:$0x8], $0x40, s5, s16, $0xb8;
	[tilespmem:$0x1B940] =	vst v63  }
.Ltmp3:
0x7d: {  	_ = 	snop;
	(pc) =	sbr.rel .LBB2_2-.Ltmp3, $4  }
0x7e: {  	_ =	swait.ge [sflag:s20], $0x1F40  }
0x7f: {  	[sflag:s20] =	ssyncset.done $0x0  }
0x80: {  	s22 =	sadd.s32 $0x800, s22;
	s31 =	sadd.s32 $0x480, s31;
	[sflag:s20] =	ssyncadd.s32 $0xFFFFE0C0  }
0x81: {  	[tilespmem:s19], [sflag:$0x2] =	stream.indirect.gather [hbm4b:s3+s16], $0x40, s31, s16, $0xb8;
	[tilespmem:$0x1B940] =	vst v63  }
.LBB2_5:
0x82: {  	_ =	sfence.sel $0x180000  }
0x83: {  	[bflag:$0x0] =	sbarrier.arrive $0xFFFF  }
0x84: {  	_ =	strace $0x9000004D  }
0x85: {  	[bflag:$0x2] =	sbarrier.arrive $0xFFFF  }
0x86: {  	s0 =	rddreg [dreg:$0x3]  }
0x87: {  	s0 =	sadd.s32 @!p0 $0x100000, s0  }
0x88: {  	[sflag:s0] =	ssyncadd.tile.s32 @!p0 $0x1;
	_ =	shalt  }
.Lfunc_end2:
_tile_overlayer_lowered:
.L_overlay_start_2:
0x89: {  	(tag) =	ssettag $0x2  }
0x8a: {  	s0 =	rddreg [dreg:$0x0];
	s2 =	stileid.u32  }
0x8b: {  	s1 =	rddreg [dreg:$0x1];
	p0 =	sne.s32 s2, $0x0  }
0x8c: {  	s3 =	rddreg [dreg:$0x2];
	[bflag:$0x3] =	sbarrier.arrive $0xFFFF;
	s2 =	simm.s32 @!p0 $0x1C09  }
0x8d: {  	[timem:s3], [sflag:s2] =	dma.local @!p0 [hbm:s0], s1  }
0x8e: {  	s0 =	simm.s32 @!p0 $0x9  }
0x8f: {  	_ =	swait.ge @!p0 [sflag:s0], s1  }
0x90: {  	s1 =	ssub.s32 @!p0 $0x0, s1;
	[sflag:s0] =	ssyncset.done @!p0 $0x0  }
0x91: {  	[sflag:s0] =	ssyncadd.s32 @!p0 s1  }
0x92: {  	[bflag:$0x3] =	sbarrier.arrive $0xFFFF  }
0x93: {  	_ =	shalt  }

// kernel: kernel.8.cloned.1.call-start
scs
__scs_entry_jumppad:
0x0: {  	(pc) =	sbr.rel $0x88, $3  }
0x1: {  	(tag) =	ssettag $0x0;
	lr =	simm.s32 $0x1  }
0x2: {  	[smem:$0x3F99] =	sst lr;
	_ =	strace $0xD0000000  }
0x3: {  	_ = 	snop  }
0x4: {  	_ = 	snop  }
0x5: {  	_ = 	snop  }
0x6: {  	_ = 	snop  }
0x7: {  	_ = 	snop  }
__scs_overlays_trampoline_lowered:
0x8: {  	[smem:$0x3FA8] =	sst s0  }
0x9: {  	[smem:$0x3FA9] =	sst s1  }
0xa: {  	[smem:$0x3FAA] =	sst s2  }
0xb: {  	[smem:$0x3FAB] =	sst s3  }
0xc: {  	[smem:$0x3FAC] =	sst s4  }
0xd: {  	[smem:$0x3FAD] =	sst s5  }
0xe: {  	[smem:$0x3FAE] =	sst s6  }
0xf: {  	[smem:$0x3FAF] =	sst s7  }
0x10: {  	[smem:$0x3FB0] =	sst s8  }
0x11: {  	[smem:$0x3FB1] =	sst s9;
	s0 =	simm.s32 @!p0 $0x0  }
0x12: {  	s1 =	sld [smem:$0x3F97];
	s0 =	simm.s32 @p0 $0x1  }
0x13: {  	[smem:$0x3FB2] =	sst s0;
	s0 =	simm.s32 @!p1 $0x0  }
0x14: {  	s2 =	sld [smem:$0x3F96];
	s0 =	simm.s32 @p1 $0x1  }
0x15: {  	[smem:$0x3FB3] =	sst s0;
	s0 =	simm.s32 @!p2 $0x0  }
0x16: {  	s3 =	sld [smem:$0x3FDB];
	s0 =	simm.s32 @p2 $0x1  }
0x17: {  	s4 =	simm.s32 $0x1BF5;
	[smem:$0x3FB5] =	sst s0  }
0x18: {  	s0 =	sld [smem:$0x3F98];
	_ =	swait.ge [sflag:s4], $0x0  }
0x19: {  	s7 =	sld [smem:$0x3F99]  }
0x1a: {  	s8 =	sadd.s32 $0xFFFFE003, lr  }
0x1b: {  	s9 =	sadd.s32 $0xFFFFFEF7, lr;
	s5 =	simm.s32 $0xFFFFFFFF;
	p2 =	slt.u32 s8, $0xFFFFF086  }
0x1c: {  	p1 =	slt.u32 s9, $0xF7A;
	s5 =	simm.s32 @!p2 $0x0  }
0x1d: {  	s5 =	simm.s32 @p1 $0x1;
	p0 =	seq.s32 s7, s2  }
0x1e: {  	s7 =	smul.u32 @!p0 $0xF7A, s2;
	p2 =	seq.s32 @!p0 s5, $0x0  }
0x1f: {  	s9 =	smul.u32 $0xF7A, s1;
	s8 =	simm.s32 @!p0 $0x1BF5;
	p2 =	por !p2, p0  }
0x20: {  	[sflag:s8] =	ssyncset.s32 @!p0 $0xFFFFF086;
	s6 =	sadd.s32 @!p0 s3, s7;
	s7 =	simm.s32 @!p0 $0x108  }
0x21: {  	s3 =	sadd.s32 s3, s9;
	s6 =	sadd.s32 @!p0 $0x88, s6;
	s7 =	simm.s32 @p2 $0x1082  }
0x22: {  	[simem:s7], [sflag:s8] =	dma.local @!p0 [hbm:s6], $0xF7A  }
0x23: {  	s9 =	sor.u32 $0xD0000000, s2;
	s6 =	simm.s32 $0x108;
	_ =	swait.ge @!p0 [sflag:s8], $0x0  }
0x24: {  	s3 =	sadd.s32 $0x88, s3;
	s6 =	simm.s32 @!p1 $0x1082;
	[sflag:s4] =	ssyncset.s32 $0xFFFFF086  }
0x25: {  	[simem:s6], [sflag:s4] =	dma.local [hbm:s3], $0xF7A  }
0x26: {  	[smem:$0x3F99] =	sst s1;
	(tag) =	ssettag s2;
	_ =	strace s9  }
0x27: {  	s1 =	sld [smem:$0x3FA9]  }
0x28: {  	s2 =	sld [smem:$0x3FAA]  }
0x29: {  	s4 =	sld [smem:$0x3FAC]  }
0x2a: {  	p0 =	seq.s32 s5, $0x0;
	s5 =	sld [smem:$0x3FAD]  }
0x2b: {  	s6 =	sld [smem:$0x3FAE]  }
0x2c: {  	s7 =	sld [smem:$0x3FAF]  }
0x2d: {  	s3 =	simm.s32 $0x108;
	s8 =	sld [smem:$0x3FB0]  }
0x2e: {  	s3 =	simm.s32 @!p0 $0x1082;
	s9 =	sld [smem:$0x3FB1]  }
0x2f: {  	lr =	sadd.s32 s0, s3;
	s0 =	sld [smem:$0x3FA8]  }
0x30: {  	s3 =	sld [smem:$0x3FAB]  }
0x31: {  	[smem:$0x3FB4] =	sst s10  }
0x32: {  	s10 =	sld [smem:$0x3FB2];
	_ =	sdelay $0x3  }
0x33: {  	p0 =	seq.s32 s10, $0x1;
	s10 =	sld [smem:$0x3FB4];
	_ =	sdelay $0x3  }
0x34: {  	[smem:$0x3FB4] =	sst s10  }
0x35: {  	s10 =	sld [smem:$0x3FB3];
	_ =	sdelay $0x3  }
0x36: {  	p1 =	seq.s32 s10, $0x1;
	s10 =	sld [smem:$0x3FB4];
	_ =	sdelay $0x3  }
0x37: {  	[smem:$0x3FB4] =	sst s10  }
0x38: {  	s10 =	sld [smem:$0x3FB5]  }
0x39: {  	_ = 	snop;
	(pc) =	sbr.ind lr, $3  }
0x3a: {  	_ = 	snop  }
0x3b: {  	_ = 	snop  }
0x3c: {  	p2 =	seq.s32 s10, $0x1;
	s10 =	sld [smem:$0x3FB4]  }
0x3d: {  	_ =	shalt  }
0x3e: {  	_ =	shalt  }
0x3f: {  	_ =	shalt  }
0x40: {  	_ =	shalt  }
0x41: {  	_ =	shalt  }
0x42: {  	_ =	shalt  }
0x43: {  	_ =	shalt  }
0x44: {  	_ =	shalt  }
0x45: {  	_ =	shalt  }
0x46: {  	_ =	shalt  }
0x47: {  	_ =	shalt  }
0x48: {  	_ =	shalt  }
0x49: {  	_ =	shalt  }
0x4a: {  	_ =	shalt  }
0x4b: {  	_ =	shalt  }
0x4c: {  	_ =	shalt  }
0x4d: {  	_ =	shalt  }
0x4e: {  	_ =	shalt  }
0x4f: {  	_ =	shalt  }
0x50: {  	_ =	shalt  }
0x51: {  	_ =	shalt  }
0x52: {  	_ =	shalt  }
0x53: {  	_ =	shalt  }
0x54: {  	_ =	shalt  }
0x55: {  	_ =	shalt  }
0x56: {  	_ =	shalt  }
0x57: {  	_ =	shalt  }
0x58: {  	_ =	shalt  }
0x59: {  	_ =	shalt  }
0x5a: {  	_ =	shalt  }
0x5b: {  	_ =	shalt  }
0x5c: {  	_ =	shalt  }
0x5d: {  	_ =	shalt  }
0x5e: {  	_ =	shalt  }
0x5f: {  	_ =	shalt  }
0x60: {  	_ =	shalt  }
0x61: {  	_ =	shalt  }
0x62: {  	_ =	shalt  }
0x63: {  	_ =	shalt  }
0x64: {  	_ =	shalt  }
0x65: {  	_ =	shalt  }
0x66: {  	_ =	shalt  }
0x67: {  	_ =	shalt  }
0x68: {  	_ =	shalt  }
0x69: {  	_ =	shalt  }
0x6a: {  	_ =	shalt  }
0x6b: {  	_ =	shalt  }
0x6c: {  	_ =	shalt  }
0x6d: {  	_ =	shalt  }
0x6e: {  	_ =	shalt  }
0x6f: {  	_ =	shalt  }
0x70: {  	_ =	shalt  }
0x71: {  	_ =	shalt  }
0x72: {  	_ =	shalt  }
0x73: {  	_ =	shalt  }
0x74: {  	_ =	shalt  }
0x75: {  	_ =	shalt  }
0x76: {  	_ =	shalt  }
0x77: {  	_ =	shalt  }
0x78: {  	_ =	shalt  }
0x79: {  	_ =	shalt  }
0x7a: {  	_ =	shalt  }
0x7b: {  	_ =	shalt  }
0x7c: {  	_ =	shalt  }
0x7d: {  	_ =	shalt  }
0x7e: {  	_ =	shalt  }
0x7f: {  	_ =	shalt  }
0x80: {  	_ =	shalt  }
0x81: {  	_ =	shalt  }
0x82: {  	_ =	shalt  }
0x83: {  	_ =	shalt  }
0x84: {  	_ =	shalt  }
0x85: {  	_ =	shalt  }
0x86: {  	_ =	shalt  }
0x87: {  	_ =	shalt  }
.Lfunc_end0:
.L_simem_size_0:
called_computation_lowered:
.L_overlay_start_0:
0x88: {  	s2 =	sld [smem:$0x3FD9]  }
0x89: {  	s3 =	sld [smem:$0x3FFE];
	_ =	sdelay $0x1  }
0x8a: {  	s1 =	srdreg.scid  }
0x8b: {  	s0 =	sand.u32 $0x1, s1  }
0x8c: {  	s17 =	sshll.u32 s0, $0xA;
	s2 =	sadd.s32 s3, s2  }
0x8d: {  	s2 =	sadd.s32 s2, s17  }
0x8e: {  	[smem:$0x3FC0] =	sst s2  }
0x8f: {  	_ = 	snop  }
0x90: {  	s2 =	sld [smem:$0x3FD0];
	(tm) =	ssettm $0x1  }
0x91: {  	s18 =	sld [smem:$0x3FFB];
	_ =	sdelay $0x3  }
0x92: {  	_ =	strace s18  }
0x93: {  	s3 =	sld [smem:$0x3FFC];
	_ =	sdelay $0x3  }
0x94: {  	_ =	strace s3  }
0x95: {  	s3 =	sld [smem:$0x3FFD];
	_ =	sdelay $0x3  }
0x96: {  	_ =	strace s3  }
0x97: {  	_ =	strace $0x8FFFFFFF  }
0x98: {  	s19 =	sld [smem:$0x3FDB];
	_ =	sdelay $0x1  }
0x99: {  	s4 =	simm.s32 $_scs_section_size  }
0x9a: {  	s5 =	simm.s32 $_size__tile_overlayer_lowered;
	s6 =	simm.s32 $_tile_overlayer_lowered  }
0x9b: {  	s22 =	simm.s32 $0x1BFF;
	s21 =	sshll.u32 s6, $0x1;
	s3 =	sadd.s32 s4, s19  }
0x9c: {  	s7 =	simm.s32 $0x0;
	s20 =	sshll.u32 s5, $0x1;
	s5 =	sadd.s32 s21, s3  }
0x9d: {  	[timem:s7], [sflag:s22] =	dma.local [hbm:s5], s20  }
0x9e: {  	_ =	swait.ge [sflag:s22], s20  }
0x9f: {  	s4 =	ssub.s32 $0x0, s20;
	[sflag:s22] =	ssyncset.done $0x0  }
0xa0: {  	[sflag:s22] =	ssyncadd.s32 s4;
	_ =	sdelay $0x1  }
0xa1: {  	s23 =	simm.s32 $0x1B8B  }
0xa2: {  	_ =	swait.ge [sflag:s23], $0x1  }
0xa3: {  	[sflag:s23] =	ssyncset.done $0x0  }
0xa4: {  	s25 =	simm.s32 $0x1B8E;
	s24 =	sld [smem:$0x3FFE];
	[sflag:s23] =	ssyncadd.s32 $0xFFFFFFFF  }
0xa5: {  	s26 =	simm.s32 $execute0_lowered;
	[smem:$0x3FD2] =	sst s25  }
0xa6: {  	s5 =	sshll.u32 s26, $0x1;
	_ =	strace $0x80000046;
	[dreg:$0x1] =	wrdreg $0xFFFFFFFF  }
0xa7: {  	s28 =	simm.s32 $_size_execute0_lowered;
	s3 =	sadd.s32 s3, s5;
	[dreg:$0x0] =	wrdreg $0x0  }
0xa8: {  	s5 =	sshll.u32 s28, $0x1;
	[dreg:$0x2] =	wrdreg s3  }
0xa9: {  	[dreg:$0x3] =	wrdreg s5  }
0xaa: {  	[dreg:$0x4] =	wrdreg $0xC0  }
0xab: {  	_ =	task [dreg:s7], $0x5FFFF  }
0xac: {  	[dreg:$0x1] =	wrdreg $0xFFFFFFFF  }
0xad: {  	[dreg:$0x0] =	wrdreg $0x60  }
0xae: {  	[dreg:$0x2] =	wrdreg s24  }
0xaf: {  	[dreg:$0x3] =	wrdreg s2  }
0xb0: {  	[dreg:$0x4] =	wrdreg $0x2FD00  }
0xb1: {  	[dreg:$0x5] =	wrdreg $0x9  }
0xb2: {  	_ =	task.clear_ibuf [dreg:s7], $0x6FFFF;
	_ =	strace $0x90000046  }
0xb3: {  	s29 =	simm.s32 $0x9;
	_ =	strace $0x80000048  }
0xb4: {  	_ =	swait.ge [sflag:s29], $0x1  }
0xb5: {  	[sflag:s29] =	ssyncadd.s32 $0xFFFFFFFF  }
0xb6: {  	_ =	strace $0x90000048  }
0xb7: {  	_ =	sfence  }
0xb8: {  	s30 =	sld [smem:$0x0];
	_ =	sdelay $0x2  }
0xb9: {  	s31 =	sshll.u32 s1, $0xD;
	s1 =	sshrl.u32 s1, $0x2  }
0xba: {  	s3 =	sand.u32 $0x4000, s31;
	s1 =	sadd.s32 s1, s30  }
0xbb: {  	s0 =	sor.u32 s3, s0;
	s1 =	sshll.u32 s1, $0x11  }
0xbc: {  	s0 =	sor.u32 s1, s0  }
0xbd: {  	s0 =	sadd.s32 $0x8F2B, s0  }
0xbe: {  	[sflag:s0] =	ssyncadd.remote.s32 $0x1  }
0xbf: {  	_ =	sfence.sel $0xFFFF  }
0xc0: {  	[dreg:$0x0] =	wrdreg $0xFFFFFFFF;
	(pc) =	sbr.abs _section_cstart, $3  }
0xc1: {  	[dreg:$0x1] =	wrdreg $0xFFFFFFFF  }
0xc2: {  	_ =	task.clear_ibuf [dreg:s7], $0x2FFFF;
	_ =	strace $0x9FFFFFFF  }
0xc3: {  	(tm) =	ssettm $0x7FFFFFFF  }
tec
execute0_lowered:
.L_overlay_start_1:
0x0: {  	(tag) =	ssettag $0x1  }
0x1: {  	s7 =	rddreg [dreg:$0x0]  }
0x2: {  	s8 =	rddreg [dreg:$0x1]  }
0x3: {  	s1 =	rddreg [dreg:$0x2]  }
0x4: {  	s0 =	rddreg [dreg:$0x3]  }
0x5: {  	s2 =	simm.s32 $0x0;
	s9 =	stileid.u32;
	s3 =	srdreg.scid  }
0x6: {  	[smem:$0x7FF] =	sst s2;
	s4 =	smul.u32 $0x2700, s9;
	s6 =	sand.u32 $0x1, s3  }
0x7: {  	s3 =	sadd.s32 $0x16C00, s7;
	s31 =	sshll.u32 s9, $0x6;
	s16 =	sadd.s32 $0xCC00, s7  }
0x8: {  	p0 =	sne.s32 s9, $0x0;
	_ =	strace $0x80000047;
	s5 =	ssub.s32 $0x2, s6  }
0x9: {  	s11 =	sshll.u32 s6, $0x4;
	s15 =	smul.u32 $0x4E20, s6;
	s6 =	sadd.s32 $0x1BC00, s7  }
0xa: {  	s14 =	sshrl.u32 s4, $0x3;
	s10 =	sshrl.u32 s5, $0x1;
	s11 =	sor.u32 s9, s11  }
0xb: {  	s13 =	sadd.s32 s4, s1;
	s9 =	simm.s32 $0x1;
	s12 =	sadd.s32 s14, s7  }
0xc: {  	s10 =	ssub.s32 s5, s10;
	s5 =	sor.u32 $0x1C01, s31;
	s11 =	smul.u32 $0x500, s11  }
0xd: {  	s15 =	sadd.s32 s8, s15;
	s8 =	sshrl.u32 s13, $0x3;
	s13 =	simm.s32 $0x7D  }
0xe: {  	s4 =	sadd.s32 $0x16E00, s12;
	s12 =	sadd.s32 $0x27000, s1;
	s7 =	smax.u32 s10, $0x1  }
0xf: {  	s14 =	sadd.s32 s14, s15;
	s15 =	sadd.s32 @!p0 $0x4E00, s15;
	s10 =	sshrl.u32 @!p0 s12, $0x3  }
0x10: {  	s11 =	sadd.s32 s11, s16;
	s12 =	simm.s32 $0x2800;
	s16 =	simm.s32 $0x0  }
.LBB2_1:
0x11: {  	[spmem:s8], [sflag:s5] =	dma.local [hbm:s4], $0x4E0  }
0x12: {  	_ =	swait.ge [sflag:s9], $0x4E0  }
0x13: {  	[sflag:s9] =	ssyncset.done $0x0  }
0x14: {  	s17 =	simm.s32 @!p0 $0x1;
	[sflag:s9] =	ssyncadd.s32 $0xFFFFFB20  }
0x15: {  	[spmem:s10], [sflag:s5] =	dma.local @!p0 [hbm:s6], $0x20  }
0x16: {  	_ =	swait.ge @!p0 [sflag:s17], $0x20  }
0x17: {  	[sflag:s17] =	ssyncset.done @!p0 $0x0  }
0x18: {  	[sflag:s17] =	ssyncadd.s32 @!p0 $0xFFFFFFE0  }
0x19: {  	[tilespmem:s2], [sflag:$0x1] =	stream.linear.gather [hbm4b:s11+s2], $0x2800, $0x38;
	[tilespmem:$0x56E0] =	vst v63  }
0x1a: {  	_ =	swait.ge [sflag:s9], $0x2800  }
0x1b: {  	[sflag:s9] =	ssyncset.done $0x0  }
0x1c: {  	[sflag:s9] =	ssyncadd.s32 $0xFFFFD800  }
0x1d: {  	[tilespmem:s12], [sflag:$0x1] =	stream.linear.gather [hbm4b:s3+s2], $0x7D0, $0x38;
	[tilespmem:$0x56E0] =	vst v63  }
0x1e: {  	_ =	swait.ge [sflag:s9], $0x7D0  }
0x1f: {  	[sflag:s9] =	ssyncset.done $0x0  }
0x20: {  	[sflag:s9] =	ssyncadd.s32 $0xFFFFF830  }
0x21: {  	s31 =	simm.s32 $0x0;
	[bflag:$0x0] =	sbarrier.arrive $0xFFFF  }
0x22: {  	[spmem:s1] =	stream.indirect.scatter.add.f32 [tilespmem:s12], [sflag:$0x1], $0x10, s31, s13, $0xb8;
	[tilespmem:$0x56E0] =	vst v63  }
0x23: {  	_ =	swait.ge [sflag:s9], $0x7D0  }
0x24: {  	s17 =	simm.s32 $0x200;
	[sflag:s9] =	ssyncset.done $0x0  }
.LBB2_2:
0x25: {  	s18 =	sshra.s32 s17, $0x2;
	[sflag:s9] =	ssyncadd.s32 $0xFFFFF830;
	p1 =	sne.s32 s17, $0x9E00  }
0x26: {  	[spmem:s1] =	stream.indirect.scatter.add.f32 [tilespmem:s12], [sflag:$0x1], $0x10, s18, s13, $0xb8;
	[tilespmem:$0x56E0] =	vst v63  }
.Ltmp0:
0x27: {  	_ = 	snop;
	(pc) =	sbr.rel @p1 .LBB2_2-.Ltmp0, $4  }
0x28: {  	_ = 	snop  }
0x29: {  	s17 =	sadd.s32 $0x200, s17  }
0x2a: {  	_ =	swait.ge [sflag:s9], $0x7D0  }
0x2b: {  	[sflag:s9] =	ssyncset.done $0x0  }
0x2c: {  	[sflag:s9] =	ssyncadd.s32 $0xFFFFF830  }
0x2d: {  	[bflag:$0x0] =	sbarrier.arrive $0xFFFF  }
0x2e: {  	[hbm:s14], [sflag:s5] =	dma.local [spmem:s8], $0x4E0  }
0x2f: {  	s16 =	sadd.s32 $0x1, s16;
	_ =	swait.ge [sflag:s9], $0x4E0  }
0x30: {  	p1 =	sne.s32 s16, s7;
	[sflag:s9] =	ssyncset.done $0x0  }
.Ltmp1:
0x31: {  	s17 =	simm.s32 @!p0 $0x1;
	[sflag:s9] =	ssyncadd.s32 $0xFFFFFB20;
	(pc) =	sbr.rel @p1 .LBB2_1-.Ltmp1, $4  }
0x32: {  	[hbm:s15], [sflag:s5] =	dma.local @!p0 [spmem:s10], $0x20  }
0x33: {  	_ =	swait.ge @!p0 [sflag:s17], $0x20  }
0x34: {  	[sflag:s17] =	ssyncset.done @!p0 $0x0  }
0x35: {  	[sflag:s17] =	ssyncadd.s32 @!p0 $0xFFFFFFE0  }
0x36: {  	_ =	sfence.sel $0x180000  }
0x37: {  	[bflag:$0x0] =	sbarrier.arrive $0xFFFF  }
0x38: {  	_ =	strace $0x90000047  }
0x39: {  	s0 =	sadd.s32 @!p0 $0x100000, s0;
	[bflag:$0x2] =	sbarrier.arrive $0xFFFF  }
0x3a: {  	[sflag:s0] =	ssyncadd.tile.s32 @!p0 $0x1;
	_ =	shalt  }
.Lfunc_end2:
_tile_overlayer_lowered:
.L_overlay_start_2:
0x3b: {  	(tag) =	ssettag $0x2  }
0x3c: {  	s0 =	rddreg [dreg:$0x0];
	s2 =	stileid.u32  }
0x3d: {  	s1 =	rddreg [dreg:$0x1];
	p0 =	sne.s32 s2, $0x0  }
0x3e: {  	s3 =	rddreg [dreg:$0x2];
	[bflag:$0x3] =	sbarrier.arrive $0xFFFF;
	s2 =	simm.s32 @!p0 $0x1C01  }
0x3f: {  	[timem:s3], [sflag:s2] =	dma.local @!p0 [hbm:s0], s1  }
0x40: {  	s0 =	simm.s32 @!p0 $0x1  }
0x41: {  	_ =	swait.ge @!p0 [sflag:s0], s1  }
0x42: {  	s1 =	ssub.s32 @!p0 $0x0, s1;
	[sflag:s0] =	ssyncset.done @!p0 $0x0  }
0x43: {  	[sflag:s0] =	ssyncadd.s32 @!p0 s1  }
0x44: {  	[bflag:$0x3] =	sbarrier.arrive $0xFFFF  }
0x45: {  	_ =	shalt  }

</sc_bundles>
